<compile_context>
chip_gen: v7x
topology: tpu7x:2x2x1
jax: 0.10.2.dev20260603
libtpu: 0.0.44.dev20260713+nightly
codegen_flags: <defaults>
</compile_context>

<pallas_src>
import functools
import math

import jax
import jax.numpy as jnp
from jax import lax
from jax.experimental import pallas as pl
from jax.experimental.pallas import tpu as pltpu
from jax.experimental.pallas import tpu_sc as plsc

N, E, D, B, R, VT = 10000, 320000, 128, 16, 10000, 3
BLK = 2000
GRID = N // BLK
INV_SQRT_D = 1.0 / math.sqrt(float(D))

NUM_WORKERS = 32
EDGES_PER_WORKER = E // NUM_WORKERS
CHUNK = 80
STAGE = 2000
NSTAGE = EDGES_PER_WORKER // STAGE
CHUNKS_PER_STAGE = STAGE // CHUNK
NPAD = 10112
ROWS_PER_TILE = NPAD // 16


def _tc1_body(batch_ref, ent_ref, rel_ref, q_ref, w1_ref, w2_ref, w3_ref,
              wm_ref, inj_e_ref, y1_ref, y2_ref):
    bcol = batch_ref[...]
    onehot = (bcol == lax.broadcasted_iota(jnp.int32, (BLK, B), 1)
              ).astype(jnp.float32)
    q = jnp.dot(onehot, q_ref[...], preferred_element_type=jnp.float32)
    ent = ent_ref[...]
    pre = (jnp.dot(ent, w1_ref[...], preferred_element_type=jnp.float32)
           + jnp.dot(q, w2_ref[...], preferred_element_type=jnp.float32))
    inj_e = ent + jnp.maximum(pre, 0.0)
    inj_e_ref[...] = inj_e
    y1_ref[...] = jnp.dot(inj_e, wm_ref[...], preferred_element_type=jnp.float32)
    rel = rel_ref[...]
    inj_r = rel + jnp.maximum(
        jnp.dot(rel, w3_ref[...], preferred_element_type=jnp.float32), 0.0)
    y2_ref[...] = jnp.dot(inj_r, wm_ref[...], preferred_element_type=jnp.float32)


def _sc_edge_body(y1_hbm, y2_hbm, src_hbm, rel_hbm, dst_hbm, out_hbm,
                  acc, src_all, rel_all, dst_all, dst_v,
                  ra0, rb0, ra1, rb1, sa0, sb0, sa1, sb1):
    c = lax.axis_index("c")
    s = lax.axis_index("s")
    w = s * 2 + c
    def _zrow(i, carry):
        for j in range(D // 16):
            ra0[i, pl.ds(j * 16, 16)] = jnp.zeros((16,), jnp.float32)
        return carry
    lax.fori_loop(0, CHUNK, _zrow, 0)
    row0 = s * ROWS_PER_TILE
    _nz = ROWS_PER_TILE // CHUNK
    for k in range(_nz):
        pltpu.sync_copy(ra0, acc.at[pl.ds(row0 + k * CHUNK, CHUNK)])
    pltpu.sync_copy(ra0.at[pl.ds(0, ROWS_PER_TILE - _nz * CHUNK)],
                    acc.at[pl.ds(row0 + _nz * CHUNK,
                                 ROWS_PER_TILE - _nz * CHUNK)])
    plsc.subcore_barrier()
    base = w * EDGES_PER_WORKER

    def _issue(lo, ra, rb, sa, sb):
        pltpu.async_copy(y1_hbm.at[src_all.at[pl.ds(lo, CHUNK)]], ra, sa)
        pltpu.async_copy(y2_hbm.at[rel_all.at[pl.ds(lo, CHUNK)]], rb, sb)

    def _wait(ra, rb, sa, sb):
        pltpu.make_async_copy(y1_hbm.at[pl.ds(0, CHUNK)], ra, sa).wait()
        pltpu.make_async_copy(y1_hbm.at[pl.ds(0, CHUNK)], rb, sb).wait()

    def _process(lo, ra, rb):
        def _erow(k, carry2):
            for r in range(2):
                kk = k * 2 + r
                for j in range(D // 16):
                    sl = pl.ds(j * 16, 16)
                    ra[kk, sl] = jnp.maximum(ra[kk, sl] + rb[kk, sl], 0.0)
            return carry2
        lax.fori_loop(0, CHUNK // 2, _erow, 0)
        for j in range(CHUNK // 16):
            dst_v[pl.ds(j * 16, 16)] = dst_all[pl.ds(lo + j * 16, 16)]
        pltpu.sync_copy(ra, acc.at[dst_v], add=True)

    def _stage(g, carry0):
        sbase = base + g * STAGE
        i0 = pltpu.async_copy(src_hbm.at[pl.ds(sbase, STAGE)], src_all, sa0)
        i1 = pltpu.async_copy(rel_hbm.at[pl.ds(sbase, STAGE)], rel_all, sb0)
        i2 = pltpu.async_copy(dst_hbm.at[pl.ds(sbase, STAGE)], dst_all, sa1)
        i0.wait()
        i1.wait()
        i2.wait()
        _issue(0, ra0, rb0, sa0, sb0)

        def _pair(i2, carry):
            c0 = 2 * i2 * CHUNK
            _issue(c0 + CHUNK, ra1, rb1, sa1, sb1)
            _wait(ra0, rb0, sa0, sb0)
            _process(c0, ra0, rb0)
            _issue(c0 + 2 * CHUNK, ra0, rb0, sa0, sb0)
            _wait(ra1, rb1, sa1, sb1)
            _process(c0 + CHUNK, ra1, rb1)
            return carry
        lax.fori_loop(0, (CHUNKS_PER_STAGE - 1) // 2, _pair, 0)
        _wait(ra0, rb0, sa0, sb0)
        _process((CHUNKS_PER_STAGE - 1) * CHUNK, ra0, rb0)
        return carry0
    lax.fori_loop(0, NSTAGE, _stage, 0)
    plsc.subcore_barrier()
    pltpu.sync_copy(acc.at[pl.ds(row0, ROWS_PER_TILE)],
                    out_hbm.at[c, pl.ds(row0, ROWS_PER_TILE)])


@functools.cache
def _get_sc_edge():
    return pl.kernel(
        _sc_edge_body,
        out_type=jax.ShapeDtypeStruct((2, NPAD, D), jnp.float32),
        mesh=plsc.VectorSubcoreMesh(core_axis_name="c", subcore_axis_name="s"),
        scratch_types=[
            pltpu.VMEM_SHARED((NPAD, D), jnp.float32),
            pltpu.VMEM((STAGE,), jnp.int32),
            pltpu.VMEM((STAGE,), jnp.int32),
            pltpu.VMEM((STAGE,), jnp.int32),
            pltpu.VMEM((CHUNK,), jnp.int32),
            pltpu.VMEM((CHUNK, D), jnp.float32),
            pltpu.VMEM((CHUNK, D), jnp.float32),
            pltpu.VMEM((CHUNK, D), jnp.float32),
            pltpu.VMEM((CHUNK, D), jnp.float32),
        ] + [pltpu.SemaphoreType.DMA] * 4,
    )


def _tc2_body(batch_ref, inj_e_ref, agg_ref, wout_ref, g_ref, bln_ref,
              vtt_ref, pw_ref, pb_ref, outvt_ref, outn_ref,
              numer_ref, denom_ref):
    i = pl.program_id(0)

    @pl.when(i == 0)
    def _init():
        numer_ref[...] = jnp.zeros((VT, B, D), jnp.float32)
        denom_ref[...] = jnp.zeros((B, VT), jnp.float32)

    bcol = batch_ref[...]
    onehot = (bcol == lax.broadcasted_iota(jnp.int32, (BLK, B), 1)
              ).astype(jnp.float32)
    agg = agg_ref[0] + agg_ref[1]
    h = jnp.maximum(
        jnp.dot(agg, wout_ref[...], preferred_element_type=jnp.float32), 0.0)
    x = inj_e_ref[...] + h
    mu = jnp.mean(x, axis=1, keepdims=True)
    xc = x - mu
    var = jnp.mean(xc * xc, axis=1, keepdims=True)
    emb = xc * lax.rsqrt(var + 1e-5) * g_ref[...] + bln_ref[...]
    scores = jnp.dot(emb, vtt_ref[...],
                     preferred_element_type=jnp.float32) * INV_SQRT_D
    ex = jnp.exp(scores)
    denom_ref[...] += lax.dot_general(
        onehot, ex, (((0,), (0,)), ((), ())),
        preferred_element_type=jnp.float32)
    for t in range(VT):
        wt = onehot * ex[:, t:t + 1]
        numer_ref[t] += lax.dot_general(
            wt, emb, (((0,), (0,)), ((), ())),
            preferred_element_type=jnp.float32)

    @pl.when(i == GRID - 1)
    def _final():
        dall = denom_ref[...]
        total = jnp.zeros((B, 1), jnp.float32)
        for t in range(VT):
            dv = dall[:, t:t + 1]
            safe = jnp.where(dv > 0.0, dv, 1.0)
            ov = jnp.where(dv > 0.0, numer_ref[t] / safe, 0.0)
            outvt_ref[:, t, :] = ov
            total = total + jnp.sum(ov * pw_ref[t:t + 1, :], axis=1,
                                    keepdims=True)
        outn_ref[...] = jnp.maximum(total + pb_ref[...], 0.0)


def kernel(queries, entities, relations, x_coo, batch, inj_W1, inj_W2,
           inj_W3, enc_Wmsg, enc_Wout, enc_Wrel, ln_g, ln_b, vt_tokens,
           pred_W, pred_b):
    del enc_Wrel
    batch2 = batch.astype(jnp.int32).reshape(N, 1)
    src = x_coo[:, 0].astype(jnp.int32)
    rel = x_coo[:, 1].astype(jnp.int32)
    dst = x_coo[:, 2].astype(jnp.int32)

    full = lambda shape: pl.BlockSpec(shape, lambda i: (0,) * len(shape))
    inj_e, y1, y2 = pl.pallas_call(
        _tc1_body,
        grid=(GRID,),
        in_specs=[
            pl.BlockSpec((BLK, 1), lambda i: (i, 0)),
            pl.BlockSpec((BLK, D), lambda i: (i, 0)),
            pl.BlockSpec((BLK, D), lambda i: (i, 0)),
            full((B, D)), full((D, D)), full((D, D)), full((D, D)),
            full((D, D)),
        ],
        out_specs=[pl.BlockSpec((BLK, D), lambda i: (i, 0))] * 3,
        out_shape=[jax.ShapeDtypeStruct((N, D), jnp.float32)] * 3,
    )(batch2, entities, relations, queries, inj_W1, inj_W2, inj_W3, enc_Wmsg)

    aggpair = _get_sc_edge()(y1, y2, src, rel, dst)

    out_vt, out_n = pl.pallas_call(
        _tc2_body,
        grid=(GRID,),
        in_specs=[
            pl.BlockSpec((BLK, 1), lambda i: (i, 0)),
            pl.BlockSpec((BLK, D), lambda i: (i, 0)),
            pl.BlockSpec((2, BLK, D), lambda i: (0, i, 0)),
            full((D, D)), full((1, D)), full((1, D)), full((D, VT)),
            full((VT, D)), full((1, 1)),
        ],
        out_specs=[
            pl.BlockSpec((B, VT, D), lambda i: (0, 0, 0)),
            pl.BlockSpec((B, 1), lambda i: (0, 0)),
        ],
        out_shape=[
            jax.ShapeDtypeStruct((B, VT, D), jnp.float32),
            jax.ShapeDtypeStruct((B, 1), jnp.float32),
        ],
        scratch_shapes=[
            pltpu.VMEM((VT, B, D), jnp.float32),
            pltpu.VMEM((B, VT), jnp.float32),
        ],
    )(batch2, inj_e, aggpair, enc_Wout, ln_g.reshape(1, D),
      ln_b.reshape(1, D), vt_tokens.T, pred_W.reshape(VT, D),
      pred_b.reshape(1, 1))
    return out_vt, out_n

# --- scband reference (transcript-rebuilt; emitter-appended) ---
"""Pipeline reference for scband-virtual-token-generator-37245956391047 (READ-ONLY COPY).

The authoritative reference and input builder live on the scoring server;
editing this copy changes nothing except your own understanding.
"""

import jax, jax.numpy as jnp
import numpy as np

N, E, D, B, R, VT = 10000, 320000, 128, 16, 10000, 3


def setup_inputs(seed: int = 0):
    key = jax.random.key(seed)
    ks = jax.random.split(key, 16)
    s = 0.02
    inp = {}
    inp['queries'] = jax.random.normal(ks[0], (B, D), dtype=jnp.float32)
    inp['entities'] = jax.random.normal(ks[1], (N, D), dtype=jnp.float32)
    inp['relations'] = jax.random.normal(ks[2], (R, D), dtype=jnp.float32)
    inp['x_coo'] = jax.random.randint(ks[3], (E, 3), 0, N)
    inp['batch'] = jnp.sort(jax.random.randint(ks[4], (N,), 0, B))
    inp['inj_W1'] = jax.random.normal(ks[5], (D, D), dtype=jnp.float32) * s
    inp['inj_W2'] = jax.random.normal(ks[6], (D, D), dtype=jnp.float32) * s
    inp['inj_W3'] = jax.random.normal(ks[7], (D, D), dtype=jnp.float32) * s
    inp['enc_Wmsg'] = jax.random.normal(ks[8], (D, D), dtype=jnp.float32) * s
    inp['enc_Wout'] = jax.random.normal(ks[9], (D, D), dtype=jnp.float32) * s
    inp['enc_Wrel'] = jax.random.normal(ks[10], (D, D), dtype=jnp.float32) * s
    inp['ln_g'] = jnp.ones((D,), jnp.float32)
    inp['ln_b'] = jnp.zeros((D,), jnp.float32)
    inp['vt_tokens'] = jax.random.normal(ks[11], (VT, D), dtype=jnp.float32) * s
    inp['pred_W'] = jax.random.normal(ks[12], (VT * D, 1), dtype=jnp.float32) * s
    inp['pred_b'] = jnp.zeros((1,), jnp.float32)
    return inp


def _layernorm(x, g, b):
    mu = x.mean(-1, keepdims=True)
    var = x.var(-1, keepdims=True)
    return (x - mu) / jnp.sqrt(var + 1e-5) * g + b


def _forward(queries, entities, relations, inj_W1, inj_W2, inj_W3, enc_Wmsg, enc_Wout, enc_Wrel, ln_g, ln_b, vt_tokens, pred_W, pred_b, x_coo, batch):
    # edge_index = x_coo[:, [0, 2]].T ; relation_index = x_coo[:, 1]
    src = x_coo[:, 0]
    rel_idx = x_coo[:, 1]
    dst = x_coo[:, 2]
    # Injector: inject per-graph query into entity/relation embeddings (gather queries by batch id)
    q_per_node = queries[batch]
    inj_e = entities + jax.nn.relu(entities @ inj_W1 + q_per_node @ inj_W2)
    inj_r = relations + jax.nn.relu(relations @ inj_W3)
    # GraphEncoder: one relational message-passing layer (gather src/rel, scatter-add to dst)
    msg = jax.nn.relu((inj_e[src] + inj_r[rel_idx]) @ enc_Wmsg)
    agg = jax.ops.segment_sum(msg, dst, num_segments=N)
    entities_emb = _layernorm(inj_e + jax.nn.relu(agg @ enc_Wout), ln_g, ln_b)
    relations_emb = inj_r + jax.nn.relu(inj_r @ enc_Wrel)
    # VirtualToken: learned tokens attend over nodes within each graph (segment softmax)
    scores = entities_emb @ vt_tokens.T / jnp.sqrt(jnp.float32(D))
    smax = jax.ops.segment_max(scores, batch, num_segments=B)
    ex = jnp.exp(scores - smax[batch])
    denom = jax.ops.segment_sum(ex, batch, num_segments=B)
    attn = ex / denom[batch]
    out_vt = jax.ops.segment_sum(attn[:, :, None] * entities_emb[:, None, :], batch, num_segments=B)
    out_n_object = jax.nn.relu(out_vt.reshape(B, VT * D) @ pred_W + pred_b)
    return out_vt, out_n_object


def reference(queries, entities, relations, x_coo, batch, inj_W1, inj_W2, inj_W3, enc_Wmsg, enc_Wout, enc_Wrel, ln_g, ln_b, vt_tokens, pred_W, pred_b):
    return _forward(queries, entities, relations, inj_W1, inj_W2, inj_W3, enc_Wmsg, enc_Wout, enc_Wrel, ln_g, ln_b, vt_tokens, pred_W, pred_b, x_coo, batch)

if __name__ == "__main__":
    import jax
    _d = setup_inputs()
    print(jax.jit(kernel)(*tuple(_d.values())))

</pallas_src>

<mosaic_0001>
#map = affine_map<(d0, d1) -> (0, 0)>
#map1 = affine_map<(d0, d1) -> (0)>
#map2 = affine_map<(d0, d1) -> (0, 0, 0)>
module attributes {stable_mosaic.version = 14 : i64} {
  func.func @_sc_edge_body(%arg0: i32, %arg1: i32, %arg2: memref<10000x128xf32, #tpu.memory_space<hbm>>, %arg3: memref<10000x128xf32, #tpu.memory_space<hbm>>, %arg4: memref<320000xi32, #tpu.memory_space<hbm>>, %arg5: memref<320000xi32, #tpu.memory_space<hbm>>, %arg6: memref<320000xi32, #tpu.memory_space<hbm>>, %arg7: memref<2x10112x128xf32, #tpu.memory_space<hbm>>, %arg8: memref<10112x128xf32, #tpu.memory_space<vmem_shared>>, %arg9: memref<2000xi32, #tpu.memory_space<vmem>>, %arg10: memref<2000xi32, #tpu.memory_space<vmem>>, %arg11: memref<2000xi32, #tpu.memory_space<vmem>>, %arg12: memref<80xi32, #tpu.memory_space<vmem>>, %arg13: memref<80x128xf32, #tpu.memory_space<vmem>>, %arg14: memref<80x128xf32, #tpu.memory_space<vmem>>, %arg15: memref<80x128xf32, #tpu.memory_space<vmem>>, %arg16: memref<80x128xf32, #tpu.memory_space<vmem>>, %arg17: memref<!tpu.dma_semaphore, #tpu.memory_space<semaphore_mem>>, %arg18: memref<!tpu.dma_semaphore, #tpu.memory_space<semaphore_mem>>, %arg19: memref<!tpu.dma_semaphore, #tpu.memory_space<semaphore_mem>>, %arg20: memref<!tpu.dma_semaphore, #tpu.memory_space<semaphore_mem>>) attributes {dimension_semantics = [#tpu.dimension_semantics<core_parallel>, #tpu.dimension_semantics<subcore_parallel>], iteration_bounds = array<i64: 2, 16>, scalar_prefetch = 0 : i64, scratch_operands = 13 : i64, tpu.core_type = #tpu.core_type<sc_vector_subcore>, window_params = [{transform_indices = #map}, {transform_indices = #map}, {transform_indices = #map1}, {transform_indices = #map1}, {transform_indices = #map1}, {transform_indices = #map2}]} {
    %mul3A = arith.constant 2 : i32
    %mul3A_0 = arith.muli %arg1, %mul3A : i32
    %add3A = arith.addi %mul3A_0, %arg0 : i32
    %scan3A = arith.constant 0 : i32
    %scan3A_1 = arith.constant 0 : i32
    %scan3A_2 = arith.constant 80 : i32
    %scan3A_3 = arith.addi %scan3A_1, %scan3A_2 : i32
    %scan3A_4 = arith.constant 1 : i32
    scf.for %scan3A_33 = %scan3A_1 to %scan3A_3 step %scan3A_4  : i32 {
      %broadcast_in_dim3A = arith.constant 0.000000e+00 : f32
      %broadcast_in_dim3A_34 = vector.broadcast %broadcast_in_dim3A : f32 to vector<16xf32>
      %swap3A = arith.index_cast %scan3A_33 : i32 to index
      %swap3A_35 = arith.constant 0 : index
      %swap3A_36 = tpu.vector_load %arg13[%swap3A, %swap3A_35] {strides = array<i32>} : memref<80x128xf32, #tpu.memory_space<vmem>>, vector<1x16xf32>,
      %swap3A_37 = vector.shape_cast %swap3A_36 : vector<1x16xf32> to vector<16xf32>
      %swap3A_38 = vector.shape_cast %broadcast_in_dim3A_34 : vector<16xf32> to vector<1x16xf32>
      tpu.vector_store %arg13[%swap3A, %swap3A_35], %swap3A_38 {strides = array<i32>} : memref<80x128xf32, #tpu.memory_space<vmem>>, vector<1x16xf32>,
      %broadcast_in_dim3A_39 = arith.constant 0.000000e+00 : f32
      %broadcast_in_dim3A_40 = vector.broadcast %broadcast_in_dim3A_39 : f32 to vector<16xf32>
      %swap3A_41 = arith.index_cast %scan3A_33 : i32 to index
      %swap3A_42 = arith.constant 16 : index
      %swap3A_43 = tpu.vector_load %arg13[%swap3A_41, %swap3A_42] {strides = array<i32>} : memref<80x128xf32, #tpu.memory_space<vmem>>, vector<1x16xf32>,
      %swap3A_44 = vector.shape_cast %swap3A_43 : vector<1x16xf32> to vector<16xf32>
      %swap3A_45 = vector.shape_cast %broadcast_in_dim3A_40 : vector<16xf32> to vector<1x16xf32>
      tpu.vector_store %arg13[%swap3A_41, %swap3A_42], %swap3A_45 {strides = array<i32>} : memref<80x128xf32, #tpu.memory_space<vmem>>, vector<1x16xf32>,
      %broadcast_in_dim3A_46 = arith.constant 0.000000e+00 : f32
      %broadcast_in_dim3A_47 = vector.broadcast %broadcast_in_dim3A_46 : f32 to vector<16xf32>
      %swap3A_48 = arith.index_cast %scan3A_33 : i32 to index
      %swap3A_49 = arith.constant 32 : index
      %swap3A_50 = tpu.vector_load %arg13[%swap3A_48, %swap3A_49] {strides = array<i32>} : memref<80x128xf32, #tpu.memory_space<vmem>>, vector<1x16xf32>,
      %swap3A_51 = vector.shape_cast %swap3A_50 : vector<1x16xf32> to vector<16xf32>
      %swap3A_52 = vector.shape_cast %broadcast_in_dim3A_47 : vector<16xf32> to vector<1x16xf32>
      tpu.vector_store %arg13[%swap3A_48, %swap3A_49], %swap3A_52 {strides = array<i32>} : memref<80x128xf32, #tpu.memory_space<vmem>>, vector<1x16xf32>,
      %broadcast_in_dim3A_53 = arith.constant 0.000000e+00 : f32
      %broadcast_in_dim3A_54 = vector.broadcast %broadcast_in_dim3A_53 : f32 to vector<16xf32>
      %swap3A_55 = arith.index_cast %scan3A_33 : i32 to index
      %swap3A_56 = arith.constant 48 : index
      %swap3A_57 = tpu.vector_load %arg13[%swap3A_55, %swap3A_56] {strides = array<i32>} : memref<80x128xf32, #tpu.memory_space<vmem>>, vector<1x16xf32>,
      %swap3A_58 = vector.shape_cast %swap3A_57 : vector<1x16xf32> to vector<16xf32>
      %swap3A_59 = vector.shape_cast %broadcast_in_dim3A_54 : vector<16xf32> to vector<1x16xf32>
      tpu.vector_store %arg13[%swap3A_55, %swap3A_56], %swap3A_59 {strides = array<i32>} : memref<80x128xf32, #tpu.memory_space<vmem>>, vector<1x16xf32>,
      %broadcast_in_dim3A_60 = arith.constant 0.000000e+00 : f32
      %broadcast_in_dim3A_61 = vector.broadcast %broadcast_in_dim3A_60 : f32 to vector<16xf32>
      %swap3A_62 = arith.index_cast %scan3A_33 : i32 to index
      %swap3A_63 = arith.constant 64 : index
      %swap3A_64 = tpu.vector_load %arg13[%swap3A_62, %swap3A_63] {strides = array<i32>} : memref<80x128xf32, #tpu.memory_space<vmem>>, vector<1x16xf32>,
      %swap3A_65 = vector.shape_cast %swap3A_64 : vector<1x16xf32> to vector<16xf32>
      %swap3A_66 = vector.shape_cast %broadcast_in_dim3A_61 : vector<16xf32> to vector<1x16xf32>
      tpu.vector_store %arg13[%swap3A_62, %swap3A_63], %swap3A_66 {strides = array<i32>} : memref<80x128xf32, #tpu.memory_space<vmem>>, vector<1x16xf32>,
      %broadcast_in_dim3A_67 = arith.constant 0.000000e+00 : f32
      %broadcast_in_dim3A_68 = vector.broadcast %broadcast_in_dim3A_67 : f32 to vector<16xf32>
      %swap3A_69 = arith.index_cast %scan3A_33 : i32 to index
      %swap3A_70 = arith.constant 80 : index
      %swap3A_71 = tpu.vector_load %arg13[%swap3A_69, %swap3A_70] {strides = array<i32>} : memref<80x128xf32, #tpu.memory_space<vmem>>, vector<1x16xf32>,
      %swap3A_72 = vector.shape_cast %swap3A_71 : vector<1x16xf32> to vector<16xf32>
      %swap3A_73 = vector.shape_cast %broadcast_in_dim3A_68 : vector<16xf32> to vector<1x16xf32>
      tpu.vector_store %arg13[%swap3A_69, %swap3A_70], %swap3A_73 {strides = array<i32>} : memref<80x128xf32, #tpu.memory_space<vmem>>, vector<1x16xf32>,
      %broadcast_in_dim3A_74 = arith.constant 0.000000e+00 : f32
      %broadcast_in_dim3A_75 = vector.broadcast %broadcast_in_dim3A_74 : f32 to vector<16xf32>
      %swap3A_76 = arith.index_cast %scan3A_33 : i32 to index
      %swap3A_77 = arith.constant 96 : index
      %swap3A_78 = tpu.vector_load %arg13[%swap3A_76, %swap3A_77] {strides = array<i32>} : memref<80x128xf32, #tpu.memory_space<vmem>>, vector<1x16xf32>,
      %swap3A_79 = vector.shape_cast %swap3A_78 : vector<1x16xf32> to vector<16xf32>
      %swap3A_80 = vector.shape_cast %broadcast_in_dim3A_75 : vector<16xf32> to vector<1x16xf32>
      tpu.vector_store %arg13[%swap3A_76, %swap3A_77], %swap3A_80 {strides = array<i32>} : memref<80x128xf32, #tpu.memory_space<vmem>>, vector<1x16xf32>,
      %broadcast_in_dim3A_81 = arith.constant 0.000000e+00 : f32
      %broadcast_in_dim3A_82 = vector.broadcast %broadcast_in_dim3A_81 : f32 to vector<16xf32>
      %swap3A_83 = arith.index_cast %scan3A_33 : i32 to index
      %swap3A_84 = arith.constant 112 : index
      %swap3A_85 = tpu.vector_load %arg13[%swap3A_83, %swap3A_84] {strides = array<i32>} : memref<80x128xf32, #tpu.memory_space<vmem>>, vector<1x16xf32>,
      %swap3A_86 = vector.shape_cast %swap3A_85 : vector<1x16xf32> to vector<16xf32>
      %swap3A_87 = vector.shape_cast %broadcast_in_dim3A_82 : vector<16xf32> to vector<1x16xf32>
      tpu.vector_store %arg13[%swap3A_83, %swap3A_84], %swap3A_87 {strides = array<i32>} : memref<80x128xf32, #tpu.memory_space<vmem>>, vector<1x16xf32>,
    }
    %scan3A_5 = arith.constant 80 : i32
    %mul3A_6 = arith.constant 632 : i32
    %mul3A_7 = arith.muli %arg1, %mul3A_6 : i32
    %add3A_8 = arith.constant 0 : i32
    %add3A_9 = arith.addi %mul3A_7, %add3A_8 : i32
    "tpu.region"() ({
      %run_scoped3A = tpu.sem_alloc : memref<!tpu.dma_semaphore, #tpu.memory_space<semaphore_mem>>
      %dma_start3A = arith.constant 0 : i32
      %dma_start3A_33 = tpu.memref_slice %arg8[%add3A_9, %dma_start3A] : memref<10112x128xf32, #tpu.memory_space<vmem_shared>> -> memref<80x128xf32, #tpu.memory_space<vmem_shared>>
      %dma_start3A_34 = arith.constant 0 : i32
      %dma_start3A_35 = tpu.memref_slice %arg8[%add3A_9, %dma_start3A_34] : memref<10112x128xf32, #tpu.memory_space<vmem_shared>> -> memref<80x128xf32, #tpu.memory_space<vmem_shared>>
      tpu.enqueue_dma source(%arg13 : memref<80x128xf32, #tpu.memory_space<vmem>>) target(%dma_start3A_35 : memref<80x128xf32, #tpu.memory_space<vmem_shared>>) target_semaphore(%run_scoped3A : memref<!tpu.dma_semaphore, #tpu.memory_space<semaphore_mem>>)
      %dma_wait3A = arith.constant 0 : i32
      %dma_wait3A_36 = tpu.memref_slice %arg8[%add3A_9, %dma_wait3A] : memref<10112x128xf32, #tpu.memory_space<vmem_shared>> -> memref<80x128xf32, #tpu.memory_space<vmem_shared>>
      %dma_wait3A_37 = arith.constant 0 : i32
      %dma_wait3A_38 = tpu.memref_slice %arg8[%add3A_9, %dma_wait3A_37] : memref<10112x128xf32, #tpu.memory_space<vmem_shared>> -> memref<80x128xf32, #tpu.memory_space<vmem_shared>>
      tpu.wait_dma2 semaphore(%run_scoped3A : memref<!tpu.dma_semaphore, #tpu.memory_space<semaphore_mem>>) src(%arg13 : memref<80x128xf32, #tpu.memory_space<vmem>>) dst(%dma_wait3A_38 : memref<80x128xf32, #tpu.memory_space<vmem_shared>>)
      tpu.yield
    }) : () -> ()
    %add3A_10 = arith.constant 80 : i32
    %add3A_11 = arith.addi %mul3A_7, %add3A_10 : i32
    "tpu.region"() ({
      %run_scoped3A = tpu.sem_alloc : memref<!tpu.dma_semaphore, #tpu.memory_space<semaphore_mem>>
      %dma_start3A = arith.constant 0 : i32
      %dma_start3A_33 = tpu.memref_slice %arg8[%add3A_11, %dma_start3A] : memref<10112x128xf32, #tpu.memory_space<vmem_shared>> -> memref<80x128xf32, #tpu.memory_space<vmem_shared>>
      %dma_start3A_34 = arith.constant 0 : i32
      %dma_start3A_35 = tpu.memref_slice %arg8[%add3A_11, %dma_start3A_34] : memref<10112x128xf32, #tpu.memory_space<vmem_shared>> -> memref<80x128xf32, #tpu.memory_space<vmem_shared>>
      tpu.enqueue_dma source(%arg13 : memref<80x128xf32, #tpu.memory_space<vmem>>) target(%dma_start3A_35 : memref<80x128xf32, #tpu.memory_space<vmem_shared>>) target_semaphore(%run_scoped3A : memref<!tpu.dma_semaphore, #tpu.memory_space<semaphore_mem>>)
      %dma_wait3A = arith.constant 0 : i32
      %dma_wait3A_36 = tpu.memref_slice %arg8[%add3A_11, %dma_wait3A] : memref<10112x128xf32, #tpu.memory_space<vmem_shared>> -> memref<80x128xf32, #tpu.memory_space<vmem_shared>>
      %dma_wait3A_37 = arith.constant 0 : i32
      %dma_wait3A_38 = tpu.memref_slice %arg8[%add3A_11, %dma_wait3A_37] : memref<10112x128xf32, #tpu.memory_space<vmem_shared>> -> memref<80x128xf32, #tpu.memory_space<vmem_shared>>
      tpu.wait_dma2 semaphore(%run_scoped3A : memref<!tpu.dma_semaphore, #tpu.memory_space<semaphore_mem>>) src(%arg13 : memref<80x128xf32, #tpu.memory_space<vmem>>) dst(%dma_wait3A_38 : memref<80x128xf32, #tpu.memory_space<vmem_shared>>)
      tpu.yield
    }) : () -> ()
    %add3A_12 = arith.constant 160 : i32
    %add3A_13 = arith.addi %mul3A_7, %add3A_12 : i32
    "tpu.region"() ({
      %run_scoped3A = tpu.sem_alloc : memref<!tpu.dma_semaphore, #tpu.memory_space<semaphore_mem>>
      %dma_start3A = arith.constant 0 : i32
      %dma_start3A_33 = tpu.memref_slice %arg8[%add3A_13, %dma_start3A] : memref<10112x128xf32, #tpu.memory_space<vmem_shared>> -> memref<80x128xf32, #tpu.memory_space<vmem_shared>>
      %dma_start3A_34 = arith.constant 0 : i32
      %dma_start3A_35 = tpu.memref_slice %arg8[%add3A_13, %dma_start3A_34] : memref<10112x128xf32, #tpu.memory_space<vmem_shared>> -> memref<80x128xf32, #tpu.memory_space<vmem_shared>>
      tpu.enqueue_dma source(%arg13 : memref<80x128xf32, #tpu.memory_space<vmem>>) target(%dma_start3A_35 : memref<80x128xf32, #tpu.memory_space<vmem_shared>>) target_semaphore(%run_scoped3A : memref<!tpu.dma_semaphore, #tpu.memory_space<semaphore_mem>>)
      %dma_wait3A = arith.constant 0 : i32
      %dma_wait3A_36 = tpu.memref_slice %arg8[%add3A_13, %dma_wait3A] : memref<10112x128xf32, #tpu.memory_space<vmem_shared>> -> memref<80x128xf32, #tpu.memory_space<vmem_shared>>
      %dma_wait3A_37 = arith.constant 0 : i32
      %dma_wait3A_38 = tpu.memref_slice %arg8[%add3A_13, %dma_wait3A_37] : memref<10112x128xf32, #tpu.memory_space<vmem_shared>> -> memref<80x128xf32, #tpu.memory_space<vmem_shared>>
      tpu.wait_dma2 semaphore(%run_scoped3A : memref<!tpu.dma_semaphore, #tpu.memory_space<semaphore_mem>>) src(%arg13 : memref<80x128xf32, #tpu.memory_space<vmem>>) dst(%dma_wait3A_38 : memref<80x128xf32, #tpu.memory_space<vmem_shared>>)
      tpu.yield
    }) : () -> ()
    %add3A_14 = arith.constant 240 : i32
    %add3A_15 = arith.addi %mul3A_7, %add3A_14 : i32
    "tpu.region"() ({
      %run_scoped3A = tpu.sem_alloc : memref<!tpu.dma_semaphore, #tpu.memory_space<semaphore_mem>>
      %dma_start3A = arith.constant 0 : i32
      %dma_start3A_33 = tpu.memref_slice %arg8[%add3A_15, %dma_start3A] : memref<10112x128xf32, #tpu.memory_space<vmem_shared>> -> memref<80x128xf32, #tpu.memory_space<vmem_shared>>
      %dma_start3A_34 = arith.constant 0 : i32
      %dma_start3A_35 = tpu.memref_slice %arg8[%add3A_15, %dma_start3A_34] : memref<10112x128xf32, #tpu.memory_space<vmem_shared>> -> memref<80x128xf32, #tpu.memory_space<vmem_shared>>
      tpu.enqueue_dma source(%arg13 : memref<80x128xf32, #tpu.memory_space<vmem>>) target(%dma_start3A_35 : memref<80x128xf32, #tpu.memory_space<vmem_shared>>) target_semaphore(%run_scoped3A : memref<!tpu.dma_semaphore, #tpu.memory_space<semaphore_mem>>)
      %dma_wait3A = arith.constant 0 : i32
      %dma_wait3A_36 = tpu.memref_slice %arg8[%add3A_15, %dma_wait3A] : memref<10112x128xf32, #tpu.memory_space<vmem_shared>> -> memref<80x128xf32, #tpu.memory_space<vmem_shared>>
      %dma_wait3A_37 = arith.constant 0 : i32
      %dma_wait3A_38 = tpu.memref_slice %arg8[%add3A_15, %dma_wait3A_37] : memref<10112x128xf32, #tpu.memory_space<vmem_shared>> -> memref<80x128xf32, #tpu.memory_space<vmem_shared>>
      tpu.wait_dma2 semaphore(%run_scoped3A : memref<!tpu.dma_semaphore, #tpu.memory_space<semaphore_mem>>) src(%arg13 : memref<80x128xf32, #tpu.memory_space<vmem>>) dst(%dma_wait3A_38 : memref<80x128xf32, #tpu.memory_space<vmem_shared>>)
      tpu.yield
    }) : () -> ()
    %add3A_16 = arith.constant 320 : i32
    %add3A_17 = arith.addi %mul3A_7, %add3A_16 : i32
    "tpu.region"() ({
      %run_scoped3A = tpu.sem_alloc : memref<!tpu.dma_semaphore, #tpu.memory_space<semaphore_mem>>
      %dma_start3A = arith.constant 0 : i32
      %dma_start3A_33 = tpu.memref_slice %arg8[%add3A_17, %dma_start3A] : memref<10112x128xf32, #tpu.memory_space<vmem_shared>> -> memref<80x128xf32, #tpu.memory_space<vmem_shared>>
      %dma_start3A_34 = arith.constant 0 : i32
      %dma_start3A_35 = tpu.memref_slice %arg8[%add3A_17, %dma_start3A_34] : memref<10112x128xf32, #tpu.memory_space<vmem_shared>> -> memref<80x128xf32, #tpu.memory_space<vmem_shared>>
      tpu.enqueue_dma source(%arg13 : memref<80x128xf32, #tpu.memory_space<vmem>>) target(%dma_start3A_35 : memref<80x128xf32, #tpu.memory_space<vmem_shared>>) target_semaphore(%run_scoped3A : memref<!tpu.dma_semaphore, #tpu.memory_space<semaphore_mem>>)
      %dma_wait3A = arith.constant 0 : i32
      %dma_wait3A_36 = tpu.memref_slice %arg8[%add3A_17, %dma_wait3A] : memref<10112x128xf32, #tpu.memory_space<vmem_shared>> -> memref<80x128xf32, #tpu.memory_space<vmem_shared>>
      %dma_wait3A_37 = arith.constant 0 : i32
      %dma_wait3A_38 = tpu.memref_slice %arg8[%add3A_17, %dma_wait3A_37] : memref<10112x128xf32, #tpu.memory_space<vmem_shared>> -> memref<80x128xf32, #tpu.memory_space<vmem_shared>>
      tpu.wait_dma2 semaphore(%run_scoped3A : memref<!tpu.dma_semaphore, #tpu.memory_space<semaphore_mem>>) src(%arg13 : memref<80x128xf32, #tpu.memory_space<vmem>>) dst(%dma_wait3A_38 : memref<80x128xf32, #tpu.memory_space<vmem_shared>>)
      tpu.yield
    }) : () -> ()
    %add3A_18 = arith.constant 400 : i32
    %add3A_19 = arith.addi %mul3A_7, %add3A_18 : i32
    "tpu.region"() ({
      %run_scoped3A = tpu.sem_alloc : memref<!tpu.dma_semaphore, #tpu.memory_space<semaphore_mem>>
      %dma_start3A = arith.constant 0 : i32
      %dma_start3A_33 = tpu.memref_slice %arg8[%add3A_19, %dma_start3A] : memref<10112x128xf32, #tpu.memory_space<vmem_shared>> -> memref<80x128xf32, #tpu.memory_space<vmem_shared>>
      %dma_start3A_34 = arith.constant 0 : i32
      %dma_start3A_35 = tpu.memref_slice %arg8[%add3A_19, %dma_start3A_34] : memref<10112x128xf32, #tpu.memory_space<vmem_shared>> -> memref<80x128xf32, #tpu.memory_space<vmem_shared>>
      tpu.enqueue_dma source(%arg13 : memref<80x128xf32, #tpu.memory_space<vmem>>) target(%dma_start3A_35 : memref<80x128xf32, #tpu.memory_space<vmem_shared>>) target_semaphore(%run_scoped3A : memref<!tpu.dma_semaphore, #tpu.memory_space<semaphore_mem>>)
      %dma_wait3A = arith.constant 0 : i32
      %dma_wait3A_36 = tpu.memref_slice %arg8[%add3A_19, %dma_wait3A] : memref<10112x128xf32, #tpu.memory_space<vmem_shared>> -> memref<80x128xf32, #tpu.memory_space<vmem_shared>>
      %dma_wait3A_37 = arith.constant 0 : i32
      %dma_wait3A_38 = tpu.memref_slice %arg8[%add3A_19, %dma_wait3A_37] : memref<10112x128xf32, #tpu.memory_space<vmem_shared>> -> memref<80x128xf32, #tpu.memory_space<vmem_shared>>
      tpu.wait_dma2 semaphore(%run_scoped3A : memref<!tpu.dma_semaphore, #tpu.memory_space<semaphore_mem>>) src(%arg13 : memref<80x128xf32, #tpu.memory_space<vmem>>) dst(%dma_wait3A_38 : memref<80x128xf32, #tpu.memory_space<vmem_shared>>)
      tpu.yield
    }) : () -> ()
    %add3A_20 = arith.constant 480 : i32
    %add3A_21 = arith.addi %mul3A_7, %add3A_20 : i32
    "tpu.region"() ({
      %run_scoped3A = tpu.sem_alloc : memref<!tpu.dma_semaphore, #tpu.memory_space<semaphore_mem>>
      %dma_start3A = arith.constant 0 : i32
      %dma_start3A_33 = tpu.memref_slice %arg8[%add3A_21, %dma_start3A] : memref<10112x128xf32, #tpu.memory_space<vmem_shared>> -> memref<80x128xf32, #tpu.memory_space<vmem_shared>>
      %dma_start3A_34 = arith.constant 0 : i32
      %dma_start3A_35 = tpu.memref_slice %arg8[%add3A_21, %dma_start3A_34] : memref<10112x128xf32, #tpu.memory_space<vmem_shared>> -> memref<80x128xf32, #tpu.memory_space<vmem_shared>>
      tpu.enqueue_dma source(%arg13 : memref<80x128xf32, #tpu.memory_space<vmem>>) target(%dma_start3A_35 : memref<80x128xf32, #tpu.memory_space<vmem_shared>>) target_semaphore(%run_scoped3A : memref<!tpu.dma_semaphore, #tpu.memory_space<semaphore_mem>>)
      %dma_wait3A = arith.constant 0 : i32
      %dma_wait3A_36 = tpu.memref_slice %arg8[%add3A_21, %dma_wait3A] : memref<10112x128xf32, #tpu.memory_space<vmem_shared>> -> memref<80x128xf32, #tpu.memory_space<vmem_shared>>
      %dma_wait3A_37 = arith.constant 0 : i32
      %dma_wait3A_38 = tpu.memref_slice %arg8[%add3A_21, %dma_wait3A_37] : memref<10112x128xf32, #tpu.memory_space<vmem_shared>> -> memref<80x128xf32, #tpu.memory_space<vmem_shared>>
      tpu.wait_dma2 semaphore(%run_scoped3A : memref<!tpu.dma_semaphore, #tpu.memory_space<semaphore_mem>>) src(%arg13 : memref<80x128xf32, #tpu.memory_space<vmem>>) dst(%dma_wait3A_38 : memref<80x128xf32, #tpu.memory_space<vmem_shared>>)
      tpu.yield
    }) : () -> ()
    %add3A_22 = arith.constant 560 : i32
    %add3A_23 = arith.addi %mul3A_7, %add3A_22 : i32
    "tpu.region"() ({
      %run_scoped3A = tpu.sem_alloc : memref<!tpu.dma_semaphore, #tpu.memory_space<semaphore_mem>>
      %dma_start3A = arith.constant 0 : i32
      %dma_start3A_33 = arith.constant 0 : i32
      %dma_start3A_34 = tpu.memref_slice %arg13[%dma_start3A, %dma_start3A_33] : memref<80x128xf32, #tpu.memory_space<vmem>> -> memref<72x128xf32, #tpu.memory_space<vmem>>
      %dma_start3A_35 = arith.constant 0 : i32
      %dma_start3A_36 = tpu.memref_slice %arg8[%add3A_23, %dma_start3A_35] : memref<10112x128xf32, #tpu.memory_space<vmem_shared>> -> memref<72x128xf32, #tpu.memory_space<vmem_shared>>
      %dma_start3A_37 = arith.constant 0 : i32
      %dma_start3A_38 = tpu.memref_slice %arg8[%add3A_23, %dma_start3A_37] : memref<10112x128xf32, #tpu.memory_space<vmem_shared>> -> memref<72x128xf32, #tpu.memory_space<vmem_shared>>
      %dma_start3A_39 = arith.constant 0 : i32
      %dma_start3A_40 = arith.constant 0 : i32
      %dma_start3A_41 = tpu.memref_slice %arg13[%dma_start3A_39, %dma_start3A_40] : memref<80x128xf32, #tpu.memory_space<vmem>> -> memref<72x128xf32, #tpu.memory_space<vmem>>
      tpu.enqueue_dma source(%dma_start3A_41 : memref<72x128xf32, #tpu.memory_space<vmem>>) target(%dma_start3A_38 : memref<72x128xf32, #tpu.memory_space<vmem_shared>>) target_semaphore(%run_scoped3A : memref<!tpu.dma_semaphore, #tpu.memory_space<semaphore_mem>>)
      %dma_wait3A = arith.constant 0 : i32
      %dma_wait3A_42 = arith.constant 0 : i32
      %dma_wait3A_43 = tpu.memref_slice %arg13[%dma_wait3A, %dma_wait3A_42] : memref<80x128xf32, #tpu.memory_space<vmem>> -> memref<72x128xf32, #tpu.memory_space<vmem>>
      %dma_wait3A_44 = arith.constant 0 : i32
      %dma_wait3A_45 = tpu.memref_slice %arg8[%add3A_23, %dma_wait3A_44] : memref<10112x128xf32, #tpu.memory_space<vmem_shared>> -> memref<72x128xf32, #tpu.memory_space<vmem_shared>>
      %dma_wait3A_46 = arith.constant 0 : i32
      %dma_wait3A_47 = tpu.memref_slice %arg8[%add3A_23, %dma_wait3A_46] : memref<10112x128xf32, #tpu.memory_space<vmem_shared>> -> memref<72x128xf32, #tpu.memory_space<vmem_shared>>
      %dma_wait3A_48 = arith.constant 0 : i32
      %dma_wait3A_49 = arith.constant 0 : i32
      %dma_wait3A_50 = tpu.memref_slice %arg13[%dma_wait3A_48, %dma_wait3A_49] : memref<80x128xf32, #tpu.memory_space<vmem>> -> memref<72x128xf32, #tpu.memory_space<vmem>>
      tpu.wait_dma2 semaphore(%run_scoped3A : memref<!tpu.dma_semaphore, #tpu.memory_space<semaphore_mem>>) src(%dma_wait3A_50 : memref<72x128xf32, #tpu.memory_space<vmem>>) dst(%dma_wait3A_47 : memref<72x128xf32, #tpu.memory_space<vmem_shared>>)
      tpu.yield
    }) : () -> ()
    %barrier3A = arith.constant 0 : index
    tpu.barrier barrier_id(%barrier3A)
    %mul3A_24 = arith.constant 10000 : i32
    %mul3A_25 = arith.muli %add3A, %mul3A_24 : i32
    %scan3A_26 = arith.constant 0 : i32
    %scan3A_27 = arith.constant 0 : i32
    %scan3A_28 = arith.constant 5 : i32
    %scan3A_29 = arith.addi %scan3A_27, %scan3A_28 : i32
    %scan3A_30 = arith.constant 1 : i32
    scf.for %scan3A_33 = %scan3A_27 to %scan3A_29 step %scan3A_30  : i32 {
      %mul3A_34 = arith.constant 2000 : i32
      %mul3A_35 = arith.muli %scan3A_33, %mul3A_34 : i32
      %add3A_36 = arith.addi %mul3A_25, %mul3A_35 : i32
      %dma_start3A = tpu.memref_slice %arg4[%add3A_36] : memref<320000xi32, #tpu.memory_space<hbm>> -> memref<2000xi32, #tpu.memory_space<hbm>>
      %dma_start3A_37 = tpu.memref_slice %arg4[%add3A_36] : memref<320000xi32, #tpu.memory_space<hbm>> -> memref<2000xi32, #tpu.memory_space<hbm>>
      tpu.enqueue_dma source(%dma_start3A_37 : memref<2000xi32, #tpu.memory_space<hbm>>) target(%arg9 : memref<2000xi32, #tpu.memory_space<vmem>>) target_semaphore(%arg17 : memref<!tpu.dma_semaphore, #tpu.memory_space<semaphore_mem>>)
      %dma_start3A_38 = tpu.memref_slice %arg5[%add3A_36] : memref<320000xi32, #tpu.memory_space<hbm>> -> memref<2000xi32, #tpu.memory_space<hbm>>
      %dma_start3A_39 = tpu.memref_slice %arg5[%add3A_36] : memref<320000xi32, #tpu.memory_space<hbm>> -> memref<2000xi32, #tpu.memory_space<hbm>>
      tpu.enqueue_dma source(%dma_start3A_39 : memref<2000xi32, #tpu.memory_space<hbm>>) target(%arg10 : memref<2000xi32, #tpu.memory_space<vmem>>) target_semaphore(%arg18 : memref<!tpu.dma_semaphore, #tpu.memory_space<semaphore_mem>>)
      %dma_start3A_40 = tpu.memref_slice %arg6[%add3A_36] : memref<320000xi32, #tpu.memory_space<hbm>> -> memref<2000xi32, #tpu.memory_space<hbm>>
      %dma_start3A_41 = tpu.memref_slice %arg6[%add3A_36] : memref<320000xi32, #tpu.memory_space<hbm>> -> memref<2000xi32, #tpu.memory_space<hbm>>
      tpu.enqueue_dma source(%dma_start3A_41 : memref<2000xi32, #tpu.memory_space<hbm>>) target(%arg11 : memref<2000xi32, #tpu.memory_space<vmem>>) target_semaphore(%arg19 : memref<!tpu.dma_semaphore, #tpu.memory_space<semaphore_mem>>)
      %dma_wait3A = tpu.memref_slice %arg4[%add3A_36] : memref<320000xi32, #tpu.memory_space<hbm>> -> memref<2000xi32, #tpu.memory_space<hbm>>
      %dma_wait3A_42 = tpu.memref_slice %arg4[%add3A_36] : memref<320000xi32, #tpu.memory_space<hbm>> -> memref<2000xi32, #tpu.memory_space<hbm>>
      tpu.wait_dma2 semaphore(%arg17 : memref<!tpu.dma_semaphore, #tpu.memory_space<semaphore_mem>>) src(%dma_wait3A_42 : memref<2000xi32, #tpu.memory_space<hbm>>) dst(%arg9 : memref<2000xi32, #tpu.memory_space<vmem>>)
      %dma_wait3A_43 = tpu.memref_slice %arg5[%add3A_36] : memref<320000xi32, #tpu.memory_space<hbm>> -> memref<2000xi32, #tpu.memory_space<hbm>>
      %dma_wait3A_44 = tpu.memref_slice %arg5[%add3A_36] : memref<320000xi32, #tpu.memory_space<hbm>> -> memref<2000xi32, #tpu.memory_space<hbm>>
      tpu.wait_dma2 semaphore(%arg18 : memref<!tpu.dma_semaphore, #tpu.memory_space<semaphore_mem>>) src(%dma_wait3A_44 : memref<2000xi32, #tpu.memory_space<hbm>>) dst(%arg10 : memref<2000xi32, #tpu.memory_space<vmem>>)
      %dma_wait3A_45 = tpu.memref_slice %arg6[%add3A_36] : memref<320000xi32, #tpu.memory_space<hbm>> -> memref<2000xi32, #tpu.memory_space<hbm>>
      %dma_wait3A_46 = tpu.memref_slice %arg6[%add3A_36] : memref<320000xi32, #tpu.memory_space<hbm>> -> memref<2000xi32, #tpu.memory_space<hbm>>
      tpu.wait_dma2 semaphore(%arg19 : memref<!tpu.dma_semaphore, #tpu.memory_space<semaphore_mem>>) src(%dma_wait3A_46 : memref<2000xi32, #tpu.memory_space<hbm>>) dst(%arg11 : memref<2000xi32, #tpu.memory_space<vmem>>)
      %dma_start3A_47 = arith.constant 0 : i32
      %dma_start3A_48 = tpu.memref_slice %arg9[%dma_start3A_47] : memref<2000xi32, #tpu.memory_space<vmem>> -> memref<80xi32, #tpu.memory_space<vmem>>
      %dma_start3A_49 = arith.constant 0 : i32
      %dma_start3A_50 = arith.constant 0 : i32
      %dma_start3A_51 = tpu.memref_slice %arg2[%dma_start3A_49, %dma_start3A_50] : memref<10000x128xf32, #tpu.memory_space<hbm>> -> memref<10000x128xf32, #tpu.memory_space<hbm>>
      tpu.enqueue_indirect_dma source(%dma_start3A_51 : memref<10000x128xf32, #tpu.memory_space<hbm>>) target(%arg13 : memref<80x128xf32, #tpu.memory_space<vmem>>) offsets(%dma_start3A_48 : memref<80xi32, #tpu.memory_space<vmem>>) semaphore(%arg17 : memref<!tpu.dma_semaphore, #tpu.memory_space<semaphore_mem>>)
      %dma_start3A_52 = arith.constant 0 : i32
      %dma_start3A_53 = tpu.memref_slice %arg10[%dma_start3A_52] : memref<2000xi32, #tpu.memory_space<vmem>> -> memref<80xi32, #tpu.memory_space<vmem>>
      %dma_start3A_54 = arith.constant 0 : i32
      %dma_start3A_55 = arith.constant 0 : i32
      %dma_start3A_56 = tpu.memref_slice %arg3[%dma_start3A_54, %dma_start3A_55] : memref<10000x128xf32, #tpu.memory_space<hbm>> -> memref<10000x128xf32, #tpu.memory_space<hbm>>
      tpu.enqueue_indirect_dma source(%dma_start3A_56 : memref<10000x128xf32, #tpu.memory_space<hbm>>) target(%arg14 : memref<80x128xf32, #tpu.memory_space<vmem>>) offsets(%dma_start3A_53 : memref<80xi32, #tpu.memory_space<vmem>>) semaphore(%arg18 : memref<!tpu.dma_semaphore, #tpu.memory_space<semaphore_mem>>)
      %scan3A_57 = arith.constant 0 : i32
      %scan3A_58 = arith.constant 0 : i32
      %scan3A_59 = arith.constant 12 : i32
      %scan3A_60 = arith.addi %scan3A_58, %scan3A_59 : i32
      %scan3A_61 = arith.constant 1 : i32
      scf.for %scan3A_114 = %scan3A_58 to %scan3A_60 step %scan3A_61  : i32 {
        %mul3A_115 = arith.constant 2 : i32
        %mul3A_116 = arith.muli %mul3A_115, %scan3A_114 : i32
        %mul3A_117 = arith.constant 80 : i32
        %mul3A_118 = arith.muli %mul3A_116, %mul3A_117 : i32
        %add3A_119 = arith.constant 80 : i32
        %add3A_120 = arith.addi %mul3A_118, %add3A_119 : i32
        %dma_start3A_121 = tpu.memref_slice %arg9[%add3A_120] : memref<2000xi32, #tpu.memory_space<vmem>> -> memref<80xi32, #tpu.memory_space<vmem>>
        %dma_start3A_122 = arith.constant 0 : i32
        %dma_start3A_123 = arith.constant 0 : i32
        %dma_start3A_124 = tpu.memref_slice %arg2[%dma_start3A_122, %dma_start3A_123] : memref<10000x128xf32, #tpu.memory_space<hbm>> -> memref<10000x128xf32, #tpu.memory_space<hbm>>
        tpu.enqueue_indirect_dma source(%dma_start3A_124 : memref<10000x128xf32, #tpu.memory_space<hbm>>) target(%arg15 : memref<80x128xf32, #tpu.memory_space<vmem>>) offsets(%dma_start3A_121 : memref<80xi32, #tpu.memory_space<vmem>>) semaphore(%arg19 : memref<!tpu.dma_semaphore, #tpu.memory_space<semaphore_mem>>)
        %dma_start3A_125 = tpu.memref_slice %arg10[%add3A_120] : memref<2000xi32, #tpu.memory_space<vmem>> -> memref<80xi32, #tpu.memory_space<vmem>>
        %dma_start3A_126 = arith.constant 0 : i32
        %dma_start3A_127 = arith.constant 0 : i32
        %dma_start3A_128 = tpu.memref_slice %arg3[%dma_start3A_126, %dma_start3A_127] : memref<10000x128xf32, #tpu.memory_space<hbm>> -> memref<10000x128xf32, #tpu.memory_space<hbm>>
        tpu.enqueue_indirect_dma source(%dma_start3A_128 : memref<10000x128xf32, #tpu.memory_space<hbm>>) target(%arg16 : memref<80x128xf32, #tpu.memory_space<vmem>>) offsets(%dma_start3A_125 : memref<80xi32, #tpu.memory_space<vmem>>) semaphore(%arg20 : memref<!tpu.dma_semaphore, #tpu.memory_space<semaphore_mem>>)
        %dma_wait3A_129 = arith.constant 0 : i32
        %dma_wait3A_130 = arith.constant 0 : i32
        %dma_wait3A_131 = tpu.memref_slice %arg2[%dma_wait3A_129, %dma_wait3A_130] : memref<10000x128xf32, #tpu.memory_space<hbm>> -> memref<80x128xf32, #tpu.memory_space<hbm>>
        %dma_wait3A_132 = arith.constant 0 : i32
        %dma_wait3A_133 = arith.constant 0 : i32
        %dma_wait3A_134 = tpu.memref_slice %arg2[%dma_wait3A_132, %dma_wait3A_133] : memref<10000x128xf32, #tpu.memory_space<hbm>> -> memref<80x128xf32, #tpu.memory_space<hbm>>
        tpu.wait_dma2 semaphore(%arg17 : memref<!tpu.dma_semaphore, #tpu.memory_space<semaphore_mem>>) src(%dma_wait3A_134 : memref<80x128xf32, #tpu.memory_space<hbm>>) dst(%arg13 : memref<80x128xf32, #tpu.memory_space<vmem>>)
        %dma_wait3A_135 = arith.constant 0 : i32
        %dma_wait3A_136 = arith.constant 0 : i32
        %dma_wait3A_137 = tpu.memref_slice %arg2[%dma_wait3A_135, %dma_wait3A_136] : memref<10000x128xf32, #tpu.memory_space<hbm>> -> memref<80x128xf32, #tpu.memory_space<hbm>>
        %dma_wait3A_138 = arith.constant 0 : i32
        %dma_wait3A_139 = arith.constant 0 : i32
        %dma_wait3A_140 = tpu.memref_slice %arg2[%dma_wait3A_138, %dma_wait3A_139] : memref<10000x128xf32, #tpu.memory_space<hbm>> -> memref<80x128xf32, #tpu.memory_space<hbm>>
        tpu.wait_dma2 semaphore(%arg18 : memref<!tpu.dma_semaphore, #tpu.memory_space<semaphore_mem>>) src(%dma_wait3A_140 : memref<80x128xf32, #tpu.memory_space<hbm>>) dst(%arg14 : memref<80x128xf32, #tpu.memory_space<vmem>>)
        %scan3A_141 = arith.constant 0 : i32
        %scan3A_142 = arith.constant 0 : i32
        %scan3A_143 = arith.constant 40 : i32
        %scan3A_144 = arith.addi %scan3A_142, %scan3A_143 : i32
        %scan3A_145 = arith.constant 1 : i32
        scf.for %scan3A_267 = %scan3A_142 to %scan3A_144 step %scan3A_145  : i32 {
          %mul3A_268 = arith.constant 2 : i32
          %mul3A_269 = arith.muli %scan3A_267, %mul3A_268 : i32
          %add3A_270 = arith.constant 0 : i32
          %add3A_271 = arith.addi %mul3A_269, %add3A_270 : i32
          %get3A_272 = arith.index_cast %add3A_271 : i32 to index
          %get3A_273 = arith.constant 0 : index
          %get3A_274 = tpu.vector_load %arg13[%get3A_272, %get3A_273] {strides = array<i32>} : memref<80x128xf32, #tpu.memory_space<vmem>>, vector<1x16xf32>,
          %get3A_275 = vector.shape_cast %get3A_274 : vector<1x16xf32> to vector<16xf32>
          %get3A_276 = arith.index_cast %add3A_271 : i32 to index
          %get3A_277 = arith.constant 0 : index
          %get3A_278 = tpu.vector_load %arg14[%get3A_276, %get3A_277] {strides = array<i32>} : memref<80x128xf32, #tpu.memory_space<vmem>>, vector<1x16xf32>,
          %get3A_279 = vector.shape_cast %get3A_278 : vector<1x16xf32> to vector<16xf32>
          %add3A_280 = arith.addf %get3A_275, %get3A_279 : vector<16xf32>
          %max3A = arith.constant 0.000000e+00 : f32
          %max3A_281 = vector.broadcast %max3A : f32 to vector<16xf32>
          %max3A_282 = arith.maximumf %add3A_280, %max3A_281 : vector<16xf32>
          %swap3A_283 = arith.index_cast %add3A_271 : i32 to index
          %swap3A_284 = arith.constant 0 : index
          %swap3A_285 = tpu.vector_load %arg13[%swap3A_283, %swap3A_284] {strides = array<i32>} : memref<80x128xf32, #tpu.memory_space<vmem>>, vector<1x16xf32>,
          %swap3A_286 = vector.shape_cast %swap3A_285 : vector<1x16xf32> to vector<16xf32>
          %swap3A_287 = vector.shape_cast %max3A_282 : vector<16xf32> to vector<1x16xf32>
          tpu.vector_store %arg13[%swap3A_283, %swap3A_284], %swap3A_287 {strides = array<i32>} : memref<80x128xf32, #tpu.memory_space<vmem>>, vector<1x16xf32>,
          %get3A_288 = arith.index_cast %add3A_271 : i32 to index
          %get3A_289 = arith.constant 16 : index
          %get3A_290 = tpu.vector_load %arg13[%get3A_288, %get3A_289] {strides = array<i32>} : memref<80x128xf32, #tpu.memory_space<vmem>>, vector<1x16xf32>,
          %get3A_291 = vector.shape_cast %get3A_290 : vector<1x16xf32> to vector<16xf32>
          %get3A_292 = arith.index_cast %add3A_271 : i32 to index
          %get3A_293 = arith.constant 16 : index
          %get3A_294 = tpu.vector_load %arg14[%get3A_292, %get3A_293] {strides = array<i32>} : memref<80x128xf32, #tpu.memory_space<vmem>>, vector<1x16xf32>,
          %get3A_295 = vector.shape_cast %get3A_294 : vector<1x16xf32> to vector<16xf32>
          %add3A_296 = arith.addf %get3A_291, %get3A_295 : vector<16xf32>
          %max3A_297 = arith.constant 0.000000e+00 : f32
          %max3A_298 = vector.broadcast %max3A_297 : f32 to vector<16xf32>
          %max3A_299 = arith.maximumf %add3A_296, %max3A_298 : vector<16xf32>
          %swap3A_300 = arith.index_cast %add3A_271 : i32 to index
          %swap3A_301 = arith.constant 16 : index
          %swap3A_302 = tpu.vector_load %arg13[%swap3A_300, %swap3A_301] {strides = array<i32>} : memref<80x128xf32, #tpu.memory_space<vmem>>, vector<1x16xf32>,
          %swap3A_303 = vector.shape_cast %swap3A_302 : vector<1x16xf32> to vector<16xf32>
          %swap3A_304 = vector.shape_cast %max3A_299 : vector<16xf32> to vector<1x16xf32>
          tpu.vector_store %arg13[%swap3A_300, %swap3A_301], %swap3A_304 {strides = array<i32>} : memref<80x128xf32, #tpu.memory_space<vmem>>, vector<1x16xf32>,
          %get3A_305 = arith.index_cast %add3A_271 : i32 to index
          %get3A_306 = arith.constant 32 : index
          %get3A_307 = tpu.vector_load %arg13[%get3A_305, %get3A_306] {strides = array<i32>} : memref<80x128xf32, #tpu.memory_space<vmem>>, vector<1x16xf32>,
          %get3A_308 = vector.shape_cast %get3A_307 : vector<1x16xf32> to vector<16xf32>
          %get3A_309 = arith.index_cast %add3A_271 : i32 to index
          %get3A_310 = arith.constant 32 : index
          %get3A_311 = tpu.vector_load %arg14[%get3A_309, %get3A_310] {strides = array<i32>} : memref<80x128xf32, #tpu.memory_space<vmem>>, vector<1x16xf32>,
          %get3A_312 = vector.shape_cast %get3A_311 : vector<1x16xf32> to vector<16xf32>
          %add3A_313 = arith.addf %get3A_308, %get3A_312 : vector<16xf32>
          %max3A_314 = arith.constant 0.000000e+00 : f32
          %max3A_315 = vector.broadcast %max3A_314 : f32 to vector<16xf32>
          %max3A_316 = arith.maximumf %add3A_313, %max3A_315 : vector<16xf32>
          %swap3A_317 = arith.index_cast %add3A_271 : i32 to index
          %swap3A_318 = arith.constant 32 : index
          %swap3A_319 = tpu.vector_load %arg13[%swap3A_317, %swap3A_318] {strides = array<i32>} : memref<80x128xf32, #tpu.memory_space<vmem>>, vector<1x16xf32>,
          %swap3A_320 = vector.shape_cast %swap3A_319 : vector<1x16xf32> to vector<16xf32>
          %swap3A_321 = vector.shape_cast %max3A_316 : vector<16xf32> to vector<1x16xf32>
          tpu.vector_store %arg13[%swap3A_317, %swap3A_318], %swap3A_321 {strides = array<i32>} : memref<80x128xf32, #tpu.memory_space<vmem>>, vector<1x16xf32>,
          %get3A_322 = arith.index_cast %add3A_271 : i32 to index
          %get3A_323 = arith.constant 48 : index
          %get3A_324 = tpu.vector_load %arg13[%get3A_322, %get3A_323] {strides = array<i32>} : memref<80x128xf32, #tpu.memory_space<vmem>>, vector<1x16xf32>,
          %get3A_325 = vector.shape_cast %get3A_324 : vector<1x16xf32> to vector<16xf32>
          %get3A_326 = arith.index_cast %add3A_271 : i32 to index
          %get3A_327 = arith.constant 48 : index
          %get3A_328 = tpu.vector_load %arg14[%get3A_326, %get3A_327] {strides = array<i32>} : memref<80x128xf32, #tpu.memory_space<vmem>>, vector<1x16xf32>,
          %get3A_329 = vector.shape_cast %get3A_328 : vector<1x16xf32> to vector<16xf32>
          %add3A_330 = arith.addf %get3A_325, %get3A_329 : vector<16xf32>
          %max3A_331 = arith.constant 0.000000e+00 : f32
          %max3A_332 = vector.broadcast %max3A_331 : f32 to vector<16xf32>
          %max3A_333 = arith.maximumf %add3A_330, %max3A_332 : vector<16xf32>
          %swap3A_334 = arith.index_cast %add3A_271 : i32 to index
          %swap3A_335 = arith.constant 48 : index
          %swap3A_336 = tpu.vector_load %arg13[%swap3A_334, %swap3A_335] {strides = array<i32>} : memref<80x128xf32, #tpu.memory_space<vmem>>, vector<1x16xf32>,
          %swap3A_337 = vector.shape_cast %swap3A_336 : vector<1x16xf32> to vector<16xf32>
          %swap3A_338 = vector.shape_cast %max3A_333 : vector<16xf32> to vector<1x16xf32>
          tpu.vector_store %arg13[%swap3A_334, %swap3A_335], %swap3A_338 {strides = array<i32>} : memref<80x128xf32, #tpu.memory_space<vmem>>, vector<1x16xf32>,
          %get3A_339 = arith.index_cast %add3A_271 : i32 to index
          %get3A_340 = arith.constant 64 : index
          %get3A_341 = tpu.vector_load %arg13[%get3A_339, %get3A_340] {strides = array<i32>} : memref<80x128xf32, #tpu.memory_space<vmem>>, vector<1x16xf32>,
          %get3A_342 = vector.shape_cast %get3A_341 : vector<1x16xf32> to vector<16xf32>
          %get3A_343 = arith.index_cast %add3A_271 : i32 to index
          %get3A_344 = arith.constant 64 : index
          %get3A_345 = tpu.vector_load %arg14[%get3A_343, %get3A_344] {strides = array<i32>} : memref<80x128xf32, #tpu.memory_space<vmem>>, vector<1x16xf32>,
          %get3A_346 = vector.shape_cast %get3A_345 : vector<1x16xf32> to vector<16xf32>
          %add3A_347 = arith.addf %get3A_342, %get3A_346 : vector<16xf32>
          %max3A_348 = arith.constant 0.000000e+00 : f32
          %max3A_349 = vector.broadcast %max3A_348 : f32 to vector<16xf32>
          %max3A_350 = arith.maximumf %add3A_347, %max3A_349 : vector<16xf32>
          %swap3A_351 = arith.index_cast %add3A_271 : i32 to index
          %swap3A_352 = arith.constant 64 : index
          %swap3A_353 = tpu.vector_load %arg13[%swap3A_351, %swap3A_352] {strides = array<i32>} : memref<80x128xf32, #tpu.memory_space<vmem>>, vector<1x16xf32>,
          %swap3A_354 = vector.shape_cast %swap3A_353 : vector<1x16xf32> to vector<16xf32>
          %swap3A_355 = vector.shape_cast %max3A_350 : vector<16xf32> to vector<1x16xf32>
          tpu.vector_store %arg13[%swap3A_351, %swap3A_352], %swap3A_355 {strides = array<i32>} : memref<80x128xf32, #tpu.memory_space<vmem>>, vector<1x16xf32>,
          %get3A_356 = arith.index_cast %add3A_271 : i32 to index
          %get3A_357 = arith.constant 80 : index
          %get3A_358 = tpu.vector_load %arg13[%get3A_356, %get3A_357] {strides = array<i32>} : memref<80x128xf32, #tpu.memory_space<vmem>>, vector<1x16xf32>,
          %get3A_359 = vector.shape_cast %get3A_358 : vector<1x16xf32> to vector<16xf32>
          %get3A_360 = arith.index_cast %add3A_271 : i32 to index
          %get3A_361 = arith.constant 80 : index
          %get3A_362 = tpu.vector_load %arg14[%get3A_360, %get3A_361] {strides = array<i32>} : memref<80x128xf32, #tpu.memory_space<vmem>>, vector<1x16xf32>,
          %get3A_363 = vector.shape_cast %get3A_362 : vector<1x16xf32> to vector<16xf32>
          %add3A_364 = arith.addf %get3A_359, %get3A_363 : vector<16xf32>
          %max3A_365 = arith.constant 0.000000e+00 : f32
          %max3A_366 = vector.broadcast %max3A_365 : f32 to vector<16xf32>
          %max3A_367 = arith.maximumf %add3A_364, %max3A_366 : vector<16xf32>
          %swap3A_368 = arith.index_cast %add3A_271 : i32 to index
          %swap3A_369 = arith.constant 80 : index
          %swap3A_370 = tpu.vector_load %arg13[%swap3A_368, %swap3A_369] {strides = array<i32>} : memref<80x128xf32, #tpu.memory_space<vmem>>, vector<1x16xf32>,
          %swap3A_371 = vector.shape_cast %swap3A_370 : vector<1x16xf32> to vector<16xf32>
          %swap3A_372 = vector.shape_cast %max3A_367 : vector<16xf32> to vector<1x16xf32>
          tpu.vector_store %arg13[%swap3A_368, %swap3A_369], %swap3A_372 {strides = array<i32>} : memref<80x128xf32, #tpu.memory_space<vmem>>, vector<1x16xf32>,
          %get3A_373 = arith.index_cast %add3A_271 : i32 to index
          %get3A_374 = arith.constant 96 : index
          %get3A_375 = tpu.vector_load %arg13[%get3A_373, %get3A_374] {strides = array<i32>} : memref<80x128xf32, #tpu.memory_space<vmem>>, vector<1x16xf32>,
          %get3A_376 = vector.shape_cast %get3A_375 : vector<1x16xf32> to vector<16xf32>
          %get3A_377 = arith.index_cast %add3A_271 : i32 to index
          %get3A_378 = arith.constant 96 : index
          %get3A_379 = tpu.vector_load %arg14[%get3A_377, %get3A_378] {strides = array<i32>} : memref<80x128xf32, #tpu.memory_space<vmem>>, vector<1x16xf32>,
          %get3A_380 = vector.shape_cast %get3A_379 : vector<1x16xf32> to vector<16xf32>
          %add3A_381 = arith.addf %get3A_376, %get3A_380 : vector<16xf32>
          %max3A_382 = arith.constant 0.000000e+00 : f32
          %max3A_383 = vector.broadcast %max3A_382 : f32 to vector<16xf32>
          %max3A_384 = arith.maximumf %add3A_381, %max3A_383 : vector<16xf32>
          %swap3A_385 = arith.index_cast %add3A_271 : i32 to index
          %swap3A_386 = arith.constant 96 : index
          %swap3A_387 = tpu.vector_load %arg13[%swap3A_385, %swap3A_386] {strides = array<i32>} : memref<80x128xf32, #tpu.memory_space<vmem>>, vector<1x16xf32>,
          %swap3A_388 = vector.shape_cast %swap3A_387 : vector<1x16xf32> to vector<16xf32>
          %swap3A_389 = vector.shape_cast %max3A_384 : vector<16xf32> to vector<1x16xf32>
          tpu.vector_store %arg13[%swap3A_385, %swap3A_386], %swap3A_389 {strides = array<i32>} : memref<80x128xf32, #tpu.memory_space<vmem>>, vector<1x16xf32>,
          %get3A_390 = arith.index_cast %add3A_271 : i32 to index
          %get3A_391 = arith.constant 112 : index
          %get3A_392 = tpu.vector_load %arg13[%get3A_390, %get3A_391] {strides = array<i32>} : memref<80x128xf32, #tpu.memory_space<vmem>>, vector<1x16xf32>,
          %get3A_393 = vector.shape_cast %get3A_392 : vector<1x16xf32> to vector<16xf32>
          %get3A_394 = arith.index_cast %add3A_271 : i32 to index
          %get3A_395 = arith.constant 112 : index
          %get3A_396 = tpu.vector_load %arg14[%get3A_394, %get3A_395] {strides = array<i32>} : memref<80x128xf32, #tpu.memory_space<vmem>>, vector<1x16xf32>,
          %get3A_397 = vector.shape_cast %get3A_396 : vector<1x16xf32> to vector<16xf32>
          %add3A_398 = arith.addf %get3A_393, %get3A_397 : vector<16xf32>
          %max3A_399 = arith.constant 0.000000e+00 : f32
          %max3A_400 = vector.broadcast %max3A_399 : f32 to vector<16xf32>
          %max3A_401 = arith.maximumf %add3A_398, %max3A_400 : vector<16xf32>
          %swap3A_402 = arith.index_cast %add3A_271 : i32 to index
          %swap3A_403 = arith.constant 112 : index
          %swap3A_404 = tpu.vector_load %arg13[%swap3A_402, %swap3A_403] {strides = array<i32>} : memref<80x128xf32, #tpu.memory_space<vmem>>, vector<1x16xf32>,
          %swap3A_405 = vector.shape_cast %swap3A_404 : vector<1x16xf32> to vector<16xf32>
          %swap3A_406 = vector.shape_cast %max3A_401 : vector<16xf32> to vector<1x16xf32>
          tpu.vector_store %arg13[%swap3A_402, %swap3A_403], %swap3A_406 {strides = array<i32>} : memref<80x128xf32, #tpu.memory_space<vmem>>, vector<1x16xf32>,
          %mul3A_407 = arith.constant 2 : i32
          %mul3A_408 = arith.muli %scan3A_267, %mul3A_407 : i32
          %add3A_409 = arith.constant 1 : i32
          %add3A_410 = arith.addi %mul3A_408, %add3A_409 : i32
          %get3A_411 = arith.index_cast %add3A_410 : i32 to index
          %get3A_412 = arith.constant 0 : index
          %get3A_413 = tpu.vector_load %arg13[%get3A_411, %get3A_412] {strides = array<i32>} : memref<80x128xf32, #tpu.memory_space<vmem>>, vector<1x16xf32>,
          %get3A_414 = vector.shape_cast %get3A_413 : vector<1x16xf32> to vector<16xf32>
          %get3A_415 = arith.index_cast %add3A_410 : i32 to index
          %get3A_416 = arith.constant 0 : index
          %get3A_417 = tpu.vector_load %arg14[%get3A_415, %get3A_416] {strides = array<i32>} : memref<80x128xf32, #tpu.memory_space<vmem>>, vector<1x16xf32>,
          %get3A_418 = vector.shape_cast %get3A_417 : vector<1x16xf32> to vector<16xf32>
          %add3A_419 = arith.addf %get3A_414, %get3A_418 : vector<16xf32>
          %max3A_420 = arith.constant 0.000000e+00 : f32
          %max3A_421 = vector.broadcast %max3A_420 : f32 to vector<16xf32>
          %max3A_422 = arith.maximumf %add3A_419, %max3A_421 : vector<16xf32>
          %swap3A_423 = arith.index_cast %add3A_410 : i32 to index
          %swap3A_424 = arith.constant 0 : index
          %swap3A_425 = tpu.vector_load %arg13[%swap3A_423, %swap3A_424] {strides = array<i32>} : memref<80x128xf32, #tpu.memory_space<vmem>>, vector<1x16xf32>,
          %swap3A_426 = vector.shape_cast %swap3A_425 : vector<1x16xf32> to vector<16xf32>
          %swap3A_427 = vector.shape_cast %max3A_422 : vector<16xf32> to vector<1x16xf32>
          tpu.vector_store %arg13[%swap3A_423, %swap3A_424], %swap3A_427 {strides = array<i32>} : memref<80x128xf32, #tpu.memory_space<vmem>>, vector<1x16xf32>,
          %get3A_428 = arith.index_cast %add3A_410 : i32 to index
          %get3A_429 = arith.constant 16 : index
          %get3A_430 = tpu.vector_load %arg13[%get3A_428, %get3A_429] {strides = array<i32>} : memref<80x128xf32, #tpu.memory_space<vmem>>, vector<1x16xf32>,
          %get3A_431 = vector.shape_cast %get3A_430 : vector<1x16xf32> to vector<16xf32>
          %get3A_432 = arith.index_cast %add3A_410 : i32 to index
          %get3A_433 = arith.constant 16 : index
          %get3A_434 = tpu.vector_load %arg14[%get3A_432, %get3A_433] {strides = array<i32>} : memref<80x128xf32, #tpu.memory_space<vmem>>, vector<1x16xf32>,
          %get3A_435 = vector.shape_cast %get3A_434 : vector<1x16xf32> to vector<16xf32>
          %add3A_436 = arith.addf %get3A_431, %get3A_435 : vector<16xf32>
          %max3A_437 = arith.constant 0.000000e+00 : f32
          %max3A_438 = vector.broadcast %max3A_437 : f32 to vector<16xf32>
          %max3A_439 = arith.maximumf %add3A_436, %max3A_438 : vector<16xf32>
          %swap3A_440 = arith.index_cast %add3A_410 : i32 to index
          %swap3A_441 = arith.constant 16 : index
          %swap3A_442 = tpu.vector_load %arg13[%swap3A_440, %swap3A_441] {strides = array<i32>} : memref<80x128xf32, #tpu.memory_space<vmem>>, vector<1x16xf32>,
          %swap3A_443 = vector.shape_cast %swap3A_442 : vector<1x16xf32> to vector<16xf32>
          %swap3A_444 = vector.shape_cast %max3A_439 : vector<16xf32> to vector<1x16xf32>
          tpu.vector_store %arg13[%swap3A_440, %swap3A_441], %swap3A_444 {strides = array<i32>} : memref<80x128xf32, #tpu.memory_space<vmem>>, vector<1x16xf32>,
          %get3A_445 = arith.index_cast %add3A_410 : i32 to index
          %get3A_446 = arith.constant 32 : index
          %get3A_447 = tpu.vector_load %arg13[%get3A_445, %get3A_446] {strides = array<i32>} : memref<80x128xf32, #tpu.memory_space<vmem>>, vector<1x16xf32>,
          %get3A_448 = vector.shape_cast %get3A_447 : vector<1x16xf32> to vector<16xf32>
          %get3A_449 = arith.index_cast %add3A_410 : i32 to index
          %get3A_450 = arith.constant 32 : index
          %get3A_451 = tpu.vector_load %arg14[%get3A_449, %get3A_450] {strides = array<i32>} : memref<80x128xf32, #tpu.memory_space<vmem>>, vector<1x16xf32>,
          %get3A_452 = vector.shape_cast %get3A_451 : vector<1x16xf32> to vector<16xf32>
          %add3A_453 = arith.addf %get3A_448, %get3A_452 : vector<16xf32>
          %max3A_454 = arith.constant 0.000000e+00 : f32
          %max3A_455 = vector.broadcast %max3A_454 : f32 to vector<16xf32>
          %max3A_456 = arith.maximumf %add3A_453, %max3A_455 : vector<16xf32>
          %swap3A_457 = arith.index_cast %add3A_410 : i32 to index
          %swap3A_458 = arith.constant 32 : index
          %swap3A_459 = tpu.vector_load %arg13[%swap3A_457, %swap3A_458] {strides = array<i32>} : memref<80x128xf32, #tpu.memory_space<vmem>>, vector<1x16xf32>,
          %swap3A_460 = vector.shape_cast %swap3A_459 : vector<1x16xf32> to vector<16xf32>
          %swap3A_461 = vector.shape_cast %max3A_456 : vector<16xf32> to vector<1x16xf32>
          tpu.vector_store %arg13[%swap3A_457, %swap3A_458], %swap3A_461 {strides = array<i32>} : memref<80x128xf32, #tpu.memory_space<vmem>>, vector<1x16xf32>,
          %get3A_462 = arith.index_cast %add3A_410 : i32 to index
          %get3A_463 = arith.constant 48 : index
          %get3A_464 = tpu.vector_load %arg13[%get3A_462, %get3A_463] {strides = array<i32>} : memref<80x128xf32, #tpu.memory_space<vmem>>, vector<1x16xf32>,
          %get3A_465 = vector.shape_cast %get3A_464 : vector<1x16xf32> to vector<16xf32>
          %get3A_466 = arith.index_cast %add3A_410 : i32 to index
          %get3A_467 = arith.constant 48 : index
          %get3A_468 = tpu.vector_load %arg14[%get3A_466, %get3A_467] {strides = array<i32>} : memref<80x128xf32, #tpu.memory_space<vmem>>, vector<1x16xf32>,
          %get3A_469 = vector.shape_cast %get3A_468 : vector<1x16xf32> to vector<16xf32>
          %add3A_470 = arith.addf %get3A_465, %get3A_469 : vector<16xf32>
          %max3A_471 = arith.constant 0.000000e+00 : f32
          %max3A_472 = vector.broadcast %max3A_471 : f32 to vector<16xf32>
          %max3A_473 = arith.maximumf %add3A_470, %max3A_472 : vector<16xf32>
          %swap3A_474 = arith.index_cast %add3A_410 : i32 to index
          %swap3A_475 = arith.constant 48 : index
          %swap3A_476 = tpu.vector_load %arg13[%swap3A_474, %swap3A_475] {strides = array<i32>} : memref<80x128xf32, #tpu.memory_space<vmem>>, vector<1x16xf32>,
          %swap3A_477 = vector.shape_cast %swap3A_476 : vector<1x16xf32> to vector<16xf32>
          %swap3A_478 = vector.shape_cast %max3A_473 : vector<16xf32> to vector<1x16xf32>
          tpu.vector_store %arg13[%swap3A_474, %swap3A_475], %swap3A_478 {strides = array<i32>} : memref<80x128xf32, #tpu.memory_space<vmem>>, vector<1x16xf32>,
          %get3A_479 = arith.index_cast %add3A_410 : i32 to index
          %get3A_480 = arith.constant 64 : index
          %get3A_481 = tpu.vector_load %arg13[%get3A_479, %get3A_480] {strides = array<i32>} : memref<80x128xf32, #tpu.memory_space<vmem>>, vector<1x16xf32>,
          %get3A_482 = vector.shape_cast %get3A_481 : vector<1x16xf32> to vector<16xf32>
          %get3A_483 = arith.index_cast %add3A_410 : i32 to index
          %get3A_484 = arith.constant 64 : index
          %get3A_485 = tpu.vector_load %arg14[%get3A_483, %get3A_484] {strides = array<i32>} : memref<80x128xf32, #tpu.memory_space<vmem>>, vector<1x16xf32>,
          %get3A_486 = vector.shape_cast %get3A_485 : vector<1x16xf32> to vector<16xf32>
          %add3A_487 = arith.addf %get3A_482, %get3A_486 : vector<16xf32>
          %max3A_488 = arith.constant 0.000000e+00 : f32
          %max3A_489 = vector.broadcast %max3A_488 : f32 to vector<16xf32>
          %max3A_490 = arith.maximumf %add3A_487, %max3A_489 : vector<16xf32>
          %swap3A_491 = arith.index_cast %add3A_410 : i32 to index
          %swap3A_492 = arith.constant 64 : index
          %swap3A_493 = tpu.vector_load %arg13[%swap3A_491, %swap3A_492] {strides = array<i32>} : memref<80x128xf32, #tpu.memory_space<vmem>>, vector<1x16xf32>,
          %swap3A_494 = vector.shape_cast %swap3A_493 : vector<1x16xf32> to vector<16xf32>
          %swap3A_495 = vector.shape_cast %max3A_490 : vector<16xf32> to vector<1x16xf32>
          tpu.vector_store %arg13[%swap3A_491, %swap3A_492], %swap3A_495 {strides = array<i32>} : memref<80x128xf32, #tpu.memory_space<vmem>>, vector<1x16xf32>,
          %get3A_496 = arith.index_cast %add3A_410 : i32 to index
          %get3A_497 = arith.constant 80 : index
          %get3A_498 = tpu.vector_load %arg13[%get3A_496, %get3A_497] {strides = array<i32>} : memref<80x128xf32, #tpu.memory_space<vmem>>, vector<1x16xf32>,
          %get3A_499 = vector.shape_cast %get3A_498 : vector<1x16xf32> to vector<16xf32>
          %get3A_500 = arith.index_cast %add3A_410 : i32 to index
          %get3A_501 = arith.constant 80 : index
          %get3A_502 = tpu.vector_load %arg14[%get3A_500, %get3A_501] {strides = array<i32>} : memref<80x128xf32, #tpu.memory_space<vmem>>, vector<1x16xf32>,
          %get3A_503 = vector.shape_cast %get3A_502 : vector<1x16xf32> to vector<16xf32>
          %add3A_504 = arith.addf %get3A_499, %get3A_503 : vector<16xf32>
          %max3A_505 = arith.constant 0.000000e+00 : f32
          %max3A_506 = vector.broadcast %max3A_505 : f32 to vector<16xf32>
          %max3A_507 = arith.maximumf %add3A_504, %max3A_506 : vector<16xf32>
          %swap3A_508 = arith.index_cast %add3A_410 : i32 to index
          %swap3A_509 = arith.constant 80 : index
          %swap3A_510 = tpu.vector_load %arg13[%swap3A_508, %swap3A_509] {strides = array<i32>} : memref<80x128xf32, #tpu.memory_space<vmem>>, vector<1x16xf32>,
          %swap3A_511 = vector.shape_cast %swap3A_510 : vector<1x16xf32> to vector<16xf32>
          %swap3A_512 = vector.shape_cast %max3A_507 : vector<16xf32> to vector<1x16xf32>
          tpu.vector_store %arg13[%swap3A_508, %swap3A_509], %swap3A_512 {strides = array<i32>} : memref<80x128xf32, #tpu.memory_space<vmem>>, vector<1x16xf32>,
          %get3A_513 = arith.index_cast %add3A_410 : i32 to index
          %get3A_514 = arith.constant 96 : index
          %get3A_515 = tpu.vector_load %arg13[%get3A_513, %get3A_514] {strides = array<i32>} : memref<80x128xf32, #tpu.memory_space<vmem>>, vector<1x16xf32>,
          %get3A_516 = vector.shape_cast %get3A_515 : vector<1x16xf32> to vector<16xf32>
          %get3A_517 = arith.index_cast %add3A_410 : i32 to index
          %get3A_518 = arith.constant 96 : index
          %get3A_519 = tpu.vector_load %arg14[%get3A_517, %get3A_518] {strides = array<i32>} : memref<80x128xf32, #tpu.memory_space<vmem>>, vector<1x16xf32>,
          %get3A_520 = vector.shape_cast %get3A_519 : vector<1x16xf32> to vector<16xf32>
          %add3A_521 = arith.addf %get3A_516, %get3A_520 : vector<16xf32>
          %max3A_522 = arith.constant 0.000000e+00 : f32
          %max3A_523 = vector.broadcast %max3A_522 : f32 to vector<16xf32>
          %max3A_524 = arith.maximumf %add3A_521, %max3A_523 : vector<16xf32>
          %swap3A_525 = arith.index_cast %add3A_410 : i32 to index
          %swap3A_526 = arith.constant 96 : index
          %swap3A_527 = tpu.vector_load %arg13[%swap3A_525, %swap3A_526] {strides = array<i32>} : memref<80x128xf32, #tpu.memory_space<vmem>>, vector<1x16xf32>,
          %swap3A_528 = vector.shape_cast %swap3A_527 : vector<1x16xf32> to vector<16xf32>
          %swap3A_529 = vector.shape_cast %max3A_524 : vector<16xf32> to vector<1x16xf32>
          tpu.vector_store %arg13[%swap3A_525, %swap3A_526], %swap3A_529 {strides = array<i32>} : memref<80x128xf32, #tpu.memory_space<vmem>>, vector<1x16xf32>,
          %get3A_530 = arith.index_cast %add3A_410 : i32 to index
          %get3A_531 = arith.constant 112 : index
          %get3A_532 = tpu.vector_load %arg13[%get3A_530, %get3A_531] {strides = array<i32>} : memref<80x128xf32, #tpu.memory_space<vmem>>, vector<1x16xf32>,
          %get3A_533 = vector.shape_cast %get3A_532 : vector<1x16xf32> to vector<16xf32>
          %get3A_534 = arith.index_cast %add3A_410 : i32 to index
          %get3A_535 = arith.constant 112 : index
          %get3A_536 = tpu.vector_load %arg14[%get3A_534, %get3A_535] {strides = array<i32>} : memref<80x128xf32, #tpu.memory_space<vmem>>, vector<1x16xf32>,
          %get3A_537 = vector.shape_cast %get3A_536 : vector<1x16xf32> to vector<16xf32>
          %add3A_538 = arith.addf %get3A_533, %get3A_537 : vector<16xf32>
          %max3A_539 = arith.constant 0.000000e+00 : f32
          %max3A_540 = vector.broadcast %max3A_539 : f32 to vector<16xf32>
          %max3A_541 = arith.maximumf %add3A_538, %max3A_540 : vector<16xf32>
          %swap3A_542 = arith.index_cast %add3A_410 : i32 to index
          %swap3A_543 = arith.constant 112 : index
          %swap3A_544 = tpu.vector_load %arg13[%swap3A_542, %swap3A_543] {strides = array<i32>} : memref<80x128xf32, #tpu.memory_space<vmem>>, vector<1x16xf32>,
          %swap3A_545 = vector.shape_cast %swap3A_544 : vector<1x16xf32> to vector<16xf32>
          %swap3A_546 = vector.shape_cast %max3A_541 : vector<16xf32> to vector<1x16xf32>
          tpu.vector_store %arg13[%swap3A_542, %swap3A_543], %swap3A_546 {strides = array<i32>} : memref<80x128xf32, #tpu.memory_space<vmem>>, vector<1x16xf32>,
        }
        %scan3A_146 = arith.constant 40 : i32
        %add3A_147 = arith.constant 0 : i32
        %add3A_148 = arith.addi %mul3A_118, %add3A_147 : i32
        %get3A_149 = arith.index_cast %add3A_148 : i32 to index
        %get3A_150 = tpu.vector_load %arg11[%get3A_149] {strides = array<i32>} : memref<2000xi32, #tpu.memory_space<vmem>>, vector<16xi32>,
        %get3A_151 = vector.shape_cast %get3A_150 : vector<16xi32> to vector<16xi32>
        %swap3A_152 = arith.constant 0 : index
        %swap3A_153 = tpu.vector_load %arg12[%swap3A_152] {strides = array<i32>} : memref<80xi32, #tpu.memory_space<vmem>>, vector<16xi32>,
        %swap3A_154 = vector.shape_cast %swap3A_153 : vector<16xi32> to vector<16xi32>
        %swap3A_155 = vector.shape_cast %get3A_151 : vector<16xi32> to vector<16xi32>
        tpu.vector_store %arg12[%swap3A_152], %swap3A_155 {strides = array<i32>} : memref<80xi32, #tpu.memory_space<vmem>>, vector<16xi32>,
        %add3A_156 = arith.constant 16 : i32
        %add3A_157 = arith.addi %mul3A_118, %add3A_156 : i32
        %get3A_158 = arith.index_cast %add3A_157 : i32 to index
        %get3A_159 = tpu.vector_load %arg11[%get3A_158] {strides = array<i32>} : memref<2000xi32, #tpu.memory_space<vmem>>, vector<16xi32>,
        %get3A_160 = vector.shape_cast %get3A_159 : vector<16xi32> to vector<16xi32>
        %swap3A_161 = arith.constant 16 : index
        %swap3A_162 = tpu.vector_load %arg12[%swap3A_161] {strides = array<i32>} : memref<80xi32, #tpu.memory_space<vmem>>, vector<16xi32>,
        %swap3A_163 = vector.shape_cast %swap3A_162 : vector<16xi32> to vector<16xi32>
        %swap3A_164 = vector.shape_cast %get3A_160 : vector<16xi32> to vector<16xi32>
        tpu.vector_store %arg12[%swap3A_161], %swap3A_164 {strides = array<i32>} : memref<80xi32, #tpu.memory_space<vmem>>, vector<16xi32>,
        %add3A_165 = arith.constant 32 : i32
        %add3A_166 = arith.addi %mul3A_118, %add3A_165 : i32
        %get3A_167 = arith.index_cast %add3A_166 : i32 to index
        %get3A_168 = tpu.vector_load %arg11[%get3A_167] {strides = array<i32>} : memref<2000xi32, #tpu.memory_space<vmem>>, vector<16xi32>,
        %get3A_169 = vector.shape_cast %get3A_168 : vector<16xi32> to vector<16xi32>
        %swap3A_170 = arith.constant 32 : index
        %swap3A_171 = tpu.vector_load %arg12[%swap3A_170] {strides = array<i32>} : memref<80xi32, #tpu.memory_space<vmem>>, vector<16xi32>,
        %swap3A_172 = vector.shape_cast %swap3A_171 : vector<16xi32> to vector<16xi32>
        %swap3A_173 = vector.shape_cast %get3A_169 : vector<16xi32> to vector<16xi32>
        tpu.vector_store %arg12[%swap3A_170], %swap3A_173 {strides = array<i32>} : memref<80xi32, #tpu.memory_space<vmem>>, vector<16xi32>,
        %add3A_174 = arith.constant 48 : i32
        %add3A_175 = arith.addi %mul3A_118, %add3A_174 : i32
        %get3A_176 = arith.index_cast %add3A_175 : i32 to index
        %get3A_177 = tpu.vector_load %arg11[%get3A_176] {strides = array<i32>} : memref<2000xi32, #tpu.memory_space<vmem>>, vector<16xi32>,
        %get3A_178 = vector.shape_cast %get3A_177 : vector<16xi32> to vector<16xi32>
        %swap3A_179 = arith.constant 48 : index
        %swap3A_180 = tpu.vector_load %arg12[%swap3A_179] {strides = array<i32>} : memref<80xi32, #tpu.memory_space<vmem>>, vector<16xi32>,
        %swap3A_181 = vector.shape_cast %swap3A_180 : vector<16xi32> to vector<16xi32>
        %swap3A_182 = vector.shape_cast %get3A_178 : vector<16xi32> to vector<16xi32>
        tpu.vector_store %arg12[%swap3A_179], %swap3A_182 {strides = array<i32>} : memref<80xi32, #tpu.memory_space<vmem>>, vector<16xi32>,
        %add3A_183 = arith.constant 64 : i32
        %add3A_184 = arith.addi %mul3A_118, %add3A_183 : i32
        %get3A_185 = arith.index_cast %add3A_184 : i32 to index
        %get3A_186 = tpu.vector_load %arg11[%get3A_185] {strides = array<i32>} : memref<2000xi32, #tpu.memory_space<vmem>>, vector<16xi32>,
        %get3A_187 = vector.shape_cast %get3A_186 : vector<16xi32> to vector<16xi32>
        %swap3A_188 = arith.constant 64 : index
        %swap3A_189 = tpu.vector_load %arg12[%swap3A_188] {strides = array<i32>} : memref<80xi32, #tpu.memory_space<vmem>>, vector<16xi32>,
        %swap3A_190 = vector.shape_cast %swap3A_189 : vector<16xi32> to vector<16xi32>
        %swap3A_191 = vector.shape_cast %get3A_187 : vector<16xi32> to vector<16xi32>
        tpu.vector_store %arg12[%swap3A_188], %swap3A_191 {strides = array<i32>} : memref<80xi32, #tpu.memory_space<vmem>>, vector<16xi32>,
        "tpu.region"() ({
          %run_scoped3A = tpu.sem_alloc : memref<!tpu.dma_semaphore, #tpu.memory_space<semaphore_mem>>
          %dma_start3A_267 = arith.constant 0 : i32
          %dma_start3A_268 = arith.constant 0 : i32
          %dma_start3A_269 = tpu.memref_slice %arg8[%dma_start3A_267, %dma_start3A_268] : memref<10112x128xf32, #tpu.memory_space<vmem_shared>> -> memref<10112x128xf32, #tpu.memory_space<vmem_shared>>
          tpu.enqueue_indirect_dma source(%arg13 : memref<80x128xf32, #tpu.memory_space<vmem>>) target(%dma_start3A_269 : memref<10112x128xf32, #tpu.memory_space<vmem_shared>>) offsets(%arg12 : memref<80xi32, #tpu.memory_space<vmem>>) semaphore(%run_scoped3A : memref<!tpu.dma_semaphore, #tpu.memory_space<semaphore_mem>>) {add = true}
          %dma_wait3A_270 = arith.constant 0 : i32
          %dma_wait3A_271 = arith.constant 0 : i32
          %dma_wait3A_272 = tpu.memref_slice %arg8[%dma_wait3A_270, %dma_wait3A_271] : memref<10112x128xf32, #tpu.memory_space<vmem_shared>> -> memref<10112x128xf32, #tpu.memory_space<vmem_shared>>
          tpu.wait_indirect_dma semaphore(%run_scoped3A : memref<!tpu.dma_semaphore, #tpu.memory_space<semaphore_mem>>) src(%arg13 : memref<80x128xf32, #tpu.memory_space<vmem>>) dst(%dma_wait3A_272 : memref<10112x128xf32, #tpu.memory_space<vmem_shared>>)
          tpu.yield
        }) : () -> ()
        %add3A_192 = arith.constant 160 : i32
        %add3A_193 = arith.addi %mul3A_118, %add3A_192 : i32
        %dma_start3A_194 = tpu.memref_slice %arg9[%add3A_193] : memref<2000xi32, #tpu.memory_space<vmem>> -> memref<80xi32, #tpu.memory_space<vmem>>
        %dma_start3A_195 = arith.constant 0 : i32
        %dma_start3A_196 = arith.constant 0 : i32
        %dma_start3A_197 = tpu.memref_slice %arg2[%dma_start3A_195, %dma_start3A_196] : memref<10000x128xf32, #tpu.memory_space<hbm>> -> memref<10000x128xf32, #tpu.memory_space<hbm>>
        tpu.enqueue_indirect_dma source(%dma_start3A_197 : memref<10000x128xf32, #tpu.memory_space<hbm>>) target(%arg13 : memref<80x128xf32, #tpu.memory_space<vmem>>) offsets(%dma_start3A_194 : memref<80xi32, #tpu.memory_space<vmem>>) semaphore(%arg17 : memref<!tpu.dma_semaphore, #tpu.memory_space<semaphore_mem>>)
        %dma_start3A_198 = tpu.memref_slice %arg10[%add3A_193] : memref<2000xi32, #tpu.memory_space<vmem>> -> memref<80xi32, #tpu.memory_space<vmem>>
        %dma_start3A_199 = arith.constant 0 : i32
        %dma_start3A_200 = arith.constant 0 : i32
        %dma_start3A_201 = tpu.memref_slice %arg3[%dma_start3A_199, %dma_start3A_200] : memref<10000x128xf32, #tpu.memory_space<hbm>> -> memref<10000x128xf32, #tpu.memory_space<hbm>>
        tpu.enqueue_indirect_dma source(%dma_start3A_201 : memref<10000x128xf32, #tpu.memory_space<hbm>>) target(%arg14 : memref<80x128xf32, #tpu.memory_space<vmem>>) offsets(%dma_start3A_198 : memref<80xi32, #tpu.memory_space<vmem>>) semaphore(%arg18 : memref<!tpu.dma_semaphore, #tpu.memory_space<semaphore_mem>>)
        %dma_wait3A_202 = arith.constant 0 : i32
        %dma_wait3A_203 = arith.constant 0 : i32
        %dma_wait3A_204 = tpu.memref_slice %arg2[%dma_wait3A_202, %dma_wait3A_203] : memref<10000x128xf32, #tpu.memory_space<hbm>> -> memref<80x128xf32, #tpu.memory_space<hbm>>
        %dma_wait3A_205 = arith.constant 0 : i32
        %dma_wait3A_206 = arith.constant 0 : i32
        %dma_wait3A_207 = tpu.memref_slice %arg2[%dma_wait3A_205, %dma_wait3A_206] : memref<10000x128xf32, #tpu.memory_space<hbm>> -> memref<80x128xf32, #tpu.memory_space<hbm>>
        tpu.wait_dma2 semaphore(%arg19 : memref<!tpu.dma_semaphore, #tpu.memory_space<semaphore_mem>>) src(%dma_wait3A_207 : memref<80x128xf32, #tpu.memory_space<hbm>>) dst(%arg15 : memref<80x128xf32, #tpu.memory_space<vmem>>)
        %dma_wait3A_208 = arith.constant 0 : i32
        %dma_wait3A_209 = arith.constant 0 : i32
        %dma_wait3A_210 = tpu.memref_slice %arg2[%dma_wait3A_208, %dma_wait3A_209] : memref<10000x128xf32, #tpu.memory_space<hbm>> -> memref<80x128xf32, #tpu.memory_space<hbm>>
        %dma_wait3A_211 = arith.constant 0 : i32
        %dma_wait3A_212 = arith.constant 0 : i32
        %dma_wait3A_213 = tpu.memref_slice %arg2[%dma_wait3A_211, %dma_wait3A_212] : memref<10000x128xf32, #tpu.memory_space<hbm>> -> memref<80x128xf32, #tpu.memory_space<hbm>>
        tpu.wait_dma2 semaphore(%arg20 : memref<!tpu.dma_semaphore, #tpu.memory_space<semaphore_mem>>) src(%dma_wait3A_213 : memref<80x128xf32, #tpu.memory_space<hbm>>) dst(%arg16 : memref<80x128xf32, #tpu.memory_space<vmem>>)
        %add3A_214 = arith.constant 80 : i32
        %add3A_215 = arith.addi %mul3A_118, %add3A_214 : i32
        %scan3A_216 = arith.constant 0 : i32
        %scan3A_217 = arith.constant 0 : i32
        %scan3A_218 = arith.constant 40 : i32
        %scan3A_219 = arith.addi %scan3A_217, %scan3A_218 : i32
        %scan3A_220 = arith.constant 1 : i32
        scf.for %scan3A_267 = %scan3A_217 to %scan3A_219 step %scan3A_220  : i32 {
          %mul3A_268 = arith.constant 2 : i32
          %mul3A_269 = arith.muli %scan3A_267, %mul3A_268 : i32
          %add3A_270 = arith.constant 0 : i32
          %add3A_271 = arith.addi %mul3A_269, %add3A_270 : i32
          %get3A_272 = arith.index_cast %add3A_271 : i32 to index
          %get3A_273 = arith.constant 0 : index
          %get3A_274 = tpu.vector_load %arg15[%get3A_272, %get3A_273] {strides = array<i32>} : memref<80x128xf32, #tpu.memory_space<vmem>>, vector<1x16xf32>,
          %get3A_275 = vector.shape_cast %get3A_274 : vector<1x16xf32> to vector<16xf32>
          %get3A_276 = arith.index_cast %add3A_271 : i32 to index
          %get3A_277 = arith.constant 0 : index
          %get3A_278 = tpu.vector_load %arg16[%get3A_276, %get3A_277] {strides = array<i32>} : memref<80x128xf32, #tpu.memory_space<vmem>>, vector<1x16xf32>,
          %get3A_279 = vector.shape_cast %get3A_278 : vector<1x16xf32> to vector<16xf32>
          %add3A_280 = arith.addf %get3A_275, %get3A_279 : vector<16xf32>
          %max3A = arith.constant 0.000000e+00 : f32
          %max3A_281 = vector.broadcast %max3A : f32 to vector<16xf32>
          %max3A_282 = arith.maximumf %add3A_280, %max3A_281 : vector<16xf32>
          %swap3A_283 = arith.index_cast %add3A_271 : i32 to index
          %swap3A_284 = arith.constant 0 : index
          %swap3A_285 = tpu.vector_load %arg15[%swap3A_283, %swap3A_284] {strides = array<i32>} : memref<80x128xf32, #tpu.memory_space<vmem>>, vector<1x16xf32>,
          %swap3A_286 = vector.shape_cast %swap3A_285 : vector<1x16xf32> to vector<16xf32>
          %swap3A_287 = vector.shape_cast %max3A_282 : vector<16xf32> to vector<1x16xf32>
          tpu.vector_store %arg15[%swap3A_283, %swap3A_284], %swap3A_287 {strides = array<i32>} : memref<80x128xf32, #tpu.memory_space<vmem>>, vector<1x16xf32>,
          %get3A_288 = arith.index_cast %add3A_271 : i32 to index
          %get3A_289 = arith.constant 16 : index
          %get3A_290 = tpu.vector_load %arg15[%get3A_288, %get3A_289] {strides = array<i32>} : memref<80x128xf32, #tpu.memory_space<vmem>>, vector<1x16xf32>,
          %get3A_291 = vector.shape_cast %get3A_290 : vector<1x16xf32> to vector<16xf32>
          %get3A_292 = arith.index_cast %add3A_271 : i32 to index
          %get3A_293 = arith.constant 16 : index
          %get3A_294 = tpu.vector_load %arg16[%get3A_292, %get3A_293] {strides = array<i32>} : memref<80x128xf32, #tpu.memory_space<vmem>>, vector<1x16xf32>,
          %get3A_295 = vector.shape_cast %get3A_294 : vector<1x16xf32> to vector<16xf32>
          %add3A_296 = arith.addf %get3A_291, %get3A_295 : vector<16xf32>
          %max3A_297 = arith.constant 0.000000e+00 : f32
          %max3A_298 = vector.broadcast %max3A_297 : f32 to vector<16xf32>
          %max3A_299 = arith.maximumf %add3A_296, %max3A_298 : vector<16xf32>
          %swap3A_300 = arith.index_cast %add3A_271 : i32 to index
          %swap3A_301 = arith.constant 16 : index
          %swap3A_302 = tpu.vector_load %arg15[%swap3A_300, %swap3A_301] {strides = array<i32>} : memref<80x128xf32, #tpu.memory_space<vmem>>, vector<1x16xf32>,
          %swap3A_303 = vector.shape_cast %swap3A_302 : vector<1x16xf32> to vector<16xf32>
          %swap3A_304 = vector.shape_cast %max3A_299 : vector<16xf32> to vector<1x16xf32>
          tpu.vector_store %arg15[%swap3A_300, %swap3A_301], %swap3A_304 {strides = array<i32>} : memref<80x128xf32, #tpu.memory_space<vmem>>, vector<1x16xf32>,
          %get3A_305 = arith.index_cast %add3A_271 : i32 to index
          %get3A_306 = arith.constant 32 : index
          %get3A_307 = tpu.vector_load %arg15[%get3A_305, %get3A_306] {strides = array<i32>} : memref<80x128xf32, #tpu.memory_space<vmem>>, vector<1x16xf32>,
          %get3A_308 = vector.shape_cast %get3A_307 : vector<1x16xf32> to vector<16xf32>
          %get3A_309 = arith.index_cast %add3A_271 : i32 to index
          %get3A_310 = arith.constant 32 : index
          %get3A_311 = tpu.vector_load %arg16[%get3A_309, %get3A_310] {strides = array<i32>} : memref<80x128xf32, #tpu.memory_space<vmem>>, vector<1x16xf32>,
          %get3A_312 = vector.shape_cast %get3A_311 : vector<1x16xf32> to vector<16xf32>
          %add3A_313 = arith.addf %get3A_308, %get3A_312 : vector<16xf32>
          %max3A_314 = arith.constant 0.000000e+00 : f32
          %max3A_315 = vector.broadcast %max3A_314 : f32 to vector<16xf32>
          %max3A_316 = arith.maximumf %add3A_313, %max3A_315 : vector<16xf32>
          %swap3A_317 = arith.index_cast %add3A_271 : i32 to index
          %swap3A_318 = arith.constant 32 : index
          %swap3A_319 = tpu.vector_load %arg15[%swap3A_317, %swap3A_318] {strides = array<i32>} : memref<80x128xf32, #tpu.memory_space<vmem>>, vector<1x16xf32>,
          %swap3A_320 = vector.shape_cast %swap3A_319 : vector<1x16xf32> to vector<16xf32>
          %swap3A_321 = vector.shape_cast %max3A_316 : vector<16xf32> to vector<1x16xf32>
          tpu.vector_store %arg15[%swap3A_317, %swap3A_318], %swap3A_321 {strides = array<i32>} : memref<80x128xf32, #tpu.memory_space<vmem>>, vector<1x16xf32>,
          %get3A_322 = arith.index_cast %add3A_271 : i32 to index
          %get3A_323 = arith.constant 48 : index
          %get3A_324 = tpu.vector_load %arg15[%get3A_322, %get3A_323] {strides = array<i32>} : memref<80x128xf32, #tpu.memory_space<vmem>>, vector<1x16xf32>,
          %get3A_325 = vector.shape_cast %get3A_324 : vector<1x16xf32> to vector<16xf32>
          %get3A_326 = arith.index_cast %add3A_271 : i32 to index
          %get3A_327 = arith.constant 48 : index
          %get3A_328 = tpu.vector_load %arg16[%get3A_326, %get3A_327] {strides = array<i32>} : memref<80x128xf32, #tpu.memory_space<vmem>>, vector<1x16xf32>,
          %get3A_329 = vector.shape_cast %get3A_328 : vector<1x16xf32> to vector<16xf32>
          %add3A_330 = arith.addf %get3A_325, %get3A_329 : vector<16xf32>
          %max3A_331 = arith.constant 0.000000e+00 : f32
          %max3A_332 = vector.broadcast %max3A_331 : f32 to vector<16xf32>
          %max3A_333 = arith.maximumf %add3A_330, %max3A_332 : vector<16xf32>
          %swap3A_334 = arith.index_cast %add3A_271 : i32 to index
          %swap3A_335 = arith.constant 48 : index
          %swap3A_336 = tpu.vector_load %arg15[%swap3A_334, %swap3A_335] {strides = array<i32>} : memref<80x128xf32, #tpu.memory_space<vmem>>, vector<1x16xf32>,
          %swap3A_337 = vector.shape_cast %swap3A_336 : vector<1x16xf32> to vector<16xf32>
          %swap3A_338 = vector.shape_cast %max3A_333 : vector<16xf32> to vector<1x16xf32>
          tpu.vector_store %arg15[%swap3A_334, %swap3A_335], %swap3A_338 {strides = array<i32>} : memref<80x128xf32, #tpu.memory_space<vmem>>, vector<1x16xf32>,
          %get3A_339 = arith.index_cast %add3A_271 : i32 to index
          %get3A_340 = arith.constant 64 : index
          %get3A_341 = tpu.vector_load %arg15[%get3A_339, %get3A_340] {strides = array<i32>} : memref<80x128xf32, #tpu.memory_space<vmem>>, vector<1x16xf32>,
          %get3A_342 = vector.shape_cast %get3A_341 : vector<1x16xf32> to vector<16xf32>
          %get3A_343 = arith.index_cast %add3A_271 : i32 to index
          %get3A_344 = arith.constant 64 : index
          %get3A_345 = tpu.vector_load %arg16[%get3A_343, %get3A_344] {strides = array<i32>} : memref<80x128xf32, #tpu.memory_space<vmem>>, vector<1x16xf32>,
          %get3A_346 = vector.shape_cast %get3A_345 : vector<1x16xf32> to vector<16xf32>
          %add3A_347 = arith.addf %get3A_342, %get3A_346 : vector<16xf32>
          %max3A_348 = arith.constant 0.000000e+00 : f32
          %max3A_349 = vector.broadcast %max3A_348 : f32 to vector<16xf32>
          %max3A_350 = arith.maximumf %add3A_347, %max3A_349 : vector<16xf32>
          %swap3A_351 = arith.index_cast %add3A_271 : i32 to index
          %swap3A_352 = arith.constant 64 : index
          %swap3A_353 = tpu.vector_load %arg15[%swap3A_351, %swap3A_352] {strides = array<i32>} : memref<80x128xf32, #tpu.memory_space<vmem>>, vector<1x16xf32>,
          %swap3A_354 = vector.shape_cast %swap3A_353 : vector<1x16xf32> to vector<16xf32>
          %swap3A_355 = vector.shape_cast %max3A_350 : vector<16xf32> to vector<1x16xf32>
          tpu.vector_store %arg15[%swap3A_351, %swap3A_352], %swap3A_355 {strides = array<i32>} : memref<80x128xf32, #tpu.memory_space<vmem>>, vector<1x16xf32>,
          %get3A_356 = arith.index_cast %add3A_271 : i32 to index
          %get3A_357 = arith.constant 80 : index
          %get3A_358 = tpu.vector_load %arg15[%get3A_356, %get3A_357] {strides = array<i32>} : memref<80x128xf32, #tpu.memory_space<vmem>>, vector<1x16xf32>,
          %get3A_359 = vector.shape_cast %get3A_358 : vector<1x16xf32> to vector<16xf32>
          %get3A_360 = arith.index_cast %add3A_271 : i32 to index
          %get3A_361 = arith.constant 80 : index
          %get3A_362 = tpu.vector_load %arg16[%get3A_360, %get3A_361] {strides = array<i32>} : memref<80x128xf32, #tpu.memory_space<vmem>>, vector<1x16xf32>,
          %get3A_363 = vector.shape_cast %get3A_362 : vector<1x16xf32> to vector<16xf32>
          %add3A_364 = arith.addf %get3A_359, %get3A_363 : vector<16xf32>
          %max3A_365 = arith.constant 0.000000e+00 : f32
          %max3A_366 = vector.broadcast %max3A_365 : f32 to vector<16xf32>
          %max3A_367 = arith.maximumf %add3A_364, %max3A_366 : vector<16xf32>
          %swap3A_368 = arith.index_cast %add3A_271 : i32 to index
          %swap3A_369 = arith.constant 80 : index
          %swap3A_370 = tpu.vector_load %arg15[%swap3A_368, %swap3A_369] {strides = array<i32>} : memref<80x128xf32, #tpu.memory_space<vmem>>, vector<1x16xf32>,
          %swap3A_371 = vector.shape_cast %swap3A_370 : vector<1x16xf32> to vector<16xf32>
          %swap3A_372 = vector.shape_cast %max3A_367 : vector<16xf32> to vector<1x16xf32>
          tpu.vector_store %arg15[%swap3A_368, %swap3A_369], %swap3A_372 {strides = array<i32>} : memref<80x128xf32, #tpu.memory_space<vmem>>, vector<1x16xf32>,
          %get3A_373 = arith.index_cast %add3A_271 : i32 to index
          %get3A_374 = arith.constant 96 : index
          %get3A_375 = tpu.vector_load %arg15[%get3A_373, %get3A_374] {strides = array<i32>} : memref<80x128xf32, #tpu.memory_space<vmem>>, vector<1x16xf32>,
          %get3A_376 = vector.shape_cast %get3A_375 : vector<1x16xf32> to vector<16xf32>
          %get3A_377 = arith.index_cast %add3A_271 : i32 to index
          %get3A_378 = arith.constant 96 : index
          %get3A_379 = tpu.vector_load %arg16[%get3A_377, %get3A_378] {strides = array<i32>} : memref<80x128xf32, #tpu.memory_space<vmem>>, vector<1x16xf32>,
          %get3A_380 = vector.shape_cast %get3A_379 : vector<1x16xf32> to vector<16xf32>
          %add3A_381 = arith.addf %get3A_376, %get3A_380 : vector<16xf32>
          %max3A_382 = arith.constant 0.000000e+00 : f32
          %max3A_383 = vector.broadcast %max3A_382 : f32 to vector<16xf32>
          %max3A_384 = arith.maximumf %add3A_381, %max3A_383 : vector<16xf32>
          %swap3A_385 = arith.index_cast %add3A_271 : i32 to index
          %swap3A_386 = arith.constant 96 : index
          %swap3A_387 = tpu.vector_load %arg15[%swap3A_385, %swap3A_386] {strides = array<i32>} : memref<80x128xf32, #tpu.memory_space<vmem>>, vector<1x16xf32>,
          %swap3A_388 = vector.shape_cast %swap3A_387 : vector<1x16xf32> to vector<16xf32>
          %swap3A_389 = vector.shape_cast %max3A_384 : vector<16xf32> to vector<1x16xf32>
          tpu.vector_store %arg15[%swap3A_385, %swap3A_386], %swap3A_389 {strides = array<i32>} : memref<80x128xf32, #tpu.memory_space<vmem>>, vector<1x16xf32>,
          %get3A_390 = arith.index_cast %add3A_271 : i32 to index
          %get3A_391 = arith.constant 112 : index
          %get3A_392 = tpu.vector_load %arg15[%get3A_390, %get3A_391] {strides = array<i32>} : memref<80x128xf32, #tpu.memory_space<vmem>>, vector<1x16xf32>,
          %get3A_393 = vector.shape_cast %get3A_392 : vector<1x16xf32> to vector<16xf32>
          %get3A_394 = arith.index_cast %add3A_271 : i32 to index
          %get3A_395 = arith.constant 112 : index
          %get3A_396 = tpu.vector_load %arg16[%get3A_394, %get3A_395] {strides = array<i32>} : memref<80x128xf32, #tpu.memory_space<vmem>>, vector<1x16xf32>,
          %get3A_397 = vector.shape_cast %get3A_396 : vector<1x16xf32> to vector<16xf32>
          %add3A_398 = arith.addf %get3A_393, %get3A_397 : vector<16xf32>
          %max3A_399 = arith.constant 0.000000e+00 : f32
          %max3A_400 = vector.broadcast %max3A_399 : f32 to vector<16xf32>
          %max3A_401 = arith.maximumf %add3A_398, %max3A_400 : vector<16xf32>
          %swap3A_402 = arith.index_cast %add3A_271 : i32 to index
          %swap3A_403 = arith.constant 112 : index
          %swap3A_404 = tpu.vector_load %arg15[%swap3A_402, %swap3A_403] {strides = array<i32>} : memref<80x128xf32, #tpu.memory_space<vmem>>, vector<1x16xf32>,
          %swap3A_405 = vector.shape_cast %swap3A_404 : vector<1x16xf32> to vector<16xf32>
          %swap3A_406 = vector.shape_cast %max3A_401 : vector<16xf32> to vector<1x16xf32>
          tpu.vector_store %arg15[%swap3A_402, %swap3A_403], %swap3A_406 {strides = array<i32>} : memref<80x128xf32, #tpu.memory_space<vmem>>, vector<1x16xf32>,
          %mul3A_407 = arith.constant 2 : i32
          %mul3A_408 = arith.muli %scan3A_267, %mul3A_407 : i32
          %add3A_409 = arith.constant 1 : i32
          %add3A_410 = arith.addi %mul3A_408, %add3A_409 : i32
          %get3A_411 = arith.index_cast %add3A_410 : i32 to index
          %get3A_412 = arith.constant 0 : index
          %get3A_413 = tpu.vector_load %arg15[%get3A_411, %get3A_412] {strides = array<i32>} : memref<80x128xf32, #tpu.memory_space<vmem>>, vector<1x16xf32>,
          %get3A_414 = vector.shape_cast %get3A_413 : vector<1x16xf32> to vector<16xf32>
          %get3A_415 = arith.index_cast %add3A_410 : i32 to index
          %get3A_416 = arith.constant 0 : index
          %get3A_417 = tpu.vector_load %arg16[%get3A_415, %get3A_416] {strides = array<i32>} : memref<80x128xf32, #tpu.memory_space<vmem>>, vector<1x16xf32>,
          %get3A_418 = vector.shape_cast %get3A_417 : vector<1x16xf32> to vector<16xf32>
          %add3A_419 = arith.addf %get3A_414, %get3A_418 : vector<16xf32>
          %max3A_420 = arith.constant 0.000000e+00 : f32
          %max3A_421 = vector.broadcast %max3A_420 : f32 to vector<16xf32>
          %max3A_422 = arith.maximumf %add3A_419, %max3A_421 : vector<16xf32>
          %swap3A_423 = arith.index_cast %add3A_410 : i32 to index
          %swap3A_424 = arith.constant 0 : index
          %swap3A_425 = tpu.vector_load %arg15[%swap3A_423, %swap3A_424] {strides = array<i32>} : memref<80x128xf32, #tpu.memory_space<vmem>>, vector<1x16xf32>,
          %swap3A_426 = vector.shape_cast %swap3A_425 : vector<1x16xf32> to vector<16xf32>
          %swap3A_427 = vector.shape_cast %max3A_422 : vector<16xf32> to vector<1x16xf32>
          tpu.vector_store %arg15[%swap3A_423, %swap3A_424], %swap3A_427 {strides = array<i32>} : memref<80x128xf32, #tpu.memory_space<vmem>>, vector<1x16xf32>,
          %get3A_428 = arith.index_cast %add3A_410 : i32 to index
          %get3A_429 = arith.constant 16 : index
          %get3A_430 = tpu.vector_load %arg15[%get3A_428, %get3A_429] {strides = array<i32>} : memref<80x128xf32, #tpu.memory_space<vmem>>, vector<1x16xf32>,
          %get3A_431 = vector.shape_cast %get3A_430 : vector<1x16xf32> to vector<16xf32>
          %get3A_432 = arith.index_cast %add3A_410 : i32 to index
          %get3A_433 = arith.constant 16 : index
          %get3A_434 = tpu.vector_load %arg16[%get3A_432, %get3A_433] {strides = array<i32>} : memref<80x128xf32, #tpu.memory_space<vmem>>, vector<1x16xf32>,
          %get3A_435 = vector.shape_cast %get3A_434 : vector<1x16xf32> to vector<16xf32>
          %add3A_436 = arith.addf %get3A_431, %get3A_435 : vector<16xf32>
          %max3A_437 = arith.constant 0.000000e+00 : f32
          %max3A_438 = vector.broadcast %max3A_437 : f32 to vector<16xf32>
          %max3A_439 = arith.maximumf %add3A_436, %max3A_438 : vector<16xf32>
          %swap3A_440 = arith.index_cast %add3A_410 : i32 to index
          %swap3A_441 = arith.constant 16 : index
          %swap3A_442 = tpu.vector_load %arg15[%swap3A_440, %swap3A_441] {strides = array<i32>} : memref<80x128xf32, #tpu.memory_space<vmem>>, vector<1x16xf32>,
          %swap3A_443 = vector.shape_cast %swap3A_442 : vector<1x16xf32> to vector<16xf32>
          %swap3A_444 = vector.shape_cast %max3A_439 : vector<16xf32> to vector<1x16xf32>
          tpu.vector_store %arg15[%swap3A_440, %swap3A_441], %swap3A_444 {strides = array<i32>} : memref<80x128xf32, #tpu.memory_space<vmem>>, vector<1x16xf32>,
          %get3A_445 = arith.index_cast %add3A_410 : i32 to index
          %get3A_446 = arith.constant 32 : index
          %get3A_447 = tpu.vector_load %arg15[%get3A_445, %get3A_446] {strides = array<i32>} : memref<80x128xf32, #tpu.memory_space<vmem>>, vector<1x16xf32>,
          %get3A_448 = vector.shape_cast %get3A_447 : vector<1x16xf32> to vector<16xf32>
          %get3A_449 = arith.index_cast %add3A_410 : i32 to index
          %get3A_450 = arith.constant 32 : index
          %get3A_451 = tpu.vector_load %arg16[%get3A_449, %get3A_450] {strides = array<i32>} : memref<80x128xf32, #tpu.memory_space<vmem>>, vector<1x16xf32>,
          %get3A_452 = vector.shape_cast %get3A_451 : vector<1x16xf32> to vector<16xf32>
          %add3A_453 = arith.addf %get3A_448, %get3A_452 : vector<16xf32>
          %max3A_454 = arith.constant 0.000000e+00 : f32
          %max3A_455 = vector.broadcast %max3A_454 : f32 to vector<16xf32>
          %max3A_456 = arith.maximumf %add3A_453, %max3A_455 : vector<16xf32>
          %swap3A_457 = arith.index_cast %add3A_410 : i32 to index
          %swap3A_458 = arith.constant 32 : index
          %swap3A_459 = tpu.vector_load %arg15[%swap3A_457, %swap3A_458] {strides = array<i32>} : memref<80x128xf32, #tpu.memory_space<vmem>>, vector<1x16xf32>,
          %swap3A_460 = vector.shape_cast %swap3A_459 : vector<1x16xf32> to vector<16xf32>
          %swap3A_461 = vector.shape_cast %max3A_456 : vector<16xf32> to vector<1x16xf32>
          tpu.vector_store %arg15[%swap3A_457, %swap3A_458], %swap3A_461 {strides = array<i32>} : memref<80x128xf32, #tpu.memory_space<vmem>>, vector<1x16xf32>,
          %get3A_462 = arith.index_cast %add3A_410 : i32 to index
          %get3A_463 = arith.constant 48 : index
          %get3A_464 = tpu.vector_load %arg15[%get3A_462, %get3A_463] {strides = array<i32>} : memref<80x128xf32, #tpu.memory_space<vmem>>, vector<1x16xf32>,
          %get3A_465 = vector.shape_cast %get3A_464 : vector<1x16xf32> to vector<16xf32>
          %get3A_466 = arith.index_cast %add3A_410 : i32 to index
          %get3A_467 = arith.constant 48 : index
          %get3A_468 = tpu.vector_load %arg16[%get3A_466, %get3A_467] {strides = array<i32>} : memref<80x128xf32, #tpu.memory_space<vmem>>, vector<1x16xf32>,
          %get3A_469 = vector.shape_cast %get3A_468 : vector<1x16xf32> to vector<16xf32>
          %add3A_470 = arith.addf %get3A_465, %get3A_469 : vector<16xf32>
          %max3A_471 = arith.constant 0.000000e+00 : f32
          %max3A_472 = vector.broadcast %max3A_471 : f32 to vector<16xf32>
          %max3A_473 = arith.maximumf %add3A_470, %max3A_472 : vector<16xf32>
          %swap3A_474 = arith.index_cast %add3A_410 : i32 to index
          %swap3A_475 = arith.constant 48 : index
          %swap3A_476 = tpu.vector_load %arg15[%swap3A_474, %swap3A_475] {strides = array<i32>} : memref<80x128xf32, #tpu.memory_space<vmem>>, vector<1x16xf32>,
          %swap3A_477 = vector.shape_cast %swap3A_476 : vector<1x16xf32> to vector<16xf32>
          %swap3A_478 = vector.shape_cast %max3A_473 : vector<16xf32> to vector<1x16xf32>
          tpu.vector_store %arg15[%swap3A_474, %swap3A_475], %swap3A_478 {strides = array<i32>} : memref<80x128xf32, #tpu.memory_space<vmem>>, vector<1x16xf32>,
          %get3A_479 = arith.index_cast %add3A_410 : i32 to index
          %get3A_480 = arith.constant 64 : index
          %get3A_481 = tpu.vector_load %arg15[%get3A_479, %get3A_480] {strides = array<i32>} : memref<80x128xf32, #tpu.memory_space<vmem>>, vector<1x16xf32>,
          %get3A_482 = vector.shape_cast %get3A_481 : vector<1x16xf32> to vector<16xf32>
          %get3A_483 = arith.index_cast %add3A_410 : i32 to index
          %get3A_484 = arith.constant 64 : index
          %get3A_485 = tpu.vector_load %arg16[%get3A_483, %get3A_484] {strides = array<i32>} : memref<80x128xf32, #tpu.memory_space<vmem>>, vector<1x16xf32>,
          %get3A_486 = vector.shape_cast %get3A_485 : vector<1x16xf32> to vector<16xf32>
          %add3A_487 = arith.addf %get3A_482, %get3A_486 : vector<16xf32>
          %max3A_488 = arith.constant 0.000000e+00 : f32
          %max3A_489 = vector.broadcast %max3A_488 : f32 to vector<16xf32>
          %max3A_490 = arith.maximumf %add3A_487, %max3A_489 : vector<16xf32>
          %swap3A_491 = arith.index_cast %add3A_410 : i32 to index
          %swap3A_492 = arith.constant 64 : index
          %swap3A_493 = tpu.vector_load %arg15[%swap3A_491, %swap3A_492] {strides = array<i32>} : memref<80x128xf32, #tpu.memory_space<vmem>>, vector<1x16xf32>,
          %swap3A_494 = vector.shape_cast %swap3A_493 : vector<1x16xf32> to vector<16xf32>
          %swap3A_495 = vector.shape_cast %max3A_490 : vector<16xf32> to vector<1x16xf32>
          tpu.vector_store %arg15[%swap3A_491, %swap3A_492], %swap3A_495 {strides = array<i32>} : memref<80x128xf32, #tpu.memory_space<vmem>>, vector<1x16xf32>,
          %get3A_496 = arith.index_cast %add3A_410 : i32 to index
          %get3A_497 = arith.constant 80 : index
          %get3A_498 = tpu.vector_load %arg15[%get3A_496, %get3A_497] {strides = array<i32>} : memref<80x128xf32, #tpu.memory_space<vmem>>, vector<1x16xf32>,
          %get3A_499 = vector.shape_cast %get3A_498 : vector<1x16xf32> to vector<16xf32>
          %get3A_500 = arith.index_cast %add3A_410 : i32 to index
          %get3A_501 = arith.constant 80 : index
          %get3A_502 = tpu.vector_load %arg16[%get3A_500, %get3A_501] {strides = array<i32>} : memref<80x128xf32, #tpu.memory_space<vmem>>, vector<1x16xf32>,
          %get3A_503 = vector.shape_cast %get3A_502 : vector<1x16xf32> to vector<16xf32>
          %add3A_504 = arith.addf %get3A_499, %get3A_503 : vector<16xf32>
          %max3A_505 = arith.constant 0.000000e+00 : f32
          %max3A_506 = vector.broadcast %max3A_505 : f32 to vector<16xf32>
          %max3A_507 = arith.maximumf %add3A_504, %max3A_506 : vector<16xf32>
          %swap3A_508 = arith.index_cast %add3A_410 : i32 to index
          %swap3A_509 = arith.constant 80 : index
          %swap3A_510 = tpu.vector_load %arg15[%swap3A_508, %swap3A_509] {strides = array<i32>} : memref<80x128xf32, #tpu.memory_space<vmem>>, vector<1x16xf32>,
          %swap3A_511 = vector.shape_cast %swap3A_510 : vector<1x16xf32> to vector<16xf32>
          %swap3A_512 = vector.shape_cast %max3A_507 : vector<16xf32> to vector<1x16xf32>
          tpu.vector_store %arg15[%swap3A_508, %swap3A_509], %swap3A_512 {strides = array<i32>} : memref<80x128xf32, #tpu.memory_space<vmem>>, vector<1x16xf32>,
          %get3A_513 = arith.index_cast %add3A_410 : i32 to index
          %get3A_514 = arith.constant 96 : index
          %get3A_515 = tpu.vector_load %arg15[%get3A_513, %get3A_514] {strides = array<i32>} : memref<80x128xf32, #tpu.memory_space<vmem>>, vector<1x16xf32>,
          %get3A_516 = vector.shape_cast %get3A_515 : vector<1x16xf32> to vector<16xf32>
          %get3A_517 = arith.index_cast %add3A_410 : i32 to index
          %get3A_518 = arith.constant 96 : index
          %get3A_519 = tpu.vector_load %arg16[%get3A_517, %get3A_518] {strides = array<i32>} : memref<80x128xf32, #tpu.memory_space<vmem>>, vector<1x16xf32>,
          %get3A_520 = vector.shape_cast %get3A_519 : vector<1x16xf32> to vector<16xf32>
          %add3A_521 = arith.addf %get3A_516, %get3A_520 : vector<16xf32>
          %max3A_522 = arith.constant 0.000000e+00 : f32
          %max3A_523 = vector.broadcast %max3A_522 : f32 to vector<16xf32>
          %max3A_524 = arith.maximumf %add3A_521, %max3A_523 : vector<16xf32>
          %swap3A_525 = arith.index_cast %add3A_410 : i32 to index
          %swap3A_526 = arith.constant 96 : index
          %swap3A_527 = tpu.vector_load %arg15[%swap3A_525, %swap3A_526] {strides = array<i32>} : memref<80x128xf32, #tpu.memory_space<vmem>>, vector<1x16xf32>,
          %swap3A_528 = vector.shape_cast %swap3A_527 : vector<1x16xf32> to vector<16xf32>
          %swap3A_529 = vector.shape_cast %max3A_524 : vector<16xf32> to vector<1x16xf32>
          tpu.vector_store %arg15[%swap3A_525, %swap3A_526], %swap3A_529 {strides = array<i32>} : memref<80x128xf32, #tpu.memory_space<vmem>>, vector<1x16xf32>,
          %get3A_530 = arith.index_cast %add3A_410 : i32 to index
          %get3A_531 = arith.constant 112 : index
          %get3A_532 = tpu.vector_load %arg15[%get3A_530, %get3A_531] {strides = array<i32>} : memref<80x128xf32, #tpu.memory_space<vmem>>, vector<1x16xf32>,
          %get3A_533 = vector.shape_cast %get3A_532 : vector<1x16xf32> to vector<16xf32>
          %get3A_534 = arith.index_cast %add3A_410 : i32 to index
          %get3A_535 = arith.constant 112 : index
          %get3A_536 = tpu.vector_load %arg16[%get3A_534, %get3A_535] {strides = array<i32>} : memref<80x128xf32, #tpu.memory_space<vmem>>, vector<1x16xf32>,
          %get3A_537 = vector.shape_cast %get3A_536 : vector<1x16xf32> to vector<16xf32>
          %add3A_538 = arith.addf %get3A_533, %get3A_537 : vector<16xf32>
          %max3A_539 = arith.constant 0.000000e+00 : f32
          %max3A_540 = vector.broadcast %max3A_539 : f32 to vector<16xf32>
          %max3A_541 = arith.maximumf %add3A_538, %max3A_540 : vector<16xf32>
          %swap3A_542 = arith.index_cast %add3A_410 : i32 to index
          %swap3A_543 = arith.constant 112 : index
          %swap3A_544 = tpu.vector_load %arg15[%swap3A_542, %swap3A_543] {strides = array<i32>} : memref<80x128xf32, #tpu.memory_space<vmem>>, vector<1x16xf32>,
          %swap3A_545 = vector.shape_cast %swap3A_544 : vector<1x16xf32> to vector<16xf32>
          %swap3A_546 = vector.shape_cast %max3A_541 : vector<16xf32> to vector<1x16xf32>
          tpu.vector_store %arg15[%swap3A_542, %swap3A_543], %swap3A_546 {strides = array<i32>} : memref<80x128xf32, #tpu.memory_space<vmem>>, vector<1x16xf32>,
        }
        %scan3A_221 = arith.constant 40 : i32
        %add3A_222 = arith.constant 0 : i32
        %add3A_223 = arith.addi %add3A_215, %add3A_222 : i32
        %get3A_224 = arith.index_cast %add3A_223 : i32 to index
        %get3A_225 = tpu.vector_load %arg11[%get3A_224] {strides = array<i32>} : memref<2000xi32, #tpu.memory_space<vmem>>, vector<16xi32>,
        %get3A_226 = vector.shape_cast %get3A_225 : vector<16xi32> to vector<16xi32>
        %swap3A_227 = arith.constant 0 : index
        %swap3A_228 = tpu.vector_load %arg12[%swap3A_227] {strides = array<i32>} : memref<80xi32, #tpu.memory_space<vmem>>, vector<16xi32>,
        %swap3A_229 = vector.shape_cast %swap3A_228 : vector<16xi32> to vector<16xi32>
        %swap3A_230 = vector.shape_cast %get3A_226 : vector<16xi32> to vector<16xi32>
        tpu.vector_store %arg12[%swap3A_227], %swap3A_230 {strides = array<i32>} : memref<80xi32, #tpu.memory_space<vmem>>, vector<16xi32>,
        %add3A_231 = arith.constant 16 : i32
        %add3A_232 = arith.addi %add3A_215, %add3A_231 : i32
        %get3A_233 = arith.index_cast %add3A_232 : i32 to index
        %get3A_234 = tpu.vector_load %arg11[%get3A_233] {strides = array<i32>} : memref<2000xi32, #tpu.memory_space<vmem>>, vector<16xi32>,
        %get3A_235 = vector.shape_cast %get3A_234 : vector<16xi32> to vector<16xi32>
        %swap3A_236 = arith.constant 16 : index
        %swap3A_237 = tpu.vector_load %arg12[%swap3A_236] {strides = array<i32>} : memref<80xi32, #tpu.memory_space<vmem>>, vector<16xi32>,
        %swap3A_238 = vector.shape_cast %swap3A_237 : vector<16xi32> to vector<16xi32>
        %swap3A_239 = vector.shape_cast %get3A_235 : vector<16xi32> to vector<16xi32>
        tpu.vector_store %arg12[%swap3A_236], %swap3A_239 {strides = array<i32>} : memref<80xi32, #tpu.memory_space<vmem>>, vector<16xi32>,
        %add3A_240 = arith.constant 32 : i32
        %add3A_241 = arith.addi %add3A_215, %add3A_240 : i32
        %get3A_242 = arith.index_cast %add3A_241 : i32 to index
        %get3A_243 = tpu.vector_load %arg11[%get3A_242] {strides = array<i32>} : memref<2000xi32, #tpu.memory_space<vmem>>, vector<16xi32>,
        %get3A_244 = vector.shape_cast %get3A_243 : vector<16xi32> to vector<16xi32>
        %swap3A_245 = arith.constant 32 : index
        %swap3A_246 = tpu.vector_load %arg12[%swap3A_245] {strides = array<i32>} : memref<80xi32, #tpu.memory_space<vmem>>, vector<16xi32>,
        %swap3A_247 = vector.shape_cast %swap3A_246 : vector<16xi32> to vector<16xi32>
        %swap3A_248 = vector.shape_cast %get3A_244 : vector<16xi32> to vector<16xi32>
        tpu.vector_store %arg12[%swap3A_245], %swap3A_248 {strides = array<i32>} : memref<80xi32, #tpu.memory_space<vmem>>, vector<16xi32>,
        %add3A_249 = arith.constant 48 : i32
        %add3A_250 = arith.addi %add3A_215, %add3A_249 : i32
        %get3A_251 = arith.index_cast %add3A_250 : i32 to index
        %get3A_252 = tpu.vector_load %arg11[%get3A_251] {strides = array<i32>} : memref<2000xi32, #tpu.memory_space<vmem>>, vector<16xi32>,
        %get3A_253 = vector.shape_cast %get3A_252 : vector<16xi32> to vector<16xi32>
        %swap3A_254 = arith.constant 48 : index
        %swap3A_255 = tpu.vector_load %arg12[%swap3A_254] {strides = array<i32>} : memref<80xi32, #tpu.memory_space<vmem>>, vector<16xi32>,
        %swap3A_256 = vector.shape_cast %swap3A_255 : vector<16xi32> to vector<16xi32>
        %swap3A_257 = vector.shape_cast %get3A_253 : vector<16xi32> to vector<16xi32>
        tpu.vector_store %arg12[%swap3A_254], %swap3A_257 {strides = array<i32>} : memref<80xi32, #tpu.memory_space<vmem>>, vector<16xi32>,
        %add3A_258 = arith.constant 64 : i32
        %add3A_259 = arith.addi %add3A_215, %add3A_258 : i32
        %get3A_260 = arith.index_cast %add3A_259 : i32 to index
        %get3A_261 = tpu.vector_load %arg11[%get3A_260] {strides = array<i32>} : memref<2000xi32, #tpu.memory_space<vmem>>, vector<16xi32>,
        %get3A_262 = vector.shape_cast %get3A_261 : vector<16xi32> to vector<16xi32>
        %swap3A_263 = arith.constant 64 : index
        %swap3A_264 = tpu.vector_load %arg12[%swap3A_263] {strides = array<i32>} : memref<80xi32, #tpu.memory_space<vmem>>, vector<16xi32>,
        %swap3A_265 = vector.shape_cast %swap3A_264 : vector<16xi32> to vector<16xi32>
        %swap3A_266 = vector.shape_cast %get3A_262 : vector<16xi32> to vector<16xi32>
        tpu.vector_store %arg12[%swap3A_263], %swap3A_266 {strides = array<i32>} : memref<80xi32, #tpu.memory_space<vmem>>, vector<16xi32>,
        "tpu.region"() ({
          %run_scoped3A = tpu.sem_alloc : memref<!tpu.dma_semaphore, #tpu.memory_space<semaphore_mem>>
          %dma_start3A_267 = arith.constant 0 : i32
          %dma_start3A_268 = arith.constant 0 : i32
          %dma_start3A_269 = tpu.memref_slice %arg8[%dma_start3A_267, %dma_start3A_268] : memref<10112x128xf32, #tpu.memory_space<vmem_shared>> -> memref<10112x128xf32, #tpu.memory_space<vmem_shared>>
          tpu.enqueue_indirect_dma source(%arg15 : memref<80x128xf32, #tpu.memory_space<vmem>>) target(%dma_start3A_269 : memref<10112x128xf32, #tpu.memory_space<vmem_shared>>) offsets(%arg12 : memref<80xi32, #tpu.memory_space<vmem>>) semaphore(%run_scoped3A : memref<!tpu.dma_semaphore, #tpu.memory_space<semaphore_mem>>) {add = true}
          %dma_wait3A_270 = arith.constant 0 : i32
          %dma_wait3A_271 = arith.constant 0 : i32
          %dma_wait3A_272 = tpu.memref_slice %arg8[%dma_wait3A_270, %dma_wait3A_271] : memref<10112x128xf32, #tpu.memory_space<vmem_shared>> -> memref<10112x128xf32, #tpu.memory_space<vmem_shared>>
          tpu.wait_indirect_dma semaphore(%run_scoped3A : memref<!tpu.dma_semaphore, #tpu.memory_space<semaphore_mem>>) src(%arg15 : memref<80x128xf32, #tpu.memory_space<vmem>>) dst(%dma_wait3A_272 : memref<10112x128xf32, #tpu.memory_space<vmem_shared>>)
          tpu.yield
        }) : () -> ()
      }
      %scan3A_62 = arith.constant 12 : i32
      %dma_wait3A_63 = arith.constant 0 : i32
      %dma_wait3A_64 = arith.constant 0 : i32
      %dma_wait3A_65 = tpu.memref_slice %arg2[%dma_wait3A_63, %dma_wait3A_64] : memref<10000x128xf32, #tpu.memory_space<hbm>> -> memref<80x128xf32, #tpu.memory_space<hbm>>
      %dma_wait3A_66 = arith.constant 0 : i32
      %dma_wait3A_67 = arith.constant 0 : i32
      %dma_wait3A_68 = tpu.memref_slice %arg2[%dma_wait3A_66, %dma_wait3A_67] : memref<10000x128xf32, #tpu.memory_space<hbm>> -> memref<80x128xf32, #tpu.memory_space<hbm>>
      tpu.wait_dma2 semaphore(%arg17 : memref<!tpu.dma_semaphore, #tpu.memory_space<semaphore_mem>>) src(%dma_wait3A_68 : memref<80x128xf32, #tpu.memory_space<hbm>>) dst(%arg13 : memref<80x128xf32, #tpu.memory_space<vmem>>)
      %dma_wait3A_69 = arith.constant 0 : i32
      %dma_wait3A_70 = arith.constant 0 : i32
      %dma_wait3A_71 = tpu.memref_slice %arg2[%dma_wait3A_69, %dma_wait3A_70] : memref<10000x128xf32, #tpu.memory_space<hbm>> -> memref<80x128xf32, #tpu.memory_space<hbm>>
      %dma_wait3A_72 = arith.constant 0 : i32
      %dma_wait3A_73 = arith.constant 0 : i32
      %dma_wait3A_74 = tpu.memref_slice %arg2[%dma_wait3A_72, %dma_wait3A_73] : memref<10000x128xf32, #tpu.memory_space<hbm>> -> memref<80x128xf32, #tpu.memory_space<hbm>>
      tpu.wait_dma2 semaphore(%arg18 : memref<!tpu.dma_semaphore, #tpu.memory_space<semaphore_mem>>) src(%dma_wait3A_74 : memref<80x128xf32, #tpu.memory_space<hbm>>) dst(%arg14 : memref<80x128xf32, #tpu.memory_space<vmem>>)
      %scan3A_75 = arith.constant 0 : i32
      %scan3A_76 = arith.constant 0 : i32
      %scan3A_77 = arith.constant 40 : i32
      %scan3A_78 = arith.addi %scan3A_76, %scan3A_77 : i32
      %scan3A_79 = arith.constant 1 : i32
      scf.for %scan3A_114 = %scan3A_76 to %scan3A_78 step %scan3A_79  : i32 {
        %mul3A_115 = arith.constant 2 : i32
        %mul3A_116 = arith.muli %scan3A_114, %mul3A_115 : i32
        %add3A_117 = arith.constant 0 : i32
        %add3A_118 = arith.addi %mul3A_116, %add3A_117 : i32
        %get3A_119 = arith.index_cast %add3A_118 : i32 to index
        %get3A_120 = arith.constant 0 : index
        %get3A_121 = tpu.vector_load %arg13[%get3A_119, %get3A_120] {strides = array<i32>} : memref<80x128xf32, #tpu.memory_space<vmem>>, vector<1x16xf32>,
        %get3A_122 = vector.shape_cast %get3A_121 : vector<1x16xf32> to vector<16xf32>
        %get3A_123 = arith.index_cast %add3A_118 : i32 to index
        %get3A_124 = arith.constant 0 : index
        %get3A_125 = tpu.vector_load %arg14[%get3A_123, %get3A_124] {strides = array<i32>} : memref<80x128xf32, #tpu.memory_space<vmem>>, vector<1x16xf32>,
        %get3A_126 = vector.shape_cast %get3A_125 : vector<1x16xf32> to vector<16xf32>
        %add3A_127 = arith.addf %get3A_122, %get3A_126 : vector<16xf32>
        %max3A = arith.constant 0.000000e+00 : f32
        %max3A_128 = vector.broadcast %max3A : f32 to vector<16xf32>
        %max3A_129 = arith.maximumf %add3A_127, %max3A_128 : vector<16xf32>
        %swap3A_130 = arith.index_cast %add3A_118 : i32 to index
        %swap3A_131 = arith.constant 0 : index
        %swap3A_132 = tpu.vector_load %arg13[%swap3A_130, %swap3A_131] {strides = array<i32>} : memref<80x128xf32, #tpu.memory_space<vmem>>, vector<1x16xf32>,
        %swap3A_133 = vector.shape_cast %swap3A_132 : vector<1x16xf32> to vector<16xf32>
        %swap3A_134 = vector.shape_cast %max3A_129 : vector<16xf32> to vector<1x16xf32>
        tpu.vector_store %arg13[%swap3A_130, %swap3A_131], %swap3A_134 {strides = array<i32>} : memref<80x128xf32, #tpu.memory_space<vmem>>, vector<1x16xf32>,
        %get3A_135 = arith.index_cast %add3A_118 : i32 to index
        %get3A_136 = arith.constant 16 : index
        %get3A_137 = tpu.vector_load %arg13[%get3A_135, %get3A_136] {strides = array<i32>} : memref<80x128xf32, #tpu.memory_space<vmem>>, vector<1x16xf32>,
        %get3A_138 = vector.shape_cast %get3A_137 : vector<1x16xf32> to vector<16xf32>
        %get3A_139 = arith.index_cast %add3A_118 : i32 to index
        %get3A_140 = arith.constant 16 : index
        %get3A_141 = tpu.vector_load %arg14[%get3A_139, %get3A_140] {strides = array<i32>} : memref<80x128xf32, #tpu.memory_space<vmem>>, vector<1x16xf32>,
        %get3A_142 = vector.shape_cast %get3A_141 : vector<1x16xf32> to vector<16xf32>
        %add3A_143 = arith.addf %get3A_138, %get3A_142 : vector<16xf32>
        %max3A_144 = arith.constant 0.000000e+00 : f32
        %max3A_145 = vector.broadcast %max3A_144 : f32 to vector<16xf32>
        %max3A_146 = arith.maximumf %add3A_143, %max3A_145 : vector<16xf32>
        %swap3A_147 = arith.index_cast %add3A_118 : i32 to index
        %swap3A_148 = arith.constant 16 : index
        %swap3A_149 = tpu.vector_load %arg13[%swap3A_147, %swap3A_148] {strides = array<i32>} : memref<80x128xf32, #tpu.memory_space<vmem>>, vector<1x16xf32>,
        %swap3A_150 = vector.shape_cast %swap3A_149 : vector<1x16xf32> to vector<16xf32>
        %swap3A_151 = vector.shape_cast %max3A_146 : vector<16xf32> to vector<1x16xf32>
        tpu.vector_store %arg13[%swap3A_147, %swap3A_148], %swap3A_151 {strides = array<i32>} : memref<80x128xf32, #tpu.memory_space<vmem>>, vector<1x16xf32>,
        %get3A_152 = arith.index_cast %add3A_118 : i32 to index
        %get3A_153 = arith.constant 32 : index
        %get3A_154 = tpu.vector_load %arg13[%get3A_152, %get3A_153] {strides = array<i32>} : memref<80x128xf32, #tpu.memory_space<vmem>>, vector<1x16xf32>,
        %get3A_155 = vector.shape_cast %get3A_154 : vector<1x16xf32> to vector<16xf32>
        %get3A_156 = arith.index_cast %add3A_118 : i32 to index
        %get3A_157 = arith.constant 32 : index
        %get3A_158 = tpu.vector_load %arg14[%get3A_156, %get3A_157] {strides = array<i32>} : memref<80x128xf32, #tpu.memory_space<vmem>>, vector<1x16xf32>,
        %get3A_159 = vector.shape_cast %get3A_158 : vector<1x16xf32> to vector<16xf32>
        %add3A_160 = arith.addf %get3A_155, %get3A_159 : vector<16xf32>
        %max3A_161 = arith.constant 0.000000e+00 : f32
        %max3A_162 = vector.broadcast %max3A_161 : f32 to vector<16xf32>
        %max3A_163 = arith.maximumf %add3A_160, %max3A_162 : vector<16xf32>
        %swap3A_164 = arith.index_cast %add3A_118 : i32 to index
        %swap3A_165 = arith.constant 32 : index
        %swap3A_166 = tpu.vector_load %arg13[%swap3A_164, %swap3A_165] {strides = array<i32>} : memref<80x128xf32, #tpu.memory_space<vmem>>, vector<1x16xf32>,
        %swap3A_167 = vector.shape_cast %swap3A_166 : vector<1x16xf32> to vector<16xf32>
        %swap3A_168 = vector.shape_cast %max3A_163 : vector<16xf32> to vector<1x16xf32>
        tpu.vector_store %arg13[%swap3A_164, %swap3A_165], %swap3A_168 {strides = array<i32>} : memref<80x128xf32, #tpu.memory_space<vmem>>, vector<1x16xf32>,
        %get3A_169 = arith.index_cast %add3A_118 : i32 to index
        %get3A_170 = arith.constant 48 : index
        %get3A_171 = tpu.vector_load %arg13[%get3A_169, %get3A_170] {strides = array<i32>} : memref<80x128xf32, #tpu.memory_space<vmem>>, vector<1x16xf32>,
        %get3A_172 = vector.shape_cast %get3A_171 : vector<1x16xf32> to vector<16xf32>
        %get3A_173 = arith.index_cast %add3A_118 : i32 to index
        %get3A_174 = arith.constant 48 : index
        %get3A_175 = tpu.vector_load %arg14[%get3A_173, %get3A_174] {strides = array<i32>} : memref<80x128xf32, #tpu.memory_space<vmem>>, vector<1x16xf32>,
        %get3A_176 = vector.shape_cast %get3A_175 : vector<1x16xf32> to vector<16xf32>
        %add3A_177 = arith.addf %get3A_172, %get3A_176 : vector<16xf32>
        %max3A_178 = arith.constant 0.000000e+00 : f32
        %max3A_179 = vector.broadcast %max3A_178 : f32 to vector<16xf32>
        %max3A_180 = arith.maximumf %add3A_177, %max3A_179 : vector<16xf32>
        %swap3A_181 = arith.index_cast %add3A_118 : i32 to index
        %swap3A_182 = arith.constant 48 : index
        %swap3A_183 = tpu.vector_load %arg13[%swap3A_181, %swap3A_182] {strides = array<i32>} : memref<80x128xf32, #tpu.memory_space<vmem>>, vector<1x16xf32>,
        %swap3A_184 = vector.shape_cast %swap3A_183 : vector<1x16xf32> to vector<16xf32>
        %swap3A_185 = vector.shape_cast %max3A_180 : vector<16xf32> to vector<1x16xf32>
        tpu.vector_store %arg13[%swap3A_181, %swap3A_182], %swap3A_185 {strides = array<i32>} : memref<80x128xf32, #tpu.memory_space<vmem>>, vector<1x16xf32>,
        %get3A_186 = arith.index_cast %add3A_118 : i32 to index
        %get3A_187 = arith.constant 64 : index
        %get3A_188 = tpu.vector_load %arg13[%get3A_186, %get3A_187] {strides = array<i32>} : memref<80x128xf32, #tpu.memory_space<vmem>>, vector<1x16xf32>,
        %get3A_189 = vector.shape_cast %get3A_188 : vector<1x16xf32> to vector<16xf32>
        %get3A_190 = arith.index_cast %add3A_118 : i32 to index
        %get3A_191 = arith.constant 64 : index
        %get3A_192 = tpu.vector_load %arg14[%get3A_190, %get3A_191] {strides = array<i32>} : memref<80x128xf32, #tpu.memory_space<vmem>>, vector<1x16xf32>,
        %get3A_193 = vector.shape_cast %get3A_192 : vector<1x16xf32> to vector<16xf32>
        %add3A_194 = arith.addf %get3A_189, %get3A_193 : vector<16xf32>
        %max3A_195 = arith.constant 0.000000e+00 : f32
        %max3A_196 = vector.broadcast %max3A_195 : f32 to vector<16xf32>
        %max3A_197 = arith.maximumf %add3A_194, %max3A_196 : vector<16xf32>
        %swap3A_198 = arith.index_cast %add3A_118 : i32 to index
        %swap3A_199 = arith.constant 64 : index
        %swap3A_200 = tpu.vector_load %arg13[%swap3A_198, %swap3A_199] {strides = array<i32>} : memref<80x128xf32, #tpu.memory_space<vmem>>, vector<1x16xf32>,
        %swap3A_201 = vector.shape_cast %swap3A_200 : vector<1x16xf32> to vector<16xf32>
        %swap3A_202 = vector.shape_cast %max3A_197 : vector<16xf32> to vector<1x16xf32>
        tpu.vector_store %arg13[%swap3A_198, %swap3A_199], %swap3A_202 {strides = array<i32>} : memref<80x128xf32, #tpu.memory_space<vmem>>, vector<1x16xf32>,
        %get3A_203 = arith.index_cast %add3A_118 : i32 to index
        %get3A_204 = arith.constant 80 : index
        %get3A_205 = tpu.vector_load %arg13[%get3A_203, %get3A_204] {strides = array<i32>} : memref<80x128xf32, #tpu.memory_space<vmem>>, vector<1x16xf32>,
        %get3A_206 = vector.shape_cast %get3A_205 : vector<1x16xf32> to vector<16xf32>
        %get3A_207 = arith.index_cast %add3A_118 : i32 to index
        %get3A_208 = arith.constant 80 : index
        %get3A_209 = tpu.vector_load %arg14[%get3A_207, %get3A_208] {strides = array<i32>} : memref<80x128xf32, #tpu.memory_space<vmem>>, vector<1x16xf32>,
        %get3A_210 = vector.shape_cast %get3A_209 : vector<1x16xf32> to vector<16xf32>
        %add3A_211 = arith.addf %get3A_206, %get3A_210 : vector<16xf32>
        %max3A_212 = arith.constant 0.000000e+00 : f32
        %max3A_213 = vector.broadcast %max3A_212 : f32 to vector<16xf32>
        %max3A_214 = arith.maximumf %add3A_211, %max3A_213 : vector<16xf32>
        %swap3A_215 = arith.index_cast %add3A_118 : i32 to index
        %swap3A_216 = arith.constant 80 : index
        %swap3A_217 = tpu.vector_load %arg13[%swap3A_215, %swap3A_216] {strides = array<i32>} : memref<80x128xf32, #tpu.memory_space<vmem>>, vector<1x16xf32>,
        %swap3A_218 = vector.shape_cast %swap3A_217 : vector<1x16xf32> to vector<16xf32>
        %swap3A_219 = vector.shape_cast %max3A_214 : vector<16xf32> to vector<1x16xf32>
        tpu.vector_store %arg13[%swap3A_215, %swap3A_216], %swap3A_219 {strides = array<i32>} : memref<80x128xf32, #tpu.memory_space<vmem>>, vector<1x16xf32>,
        %get3A_220 = arith.index_cast %add3A_118 : i32 to index
        %get3A_221 = arith.constant 96 : index
        %get3A_222 = tpu.vector_load %arg13[%get3A_220, %get3A_221] {strides = array<i32>} : memref<80x128xf32, #tpu.memory_space<vmem>>, vector<1x16xf32>,
        %get3A_223 = vector.shape_cast %get3A_222 : vector<1x16xf32> to vector<16xf32>
        %get3A_224 = arith.index_cast %add3A_118 : i32 to index
        %get3A_225 = arith.constant 96 : index
        %get3A_226 = tpu.vector_load %arg14[%get3A_224, %get3A_225] {strides = array<i32>} : memref<80x128xf32, #tpu.memory_space<vmem>>, vector<1x16xf32>,
        %get3A_227 = vector.shape_cast %get3A_226 : vector<1x16xf32> to vector<16xf32>
        %add3A_228 = arith.addf %get3A_223, %get3A_227 : vector<16xf32>
        %max3A_229 = arith.constant 0.000000e+00 : f32
        %max3A_230 = vector.broadcast %max3A_229 : f32 to vector<16xf32>
        %max3A_231 = arith.maximumf %add3A_228, %max3A_230 : vector<16xf32>
        %swap3A_232 = arith.index_cast %add3A_118 : i32 to index
        %swap3A_233 = arith.constant 96 : index
        %swap3A_234 = tpu.vector_load %arg13[%swap3A_232, %swap3A_233] {strides = array<i32>} : memref<80x128xf32, #tpu.memory_space<vmem>>, vector<1x16xf32>,
        %swap3A_235 = vector.shape_cast %swap3A_234 : vector<1x16xf32> to vector<16xf32>
        %swap3A_236 = vector.shape_cast %max3A_231 : vector<16xf32> to vector<1x16xf32>
        tpu.vector_store %arg13[%swap3A_232, %swap3A_233], %swap3A_236 {strides = array<i32>} : memref<80x128xf32, #tpu.memory_space<vmem>>, vector<1x16xf32>,
        %get3A_237 = arith.index_cast %add3A_118 : i32 to index
        %get3A_238 = arith.constant 112 : index
        %get3A_239 = tpu.vector_load %arg13[%get3A_237, %get3A_238] {strides = array<i32>} : memref<80x128xf32, #tpu.memory_space<vmem>>, vector<1x16xf32>,
        %get3A_240 = vector.shape_cast %get3A_239 : vector<1x16xf32> to vector<16xf32>
        %get3A_241 = arith.index_cast %add3A_118 : i32 to index
        %get3A_242 = arith.constant 112 : index
        %get3A_243 = tpu.vector_load %arg14[%get3A_241, %get3A_242] {strides = array<i32>} : memref<80x128xf32, #tpu.memory_space<vmem>>, vector<1x16xf32>,
        %get3A_244 = vector.shape_cast %get3A_243 : vector<1x16xf32> to vector<16xf32>
        %add3A_245 = arith.addf %get3A_240, %get3A_244 : vector<16xf32>
        %max3A_246 = arith.constant 0.000000e+00 : f32
        %max3A_247 = vector.broadcast %max3A_246 : f32 to vector<16xf32>
        %max3A_248 = arith.maximumf %add3A_245, %max3A_247 : vector<16xf32>
        %swap3A_249 = arith.index_cast %add3A_118 : i32 to index
        %swap3A_250 = arith.constant 112 : index
        %swap3A_251 = tpu.vector_load %arg13[%swap3A_249, %swap3A_250] {strides = array<i32>} : memref<80x128xf32, #tpu.memory_space<vmem>>, vector<1x16xf32>,
        %swap3A_252 = vector.shape_cast %swap3A_251 : vector<1x16xf32> to vector<16xf32>
        %swap3A_253 = vector.shape_cast %max3A_248 : vector<16xf32> to vector<1x16xf32>
        tpu.vector_store %arg13[%swap3A_249, %swap3A_250], %swap3A_253 {strides = array<i32>} : memref<80x128xf32, #tpu.memory_space<vmem>>, vector<1x16xf32>,
        %mul3A_254 = arith.constant 2 : i32
        %mul3A_255 = arith.muli %scan3A_114, %mul3A_254 : i32
        %add3A_256 = arith.constant 1 : i32
        %add3A_257 = arith.addi %mul3A_255, %add3A_256 : i32
        %get3A_258 = arith.index_cast %add3A_257 : i32 to index
        %get3A_259 = arith.constant 0 : index
        %get3A_260 = tpu.vector_load %arg13[%get3A_258, %get3A_259] {strides = array<i32>} : memref<80x128xf32, #tpu.memory_space<vmem>>, vector<1x16xf32>,
        %get3A_261 = vector.shape_cast %get3A_260 : vector<1x16xf32> to vector<16xf32>
        %get3A_262 = arith.index_cast %add3A_257 : i32 to index
        %get3A_263 = arith.constant 0 : index
        %get3A_264 = tpu.vector_load %arg14[%get3A_262, %get3A_263] {strides = array<i32>} : memref<80x128xf32, #tpu.memory_space<vmem>>, vector<1x16xf32>,
        %get3A_265 = vector.shape_cast %get3A_264 : vector<1x16xf32> to vector<16xf32>
        %add3A_266 = arith.addf %get3A_261, %get3A_265 : vector<16xf32>
        %max3A_267 = arith.constant 0.000000e+00 : f32
        %max3A_268 = vector.broadcast %max3A_267 : f32 to vector<16xf32>
        %max3A_269 = arith.maximumf %add3A_266, %max3A_268 : vector<16xf32>
        %swap3A_270 = arith.index_cast %add3A_257 : i32 to index
        %swap3A_271 = arith.constant 0 : index
        %swap3A_272 = tpu.vector_load %arg13[%swap3A_270, %swap3A_271] {strides = array<i32>} : memref<80x128xf32, #tpu.memory_space<vmem>>, vector<1x16xf32>,
        %swap3A_273 = vector.shape_cast %swap3A_272 : vector<1x16xf32> to vector<16xf32>
        %swap3A_274 = vector.shape_cast %max3A_269 : vector<16xf32> to vector<1x16xf32>
        tpu.vector_store %arg13[%swap3A_270, %swap3A_271], %swap3A_274 {strides = array<i32>} : memref<80x128xf32, #tpu.memory_space<vmem>>, vector<1x16xf32>,
        %get3A_275 = arith.index_cast %add3A_257 : i32 to index
        %get3A_276 = arith.constant 16 : index
        %get3A_277 = tpu.vector_load %arg13[%get3A_275, %get3A_276] {strides = array<i32>} : memref<80x128xf32, #tpu.memory_space<vmem>>, vector<1x16xf32>,
        %get3A_278 = vector.shape_cast %get3A_277 : vector<1x16xf32> to vector<16xf32>
        %get3A_279 = arith.index_cast %add3A_257 : i32 to index
        %get3A_280 = arith.constant 16 : index
        %get3A_281 = tpu.vector_load %arg14[%get3A_279, %get3A_280] {strides = array<i32>} : memref<80x128xf32, #tpu.memory_space<vmem>>, vector<1x16xf32>,
        %get3A_282 = vector.shape_cast %get3A_281 : vector<1x16xf32> to vector<16xf32>
        %add3A_283 = arith.addf %get3A_278, %get3A_282 : vector<16xf32>
        %max3A_284 = arith.constant 0.000000e+00 : f32
        %max3A_285 = vector.broadcast %max3A_284 : f32 to vector<16xf32>
        %max3A_286 = arith.maximumf %add3A_283, %max3A_285 : vector<16xf32>
        %swap3A_287 = arith.index_cast %add3A_257 : i32 to index
        %swap3A_288 = arith.constant 16 : index
        %swap3A_289 = tpu.vector_load %arg13[%swap3A_287, %swap3A_288] {strides = array<i32>} : memref<80x128xf32, #tpu.memory_space<vmem>>, vector<1x16xf32>,
        %swap3A_290 = vector.shape_cast %swap3A_289 : vector<1x16xf32> to vector<16xf32>
        %swap3A_291 = vector.shape_cast %max3A_286 : vector<16xf32> to vector<1x16xf32>
        tpu.vector_store %arg13[%swap3A_287, %swap3A_288], %swap3A_291 {strides = array<i32>} : memref<80x128xf32, #tpu.memory_space<vmem>>, vector<1x16xf32>,
        %get3A_292 = arith.index_cast %add3A_257 : i32 to index
        %get3A_293 = arith.constant 32 : index
        %get3A_294 = tpu.vector_load %arg13[%get3A_292, %get3A_293] {strides = array<i32>} : memref<80x128xf32, #tpu.memory_space<vmem>>, vector<1x16xf32>,
        %get3A_295 = vector.shape_cast %get3A_294 : vector<1x16xf32> to vector<16xf32>
        %get3A_296 = arith.index_cast %add3A_257 : i32 to index
        %get3A_297 = arith.constant 32 : index
        %get3A_298 = tpu.vector_load %arg14[%get3A_296, %get3A_297] {strides = array<i32>} : memref<80x128xf32, #tpu.memory_space<vmem>>, vector<1x16xf32>,
        %get3A_299 = vector.shape_cast %get3A_298 : vector<1x16xf32> to vector<16xf32>
        %add3A_300 = arith.addf %get3A_295, %get3A_299 : vector<16xf32>
        %max3A_301 = arith.constant 0.000000e+00 : f32
        %max3A_302 = vector.broadcast %max3A_301 : f32 to vector<16xf32>
        %max3A_303 = arith.maximumf %add3A_300, %max3A_302 : vector<16xf32>
        %swap3A_304 = arith.index_cast %add3A_257 : i32 to index
        %swap3A_305 = arith.constant 32 : index
        %swap3A_306 = tpu.vector_load %arg13[%swap3A_304, %swap3A_305] {strides = array<i32>} : memref<80x128xf32, #tpu.memory_space<vmem>>, vector<1x16xf32>,
        %swap3A_307 = vector.shape_cast %swap3A_306 : vector<1x16xf32> to vector<16xf32>
        %swap3A_308 = vector.shape_cast %max3A_303 : vector<16xf32> to vector<1x16xf32>
        tpu.vector_store %arg13[%swap3A_304, %swap3A_305], %swap3A_308 {strides = array<i32>} : memref<80x128xf32, #tpu.memory_space<vmem>>, vector<1x16xf32>,
        %get3A_309 = arith.index_cast %add3A_257 : i32 to index
        %get3A_310 = arith.constant 48 : index
        %get3A_311 = tpu.vector_load %arg13[%get3A_309, %get3A_310] {strides = array<i32>} : memref<80x128xf32, #tpu.memory_space<vmem>>, vector<1x16xf32>,
        %get3A_312 = vector.shape_cast %get3A_311 : vector<1x16xf32> to vector<16xf32>
        %get3A_313 = arith.index_cast %add3A_257 : i32 to index
        %get3A_314 = arith.constant 48 : index
        %get3A_315 = tpu.vector_load %arg14[%get3A_313, %get3A_314] {strides = array<i32>} : memref<80x128xf32, #tpu.memory_space<vmem>>, vector<1x16xf32>,
        %get3A_316 = vector.shape_cast %get3A_315 : vector<1x16xf32> to vector<16xf32>
        %add3A_317 = arith.addf %get3A_312, %get3A_316 : vector<16xf32>
        %max3A_318 = arith.constant 0.000000e+00 : f32
        %max3A_319 = vector.broadcast %max3A_318 : f32 to vector<16xf32>
        %max3A_320 = arith.maximumf %add3A_317, %max3A_319 : vector<16xf32>
        %swap3A_321 = arith.index_cast %add3A_257 : i32 to index
        %swap3A_322 = arith.constant 48 : index
        %swap3A_323 = tpu.vector_load %arg13[%swap3A_321, %swap3A_322] {strides = array<i32>} : memref<80x128xf32, #tpu.memory_space<vmem>>, vector<1x16xf32>,
        %swap3A_324 = vector.shape_cast %swap3A_323 : vector<1x16xf32> to vector<16xf32>
        %swap3A_325 = vector.shape_cast %max3A_320 : vector<16xf32> to vector<1x16xf32>
        tpu.vector_store %arg13[%swap3A_321, %swap3A_322], %swap3A_325 {strides = array<i32>} : memref<80x128xf32, #tpu.memory_space<vmem>>, vector<1x16xf32>,
        %get3A_326 = arith.index_cast %add3A_257 : i32 to index
        %get3A_327 = arith.constant 64 : index
        %get3A_328 = tpu.vector_load %arg13[%get3A_326, %get3A_327] {strides = array<i32>} : memref<80x128xf32, #tpu.memory_space<vmem>>, vector<1x16xf32>,
        %get3A_329 = vector.shape_cast %get3A_328 : vector<1x16xf32> to vector<16xf32>
        %get3A_330 = arith.index_cast %add3A_257 : i32 to index
        %get3A_331 = arith.constant 64 : index
        %get3A_332 = tpu.vector_load %arg14[%get3A_330, %get3A_331] {strides = array<i32>} : memref<80x128xf32, #tpu.memory_space<vmem>>, vector<1x16xf32>,
        %get3A_333 = vector.shape_cast %get3A_332 : vector<1x16xf32> to vector<16xf32>
        %add3A_334 = arith.addf %get3A_329, %get3A_333 : vector<16xf32>
        %max3A_335 = arith.constant 0.000000e+00 : f32
        %max3A_336 = vector.broadcast %max3A_335 : f32 to vector<16xf32>
        %max3A_337 = arith.maximumf %add3A_334, %max3A_336 : vector<16xf32>
        %swap3A_338 = arith.index_cast %add3A_257 : i32 to index
        %swap3A_339 = arith.constant 64 : index
        %swap3A_340 = tpu.vector_load %arg13[%swap3A_338, %swap3A_339] {strides = array<i32>} : memref<80x128xf32, #tpu.memory_space<vmem>>, vector<1x16xf32>,
        %swap3A_341 = vector.shape_cast %swap3A_340 : vector<1x16xf32> to vector<16xf32>
        %swap3A_342 = vector.shape_cast %max3A_337 : vector<16xf32> to vector<1x16xf32>
        tpu.vector_store %arg13[%swap3A_338, %swap3A_339], %swap3A_342 {strides = array<i32>} : memref<80x128xf32, #tpu.memory_space<vmem>>, vector<1x16xf32>,
        %get3A_343 = arith.index_cast %add3A_257 : i32 to index
        %get3A_344 = arith.constant 80 : index
        %get3A_345 = tpu.vector_load %arg13[%get3A_343, %get3A_344] {strides = array<i32>} : memref<80x128xf32, #tpu.memory_space<vmem>>, vector<1x16xf32>,
        %get3A_346 = vector.shape_cast %get3A_345 : vector<1x16xf32> to vector<16xf32>
        %get3A_347 = arith.index_cast %add3A_257 : i32 to index
        %get3A_348 = arith.constant 80 : index
        %get3A_349 = tpu.vector_load %arg14[%get3A_347, %get3A_348] {strides = array<i32>} : memref<80x128xf32, #tpu.memory_space<vmem>>, vector<1x16xf32>,
        %get3A_350 = vector.shape_cast %get3A_349 : vector<1x16xf32> to vector<16xf32>
        %add3A_351 = arith.addf %get3A_346, %get3A_350 : vector<16xf32>
        %max3A_352 = arith.constant 0.000000e+00 : f32
        %max3A_353 = vector.broadcast %max3A_352 : f32 to vector<16xf32>
        %max3A_354 = arith.maximumf %add3A_351, %max3A_353 : vector<16xf32>
        %swap3A_355 = arith.index_cast %add3A_257 : i32 to index
        %swap3A_356 = arith.constant 80 : index
        %swap3A_357 = tpu.vector_load %arg13[%swap3A_355, %swap3A_356] {strides = array<i32>} : memref<80x128xf32, #tpu.memory_space<vmem>>, vector<1x16xf32>,
        %swap3A_358 = vector.shape_cast %swap3A_357 : vector<1x16xf32> to vector<16xf32>
        %swap3A_359 = vector.shape_cast %max3A_354 : vector<16xf32> to vector<1x16xf32>
        tpu.vector_store %arg13[%swap3A_355, %swap3A_356], %swap3A_359 {strides = array<i32>} : memref<80x128xf32, #tpu.memory_space<vmem>>, vector<1x16xf32>,
        %get3A_360 = arith.index_cast %add3A_257 : i32 to index
        %get3A_361 = arith.constant 96 : index
        %get3A_362 = tpu.vector_load %arg13[%get3A_360, %get3A_361] {strides = array<i32>} : memref<80x128xf32, #tpu.memory_space<vmem>>, vector<1x16xf32>,
        %get3A_363 = vector.shape_cast %get3A_362 : vector<1x16xf32> to vector<16xf32>
        %get3A_364 = arith.index_cast %add3A_257 : i32 to index
        %get3A_365 = arith.constant 96 : index
        %get3A_366 = tpu.vector_load %arg14[%get3A_364, %get3A_365] {strides = array<i32>} : memref<80x128xf32, #tpu.memory_space<vmem>>, vector<1x16xf32>,
        %get3A_367 = vector.shape_cast %get3A_366 : vector<1x16xf32> to vector<16xf32>
        %add3A_368 = arith.addf %get3A_363, %get3A_367 : vector<16xf32>
        %max3A_369 = arith.constant 0.000000e+00 : f32
        %max3A_370 = vector.broadcast %max3A_369 : f32 to vector<16xf32>
        %max3A_371 = arith.maximumf %add3A_368, %max3A_370 : vector<16xf32>
        %swap3A_372 = arith.index_cast %add3A_257 : i32 to index
        %swap3A_373 = arith.constant 96 : index
        %swap3A_374 = tpu.vector_load %arg13[%swap3A_372, %swap3A_373] {strides = array<i32>} : memref<80x128xf32, #tpu.memory_space<vmem>>, vector<1x16xf32>,
        %swap3A_375 = vector.shape_cast %swap3A_374 : vector<1x16xf32> to vector<16xf32>
        %swap3A_376 = vector.shape_cast %max3A_371 : vector<16xf32> to vector<1x16xf32>
        tpu.vector_store %arg13[%swap3A_372, %swap3A_373], %swap3A_376 {strides = array<i32>} : memref<80x128xf32, #tpu.memory_space<vmem>>, vector<1x16xf32>,
        %get3A_377 = arith.index_cast %add3A_257 : i32 to index
        %get3A_378 = arith.constant 112 : index
        %get3A_379 = tpu.vector_load %arg13[%get3A_377, %get3A_378] {strides = array<i32>} : memref<80x128xf32, #tpu.memory_space<vmem>>, vector<1x16xf32>,
        %get3A_380 = vector.shape_cast %get3A_379 : vector<1x16xf32> to vector<16xf32>
        %get3A_381 = arith.index_cast %add3A_257 : i32 to index
        %get3A_382 = arith.constant 112 : index
        %get3A_383 = tpu.vector_load %arg14[%get3A_381, %get3A_382] {strides = array<i32>} : memref<80x128xf32, #tpu.memory_space<vmem>>, vector<1x16xf32>,
        %get3A_384 = vector.shape_cast %get3A_383 : vector<1x16xf32> to vector<16xf32>
        %add3A_385 = arith.addf %get3A_380, %get3A_384 : vector<16xf32>
        %max3A_386 = arith.constant 0.000000e+00 : f32
        %max3A_387 = vector.broadcast %max3A_386 : f32 to vector<16xf32>
        %max3A_388 = arith.maximumf %add3A_385, %max3A_387 : vector<16xf32>
        %swap3A_389 = arith.index_cast %add3A_257 : i32 to index
        %swap3A_390 = arith.constant 112 : index
        %swap3A_391 = tpu.vector_load %arg13[%swap3A_389, %swap3A_390] {strides = array<i32>} : memref<80x128xf32, #tpu.memory_space<vmem>>, vector<1x16xf32>,
        %swap3A_392 = vector.shape_cast %swap3A_391 : vector<1x16xf32> to vector<16xf32>
        %swap3A_393 = vector.shape_cast %max3A_388 : vector<16xf32> to vector<1x16xf32>
        tpu.vector_store %arg13[%swap3A_389, %swap3A_390], %swap3A_393 {strides = array<i32>} : memref<80x128xf32, #tpu.memory_space<vmem>>, vector<1x16xf32>,
      }
      %scan3A_80 = arith.constant 40 : i32
      %get3A = arith.constant 1920 : index
      %get3A_81 = tpu.vector_load %arg11[%get3A] {strides = array<i32>} : memref<2000xi32, #tpu.memory_space<vmem>>, vector<16xi32>,
      %get3A_82 = vector.shape_cast %get3A_81 : vector<16xi32> to vector<16xi32>
      %swap3A = arith.constant 0 : index
      %swap3A_83 = tpu.vector_load %arg12[%swap3A] {strides = array<i32>} : memref<80xi32, #tpu.memory_space<vmem>>, vector<16xi32>,
      %swap3A_84 = vector.shape_cast %swap3A_83 : vector<16xi32> to vector<16xi32>
      %swap3A_85 = vector.shape_cast %get3A_82 : vector<16xi32> to vector<16xi32>
      tpu.vector_store %arg12[%swap3A], %swap3A_85 {strides = array<i32>} : memref<80xi32, #tpu.memory_space<vmem>>, vector<16xi32>,
      %get3A_86 = arith.constant 1936 : index
      %get3A_87 = tpu.vector_load %arg11[%get3A_86] {strides = array<i32>} : memref<2000xi32, #tpu.memory_space<vmem>>, vector<16xi32>,
      %get3A_88 = vector.shape_cast %get3A_87 : vector<16xi32> to vector<16xi32>
      %swap3A_89 = arith.constant 16 : index
      %swap3A_90 = tpu.vector_load %arg12[%swap3A_89] {strides = array<i32>} : memref<80xi32, #tpu.memory_space<vmem>>, vector<16xi32>,
      %swap3A_91 = vector.shape_cast %swap3A_90 : vector<16xi32> to vector<16xi32>
      %swap3A_92 = vector.shape_cast %get3A_88 : vector<16xi32> to vector<16xi32>
      tpu.vector_store %arg12[%swap3A_89], %swap3A_92 {strides = array<i32>} : memref<80xi32, #tpu.memory_space<vmem>>, vector<16xi32>,
      %get3A_93 = arith.constant 1952 : index
      %get3A_94 = tpu.vector_load %arg11[%get3A_93] {strides = array<i32>} : memref<2000xi32, #tpu.memory_space<vmem>>, vector<16xi32>,
      %get3A_95 = vector.shape_cast %get3A_94 : vector<16xi32> to vector<16xi32>
      %swap3A_96 = arith.constant 32 : index
      %swap3A_97 = tpu.vector_load %arg12[%swap3A_96] {strides = array<i32>} : memref<80xi32, #tpu.memory_space<vmem>>, vector<16xi32>,
      %swap3A_98 = vector.shape_cast %swap3A_97 : vector<16xi32> to vector<16xi32>
      %swap3A_99 = vector.shape_cast %get3A_95 : vector<16xi32> to vector<16xi32>
      tpu.vector_store %arg12[%swap3A_96], %swap3A_99 {strides = array<i32>} : memref<80xi32, #tpu.memory_space<vmem>>, vector<16xi32>,
      %get3A_100 = arith.constant 1968 : index
      %get3A_101 = tpu.vector_load %arg11[%get3A_100] {strides = array<i32>} : memref<2000xi32, #tpu.memory_space<vmem>>, vector<16xi32>,
      %get3A_102 = vector.shape_cast %get3A_101 : vector<16xi32> to vector<16xi32>
      %swap3A_103 = arith.constant 48 : index
      %swap3A_104 = tpu.vector_load %arg12[%swap3A_103] {strides = array<i32>} : memref<80xi32, #tpu.memory_space<vmem>>, vector<16xi32>,
      %swap3A_105 = vector.shape_cast %swap3A_104 : vector<16xi32> to vector<16xi32>
      %swap3A_106 = vector.shape_cast %get3A_102 : vector<16xi32> to vector<16xi32>
      tpu.vector_store %arg12[%swap3A_103], %swap3A_106 {strides = array<i32>} : memref<80xi32, #tpu.memory_space<vmem>>, vector<16xi32>,
      %get3A_107 = arith.constant 1984 : index
      %get3A_108 = tpu.vector_load %arg11[%get3A_107] {strides = array<i32>} : memref<2000xi32, #tpu.memory_space<vmem>>, vector<16xi32>,
      %get3A_109 = vector.shape_cast %get3A_108 : vector<16xi32> to vector<16xi32>
      %swap3A_110 = arith.constant 64 : index
      %swap3A_111 = tpu.vector_load %arg12[%swap3A_110] {strides = array<i32>} : memref<80xi32, #tpu.memory_space<vmem>>, vector<16xi32>,
      %swap3A_112 = vector.shape_cast %swap3A_111 : vector<16xi32> to vector<16xi32>
      %swap3A_113 = vector.shape_cast %get3A_109 : vector<16xi32> to vector<16xi32>
      tpu.vector_store %arg12[%swap3A_110], %swap3A_113 {strides = array<i32>} : memref<80xi32, #tpu.memory_space<vmem>>, vector<16xi32>,
      "tpu.region"() ({
        %run_scoped3A = tpu.sem_alloc : memref<!tpu.dma_semaphore, #tpu.memory_space<semaphore_mem>>
        %dma_start3A_114 = arith.constant 0 : i32
        %dma_start3A_115 = arith.constant 0 : i32
        %dma_start3A_116 = tpu.memref_slice %arg8[%dma_start3A_114, %dma_start3A_115] : memref<10112x128xf32, #tpu.memory_space<vmem_shared>> -> memref<10112x128xf32, #tpu.memory_space<vmem_shared>>
        tpu.enqueue_indirect_dma source(%arg13 : memref<80x128xf32, #tpu.memory_space<vmem>>) target(%dma_start3A_116 : memref<10112x128xf32, #tpu.memory_space<vmem_shared>>) offsets(%arg12 : memref<80xi32, #tpu.memory_space<vmem>>) semaphore(%run_scoped3A : memref<!tpu.dma_semaphore, #tpu.memory_space<semaphore_mem>>) {add = true}
        %dma_wait3A_117 = arith.constant 0 : i32
        %dma_wait3A_118 = arith.constant 0 : i32
        %dma_wait3A_119 = tpu.memref_slice %arg8[%dma_wait3A_117, %dma_wait3A_118] : memref<10112x128xf32, #tpu.memory_space<vmem_shared>> -> memref<10112x128xf32, #tpu.memory_space<vmem_shared>>
        tpu.wait_indirect_dma semaphore(%run_scoped3A : memref<!tpu.dma_semaphore, #tpu.memory_space<semaphore_mem>>) src(%arg13 : memref<80x128xf32, #tpu.memory_space<vmem>>) dst(%dma_wait3A_119 : memref<10112x128xf32, #tpu.memory_space<vmem_shared>>)
        tpu.yield
      }) : () -> ()
    }
    %scan3A_31 = arith.constant 5 : i32
    %barrier3A_32 = arith.constant 0 : index
    tpu.barrier barrier_id(%barrier3A_32)
    "tpu.region"() ({
      %run_scoped3A = tpu.sem_alloc : memref<!tpu.dma_semaphore, #tpu.memory_space<semaphore_mem>>
      %dma_start3A = arith.constant 0 : i32
      %dma_start3A_33 = tpu.memref_slice %arg7[%arg0, %mul3A_7, %dma_start3A] : memref<2x10112x128xf32, #tpu.memory_space<hbm>> -> memref<1x632x128xf32, #tpu.memory_space<hbm>>
      %dma_start3A_34 = tpu.memref_squeeze %dma_start3A_33 : memref<1x632x128xf32, #tpu.memory_space<hbm>> -> memref<632x128xf32, #tpu.memory_space<hbm>>
      %dma_start3A_35 = arith.constant 0 : i32
      %dma_start3A_36 = tpu.memref_slice %arg8[%mul3A_7, %dma_start3A_35] : memref<10112x128xf32, #tpu.memory_space<vmem_shared>> -> memref<632x128xf32, #tpu.memory_space<vmem_shared>>
      tpu.enqueue_dma source(%dma_start3A_36 : memref<632x128xf32, #tpu.memory_space<vmem_shared>>) target(%dma_start3A_34 : memref<632x128xf32, #tpu.memory_space<hbm>>) target_semaphore(%run_scoped3A : memref<!tpu.dma_semaphore, #tpu.memory_space<semaphore_mem>>)
      %dma_wait3A = arith.constant 0 : i32
      %dma_wait3A_37 = tpu.memref_slice %arg7[%arg0, %mul3A_7, %dma_wait3A] : memref<2x10112x128xf32, #tpu.memory_space<hbm>> -> memref<1x632x128xf32, #tpu.memory_space<hbm>>
      %dma_wait3A_38 = tpu.memref_squeeze %dma_wait3A_37 : memref<1x632x128xf32, #tpu.memory_space<hbm>> -> memref<632x128xf32, #tpu.memory_space<hbm>>
      %dma_wait3A_39 = arith.constant 0 : i32
      %dma_wait3A_40 = tpu.memref_slice %arg8[%mul3A_7, %dma_wait3A_39] : memref<10112x128xf32, #tpu.memory_space<vmem_shared>> -> memref<632x128xf32, #tpu.memory_space<vmem_shared>>
      tpu.wait_dma2 semaphore(%run_scoped3A : memref<!tpu.dma_semaphore, #tpu.memory_space<semaphore_mem>>) src(%dma_wait3A_40 : memref<632x128xf32, #tpu.memory_space<vmem_shared>>) dst(%dma_wait3A_38 : memref<632x128xf32, #tpu.memory_space<hbm>>)
      tpu.yield
    }) : () -> ()
    return
  }
}

module attributes {stable_mosaic.version = 14 : i64} {
  func.func @_tc1_body(%arg0: i32, %arg1: memref<2000x1xi32, #tpu.memory_space<vmem>>, %arg2: memref<2000x128xf32, #tpu.memory_space<vmem>>, %arg3: memref<2000x128xf32, #tpu.memory_space<vmem>>, %arg4: memref<16x128xf32, #tpu.memory_space<vmem>>, %arg5: memref<128x128xf32, #tpu.memory_space<vmem>>, %arg6: memref<128x128xf32, #tpu.memory_space<vmem>>, %arg7: memref<128x128xf32, #tpu.memory_space<vmem>>, %arg8: memref<128x128xf32, #tpu.memory_space<vmem>>, %arg9: memref<2000x128xf32, #tpu.memory_space<vmem>>, %arg10: memref<2000x128xf32, #tpu.memory_space<vmem>>, %arg11: memref<2000x128xf32, #tpu.memory_space<vmem>>) attributes {dimension_semantics = [#tpu.dimension_semantics<arbitrary>], iteration_bounds = array<i64: 5>, scalar_prefetch = 0 : i64, scratch_operands = 0 : i64, tpu.core_type = #tpu.core_type<tc>, window_params = [{transform_indices = @transform_0, window_bounds = array<i64: 2000, 1>}, {transform_indices = @transform_1, window_bounds = array<i64: 2000, 128>}, {transform_indices = @transform_2, window_bounds = array<i64: 2000, 128>}, {pipeline_mode = #tpu.pipeline_mode<synchronous>, transform_indices = @transform_3, window_bounds = array<i64: 16, 128>}, {pipeline_mode = #tpu.pipeline_mode<synchronous>, transform_indices = @transform_4, window_bounds = array<i64: 128, 128>}, {pipeline_mode = #tpu.pipeline_mode<synchronous>, transform_indices = @transform_5, window_bounds = array<i64: 128, 128>}, {pipeline_mode = #tpu.pipeline_mode<synchronous>, transform_indices = @transform_6, window_bounds = array<i64: 128, 128>}, {pipeline_mode = #tpu.pipeline_mode<synchronous>, transform_indices = @transform_7, window_bounds = array<i64: 128, 128>}, {transform_indices = @transform_8, window_bounds = array<i64: 2000, 128>}, {transform_indices = @transform_9, window_bounds = array<i64: 2000, 128>}, {transform_indices = @transform_10, window_bounds = array<i64: 2000, 128>}]} {
    %get3A = arith.constant 0 : index
    %get3A_0 = arith.constant 0 : index
    %get3A_1 = vector.load %arg1[%get3A, %get3A_0] : memref<2000x1xi32, #tpu.memory_space<vmem>>, vector<2000x1xi32>
    %iota3A = tpu.iota {dimensions = array<i32: 1>} : vector<2000x16xi32>
    %eq3A = vector.broadcast %get3A_1 : vector<2000x1xi32> to vector<2000x16xi32>
    %eq3A_2 = arith.cmpi eq, %eq3A, %iota3A : vector<2000x16xi32>
    %convert_element_type3A = arith.extui %eq3A_2 : vector<2000x16xi1> to vector<2000x16xi32>
    %convert_element_type3A_3 = arith.sitofp %convert_element_type3A : vector<2000x16xi32> to vector<2000x16xf32>
    %get3A_4 = arith.constant 0 : index
    %get3A_5 = arith.constant 0 : index
    %get3A_6 = vector.load %arg4[%get3A_4, %get3A_5] : memref<16x128xf32, #tpu.memory_space<vmem>>, vector<16x128xf32>
    %dot_general3A = arith.constant dense<0.000000e+00> : vector<2000x128xf32>
    %dot_general3A_7 = tpu.matmul %convert_element_type3A_3, %get3A_6, %dot_general3A {dimension_numbers = #tpu.dot_dimension_numbers<[1], [0], [0], [1], [0, 0, 1, 1], [], []>, transpose_lhs_hint = false} : vector<2000x16xf32>, vector<16x128xf32>, vector<2000x128xf32> -> vector<2000x128xf32>
    %get3A_8 = arith.constant 0 : index
    %get3A_9 = arith.constant 0 : index
    %get3A_10 = vector.load %arg2[%get3A_8, %get3A_9] : memref<2000x128xf32, #tpu.memory_space<vmem>>, vector<2000x128xf32>
    %get3A_11 = arith.constant 0 : index
    %get3A_12 = arith.constant 0 : index
    %get3A_13 = vector.load %arg5[%get3A_11, %get3A_12] : memref<128x128xf32, #tpu.memory_space<vmem>>, vector<128x128xf32>
    %dot_general3A_14 = arith.constant dense<0.000000e+00> : vector<2000x128xf32>
    %dot_general3A_15 = tpu.matmul %get3A_10, %get3A_13, %dot_general3A_14 {dimension_numbers = #tpu.dot_dimension_numbers<[1], [0], [0], [1], [0, 0, 1, 1], [], []>, transpose_lhs_hint = false} : vector<2000x128xf32>, vector<128x128xf32>, vector<2000x128xf32> -> vector<2000x128xf32>
    %get3A_16 = arith.constant 0 : index
    %get3A_17 = arith.constant 0 : index
    %get3A_18 = vector.load %arg6[%get3A_16, %get3A_17] : memref<128x128xf32, #tpu.memory_space<vmem>>, vector<128x128xf32>
    %dot_general3A_19 = arith.constant dense<0.000000e+00> : vector<2000x128xf32>
    %dot_general3A_20 = tpu.matmul %dot_general3A_7, %get3A_18, %dot_general3A_19 {dimension_numbers = #tpu.dot_dimension_numbers<[1], [0], [0], [1], [0, 0, 1, 1], [], []>, transpose_lhs_hint = false} : vector<2000x128xf32>, vector<128x128xf32>, vector<2000x128xf32> -> vector<2000x128xf32>
    %add3A = arith.addf %dot_general3A_15, %dot_general3A_20 : vector<2000x128xf32>
    %max3A = arith.constant 0.000000e+00 : f32
    %max3A_21 = vector.broadcast %max3A : f32 to vector<2000x128xf32>
    %max3A_22 = arith.maximumf %add3A, %max3A_21 : vector<2000x128xf32>
    %add3A_23 = arith.addf %get3A_10, %max3A_22 : vector<2000x128xf32>
    %swap3A = arith.constant 0 : index
    %swap3A_24 = arith.constant 0 : index
    %swap3A_25 = vector.load %arg9[%swap3A, %swap3A_24] : memref<2000x128xf32, #tpu.memory_space<vmem>>, vector<2000x128xf32>
    tpu.vector_store %arg9[%swap3A, %swap3A_24], %add3A_23 {strides = array<i32>} : memref<2000x128xf32, #tpu.memory_space<vmem>>, vector<2000x128xf32>,
    %get3A_26 = arith.constant 0 : index
    %get3A_27 = arith.constant 0 : index
    %get3A_28 = vector.load %arg8[%get3A_26, %get3A_27] : memref<128x128xf32, #tpu.memory_space<vmem>>, vector<128x128xf32>
    %dot_general3A_29 = arith.constant dense<0.000000e+00> : vector<2000x128xf32>
    %dot_general3A_30 = tpu.matmul %add3A_23, %get3A_28, %dot_general3A_29 {dimension_numbers = #tpu.dot_dimension_numbers<[1], [0], [0], [1], [0, 0, 1, 1], [], []>, transpose_lhs_hint = false} : vector<2000x128xf32>, vector<128x128xf32>, vector<2000x128xf32> -> vector<2000x128xf32>
    %swap3A_31 = arith.constant 0 : index
    %swap3A_32 = arith.constant 0 : index
    %swap3A_33 = vector.load %arg10[%swap3A_31, %swap3A_32] : memref<2000x128xf32, #tpu.memory_space<vmem>>, vector<2000x128xf32>
    tpu.vector_store %arg10[%swap3A_31, %swap3A_32], %dot_general3A_30 {strides = array<i32>} : memref<2000x128xf32, #tpu.memory_space<vmem>>, vector<2000x128xf32>,
    %get3A_34 = arith.constant 0 : index
    %get3A_35 = arith.constant 0 : index
    %get3A_36 = vector.load %arg3[%get3A_34, %get3A_35] : memref<2000x128xf32, #tpu.memory_space<vmem>>, vector<2000x128xf32>
    %get3A_37 = arith.constant 0 : index
    %get3A_38 = arith.constant 0 : index
    %get3A_39 = vector.load %arg7[%get3A_37, %get3A_38] : memref<128x128xf32, #tpu.memory_space<vmem>>, vector<128x128xf32>
    %dot_general3A_40 = arith.constant dense<0.000000e+00> : vector<2000x128xf32>
    %dot_general3A_41 = tpu.matmul %get3A_36, %get3A_39, %dot_general3A_40 {dimension_numbers = #tpu.dot_dimension_numbers<[1], [0], [0], [1], [0, 0, 1, 1], [], []>, transpose_lhs_hint = false} : vector<2000x128xf32>, vector<128x128xf32>, vector<2000x128xf32> -> vector<2000x128xf32>
    %max3A_42 = arith.constant 0.000000e+00 : f32
    %max3A_43 = vector.broadcast %max3A_42 : f32 to vector<2000x128xf32>
    %max3A_44 = arith.maximumf %dot_general3A_41, %max3A_43 : vector<2000x128xf32>
    %add3A_45 = arith.addf %get3A_36, %max3A_44 : vector<2000x128xf32>
    %get3A_46 = arith.constant 0 : index
    %get3A_47 = arith.constant 0 : index
    %get3A_48 = vector.load %arg8[%get3A_46, %get3A_47] : memref<128x128xf32, #tpu.memory_space<vmem>>, vector<128x128xf32>
    %dot_general3A_49 = arith.constant dense<0.000000e+00> : vector<2000x128xf32>
    %dot_general3A_50 = tpu.matmul %add3A_45, %get3A_48, %dot_general3A_49 {dimension_numbers = #tpu.dot_dimension_numbers<[1], [0], [0], [1], [0, 0, 1, 1], [], []>, transpose_lhs_hint = false} : vector<2000x128xf32>, vector<128x128xf32>, vector<2000x128xf32> -> vector<2000x128xf32>
    %swap3A_51 = arith.constant 0 : index
    %swap3A_52 = arith.constant 0 : index
    %swap3A_53 = vector.load %arg11[%swap3A_51, %swap3A_52] : memref<2000x128xf32, #tpu.memory_space<vmem>>, vector<2000x128xf32>
    tpu.vector_store %arg11[%swap3A_51, %swap3A_52], %dot_general3A_50 {strides = array<i32>} : memref<2000x128xf32, #tpu.memory_space<vmem>>, vector<2000x128xf32>,
    return
  }
  func.func @transform_0(%arg0: i32) -> (i32, i32) {
    %c0_i32 = arith.constant 0 : i32
    %c0_i32_0 = arith.constant 0 : i32
    return %arg0, %c0_i32 : i32, i32
  }
  func.func @transform_1(%arg0: i32) -> (i32, i32) {
    %c0_i32 = arith.constant 0 : i32
    %c0_i32_0 = arith.constant 0 : i32
    return %arg0, %c0_i32 : i32, i32
  }
  func.func @transform_2(%arg0: i32) -> (i32, i32) {
    %c0_i32 = arith.constant 0 : i32
    %c0_i32_0 = arith.constant 0 : i32
    return %arg0, %c0_i32 : i32, i32
  }
  func.func @transform_3(%arg0: i32) -> (i32, i32) {
    %c0_i32 = arith.constant 0 : i32
    %c0_i32_0 = arith.constant 0 : i32
    %c0_i32_1 = arith.constant 0 : i32
    return %c0_i32, %c0_i32_0 : i32, i32
  }
  func.func @transform_4(%arg0: i32) -> (i32, i32) {
    %c0_i32 = arith.constant 0 : i32
    %c0_i32_0 = arith.constant 0 : i32
    %c0_i32_1 = arith.constant 0 : i32
    return %c0_i32, %c0_i32_0 : i32, i32
  }
  func.func @transform_5(%arg0: i32) -> (i32, i32) {
    %c0_i32 = arith.constant 0 : i32
    %c0_i32_0 = arith.constant 0 : i32
    %c0_i32_1 = arith.constant 0 : i32
    return %c0_i32, %c0_i32_0 : i32, i32
  }
  func.func @transform_6(%arg0: i32) -> (i32, i32) {
    %c0_i32 = arith.constant 0 : i32
    %c0_i32_0 = arith.constant 0 : i32
    %c0_i32_1 = arith.constant 0 : i32
    return %c0_i32, %c0_i32_0 : i32, i32
  }
  func.func @transform_7(%arg0: i32) -> (i32, i32) {
    %c0_i32 = arith.constant 0 : i32
    %c0_i32_0 = arith.constant 0 : i32
    %c0_i32_1 = arith.constant 0 : i32
    return %c0_i32, %c0_i32_0 : i32, i32
  }
  func.func @transform_8(%arg0: i32) -> (i32, i32) {
    %c0_i32 = arith.constant 0 : i32
    %c0_i32_0 = arith.constant 0 : i32
    return %arg0, %c0_i32 : i32, i32
  }
  func.func @transform_9(%arg0: i32) -> (i32, i32) {
    %c0_i32 = arith.constant 0 : i32
    %c0_i32_0 = arith.constant 0 : i32
    return %arg0, %c0_i32 : i32, i32
  }
  func.func @transform_10(%arg0: i32) -> (i32, i32) {
    %c0_i32 = arith.constant 0 : i32
    %c0_i32_0 = arith.constant 0 : i32
    return %arg0, %c0_i32 : i32, i32
  }
}

module attributes {stable_mosaic.version = 14 : i64} {
  func.func @_tc2_body(%arg0: i32, %arg1: memref<2000x1xi32, #tpu.memory_space<vmem>>, %arg2: memref<2000x128xf32, #tpu.memory_space<vmem>>, %arg3: memref<2x2000x128xf32, #tpu.memory_space<vmem>>, %arg4: memref<128x128xf32, #tpu.memory_space<vmem>>, %arg5: memref<1x128xf32, #tpu.memory_space<vmem>>, %arg6: memref<1x128xf32, #tpu.memory_space<vmem>>, %arg7: memref<128x3xf32, #tpu.memory_space<vmem>>, %arg8: memref<3x128xf32, #tpu.memory_space<vmem>>, %arg9: memref<1x1xf32, #tpu.memory_space<vmem>>, %arg10: memref<16x3x128xf32, #tpu.memory_space<vmem>>, %arg11: memref<16x1xf32, #tpu.memory_space<vmem>>, %arg12: memref<3x16x128xf32, #tpu.memory_space<vmem>>, %arg13: memref<16x3xf32, #tpu.memory_space<vmem>>) attributes {dimension_semantics = [#tpu.dimension_semantics<arbitrary>], iteration_bounds = array<i64: 5>, scalar_prefetch = 0 : i64, scratch_operands = 2 : i64, tpu.core_type = #tpu.core_type<tc>, window_params = [{transform_indices = @transform_0, window_bounds = array<i64: 2000, 1>}, {transform_indices = @transform_1, window_bounds = array<i64: 2000, 128>}, {transform_indices = @transform_2, window_bounds = array<i64: 2, 2000, 128>}, {pipeline_mode = #tpu.pipeline_mode<synchronous>, transform_indices = @transform_3, window_bounds = array<i64: 128, 128>}, {pipeline_mode = #tpu.pipeline_mode<synchronous>, transform_indices = @transform_4, window_bounds = array<i64: 1, 128>}, {pipeline_mode = #tpu.pipeline_mode<synchronous>, transform_indices = @transform_5, window_bounds = array<i64: 1, 128>}, {pipeline_mode = #tpu.pipeline_mode<synchronous>, transform_indices = @transform_6, window_bounds = array<i64: 128, 3>}, {pipeline_mode = #tpu.pipeline_mode<synchronous>, transform_indices = @transform_7, window_bounds = array<i64: 3, 128>}, {pipeline_mode = #tpu.pipeline_mode<synchronous>, transform_indices = @transform_8, window_bounds = array<i64: 1, 1>}, {pipeline_mode = #tpu.pipeline_mode<synchronous>, transform_indices = @transform_9, window_bounds = array<i64: 16, 3, 128>}, {pipeline_mode = #tpu.pipeline_mode<synchronous>, transform_indices = @transform_10, window_bounds = array<i64: 16, 1>}]} {
    %eq3A = arith.constant 0 : i32
    %eq3A_0 = arith.cmpi eq, %arg0, %eq3A : i32
    %convert_element_type3A = arith.extui %eq3A_0 : i1 to i32
    %cond3A = arith.constant 0 : i32
    %cond3A_1 = arith.cmpi ne, %convert_element_type3A, %cond3A : i32
    scf.if %cond3A_1 {
      %broadcast_in_dim3A_124 = arith.constant 0.000000e+00 : f32
      %broadcast_in_dim3A_125 = vector.broadcast %broadcast_in_dim3A_124 : f32 to vector<3x16x128xf32>
      %swap3A_126 = arith.constant 0 : index
      %swap3A_127 = arith.constant 0 : index
      %swap3A_128 = arith.constant 0 : index
      %swap3A_129 = vector.load %arg12[%swap3A_126, %swap3A_127, %swap3A_128] : memref<3x16x128xf32, #tpu.memory_space<vmem>>, vector<3x16x128xf32>
      tpu.vector_store %arg12[%swap3A_126, %swap3A_127, %swap3A_128], %broadcast_in_dim3A_125 {strides = array<i32>} : memref<3x16x128xf32, #tpu.memory_space<vmem>>, vector<3x16x128xf32>,
      %broadcast_in_dim3A_130 = arith.constant 0.000000e+00 : f32
      %broadcast_in_dim3A_131 = vector.broadcast %broadcast_in_dim3A_130 : f32 to vector<16x3xf32>
      %swap3A_132 = arith.constant 0 : index
      %swap3A_133 = arith.constant 0 : index
      %swap3A_134 = vector.load %arg13[%swap3A_132, %swap3A_133] : memref<16x3xf32, #tpu.memory_space<vmem>>, vector<16x3xf32>
      tpu.vector_store %arg13[%swap3A_132, %swap3A_133], %broadcast_in_dim3A_131 {strides = array<i32>} : memref<16x3xf32, #tpu.memory_space<vmem>>, vector<16x3xf32>,
    } else {
    }
    %get3A = arith.constant 0 : index
    %get3A_2 = arith.constant 0 : index
    %get3A_3 = vector.load %arg1[%get3A, %get3A_2] : memref<2000x1xi32, #tpu.memory_space<vmem>>, vector<2000x1xi32>
    %iota3A = tpu.iota {dimensions = array<i32: 1>} : vector<2000x16xi32>
    %eq3A_4 = vector.broadcast %get3A_3 : vector<2000x1xi32> to vector<2000x16xi32>
    %eq3A_5 = arith.cmpi eq, %eq3A_4, %iota3A : vector<2000x16xi32>
    %convert_element_type3A_6 = arith.extui %eq3A_5 : vector<2000x16xi1> to vector<2000x16xi32>
    %convert_element_type3A_7 = arith.sitofp %convert_element_type3A_6 : vector<2000x16xi32> to vector<2000x16xf32>
    %get3A_8 = arith.constant 0 : index
    %get3A_9 = arith.constant 0 : index
    %get3A_10 = arith.constant 0 : index
    %get3A_11 = vector.load %arg3[%get3A_8, %get3A_9, %get3A_10] : memref<2x2000x128xf32, #tpu.memory_space<vmem>>, vector<1x2000x128xf32>
    %get3A_12 = vector.shape_cast %get3A_11 : vector<1x2000x128xf32> to vector<2000x128xf32>
    %get3A_13 = arith.constant 1 : index
    %get3A_14 = arith.constant 0 : index
    %get3A_15 = arith.constant 0 : index
    %get3A_16 = vector.load %arg3[%get3A_13, %get3A_14, %get3A_15] : memref<2x2000x128xf32, #tpu.memory_space<vmem>>, vector<1x2000x128xf32>
    %get3A_17 = vector.shape_cast %get3A_16 : vector<1x2000x128xf32> to vector<2000x128xf32>
    %add3A = arith.addf %get3A_12, %get3A_17 : vector<2000x128xf32>
    %get3A_18 = arith.constant 0 : index
    %get3A_19 = arith.constant 0 : index
    %get3A_20 = vector.load %arg4[%get3A_18, %get3A_19] : memref<128x128xf32, #tpu.memory_space<vmem>>, vector<128x128xf32>
    %dot_general3A = arith.constant dense<0.000000e+00> : vector<2000x128xf32>
    %dot_general3A_21 = tpu.matmul %add3A, %get3A_20, %dot_general3A {dimension_numbers = #tpu.dot_dimension_numbers<[1], [0], [0], [1], [0, 0, 1, 1], [], []>, transpose_lhs_hint = false} : vector<2000x128xf32>, vector<128x128xf32>, vector<2000x128xf32> -> vector<2000x128xf32>
    %max3A = arith.constant 0.000000e+00 : f32
    %max3A_22 = vector.broadcast %max3A : f32 to vector<2000x128xf32>
    %max3A_23 = arith.maximumf %dot_general3A_21, %max3A_22 : vector<2000x128xf32>
    %get3A_24 = arith.constant 0 : index
    %get3A_25 = arith.constant 0 : index
    %get3A_26 = vector.load %arg2[%get3A_24, %get3A_25] : memref<2000x128xf32, #tpu.memory_space<vmem>>, vector<2000x128xf32>
    %add3A_27 = arith.addf %get3A_26, %max3A_23 : vector<2000x128xf32>
    %reduce_sum3A = arith.constant dense<0.000000e+00> : vector<2000xf32>
    %reduce_sum3A_28 = vector.multi_reduction <add>, %add3A_27, %reduce_sum3A [1] : vector<2000x128xf32> to vector<2000xf32>
    %broadcast_in_dim3A = vector.shape_cast %reduce_sum3A_28 : vector<2000xf32> to vector<2000x1xf32>
    %div3A = arith.constant 1.280000e+02 : f32
    %div3A_29 = vector.broadcast %div3A : f32 to vector<2000x1xf32>
    %div3A_30 = arith.divf %broadcast_in_dim3A, %div3A_29 : vector<2000x1xf32>
    %sub3A = vector.broadcast %div3A_30 : vector<2000x1xf32> to vector<2000x128xf32>
    %sub3A_31 = arith.subf %add3A_27, %sub3A : vector<2000x128xf32>
    %mul3A = arith.mulf %sub3A_31, %sub3A_31 : vector<2000x128xf32>
    %reduce_sum3A_32 = arith.constant dense<0.000000e+00> : vector<2000xf32>
    %reduce_sum3A_33 = vector.multi_reduction <add>, %mul3A, %reduce_sum3A_32 [1] : vector<2000x128xf32> to vector<2000xf32>
    %broadcast_in_dim3A_34 = vector.shape_cast %reduce_sum3A_33 : vector<2000xf32> to vector<2000x1xf32>
    %div3A_35 = arith.constant 1.280000e+02 : f32
    %div3A_36 = vector.broadcast %div3A_35 : f32 to vector<2000x1xf32>
    %div3A_37 = arith.divf %broadcast_in_dim3A_34, %div3A_36 : vector<2000x1xf32>
    %add3A_38 = arith.constant 9.99999974E-6 : f32
    %add3A_39 = vector.broadcast %add3A_38 : f32 to vector<2000x1xf32>
    %add3A_40 = arith.addf %div3A_37, %add3A_39 : vector<2000x1xf32>
    %rsqrt3A = math.rsqrt %add3A_40 : vector<2000x1xf32>
    %mul3A_41 = vector.broadcast %rsqrt3A : vector<2000x1xf32> to vector<2000x128xf32>
    %mul3A_42 = arith.mulf %sub3A_31, %mul3A_41 : vector<2000x128xf32>
    %get3A_43 = arith.constant 0 : index
    %get3A_44 = arith.constant 0 : index
    %get3A_45 = vector.load %arg5[%get3A_43, %get3A_44] : memref<1x128xf32, #tpu.memory_space<vmem>>, vector<1x128xf32>
    %mul3A_46 = vector.broadcast %get3A_45 : vector<1x128xf32> to vector<2000x128xf32>
    %mul3A_47 = arith.mulf %mul3A_42, %mul3A_46 : vector<2000x128xf32>
    %get3A_48 = arith.constant 0 : index
    %get3A_49 = arith.constant 0 : index
    %get3A_50 = vector.load %arg6[%get3A_48, %get3A_49] : memref<1x128xf32, #tpu.memory_space<vmem>>, vector<1x128xf32>
    %add3A_51 = vector.broadcast %get3A_50 : vector<1x128xf32> to vector<2000x128xf32>
    %add3A_52 = arith.addf %mul3A_47, %add3A_51 : vector<2000x128xf32>
    %get3A_53 = arith.constant 0 : index
    %get3A_54 = arith.constant 0 : index
    %get3A_55 = vector.load %arg7[%get3A_53, %get3A_54] : memref<128x3xf32, #tpu.memory_space<vmem>>, vector<128x3xf32>
    %dot_general3A_56 = arith.constant dense<0.000000e+00> : vector<2000x3xf32>
    %dot_general3A_57 = tpu.matmul %add3A_52, %get3A_55, %dot_general3A_56 {dimension_numbers = #tpu.dot_dimension_numbers<[1], [0], [0], [1], [0, 0, 1, 1], [], []>, transpose_lhs_hint = false} : vector<2000x128xf32>, vector<128x3xf32>, vector<2000x3xf32> -> vector<2000x3xf32>
    %mul3A_58 = arith.constant 0.0883883461 : f32
    %mul3A_59 = vector.broadcast %mul3A_58 : f32 to vector<2000x3xf32>
    %mul3A_60 = arith.mulf %dot_general3A_57, %mul3A_59 : vector<2000x3xf32>
    %exp3A = math.exp %mul3A_60 : vector<2000x3xf32>
    %get3A_61 = arith.constant 0 : index
    %get3A_62 = arith.constant 0 : index
    %get3A_63 = vector.load %arg13[%get3A_61, %get3A_62] : memref<16x3xf32, #tpu.memory_space<vmem>>, vector<16x3xf32>
    %dot_general3A_64 = arith.constant dense<0.000000e+00> : vector<16x3xf32>
    %dot_general3A_65 = tpu.matmul %convert_element_type3A_7, %exp3A, %dot_general3A_64 {dimension_numbers = #tpu.dot_dimension_numbers<[0], [0], [1], [1], [0, 1, 1, 1], [], []>, transpose_lhs_hint = false} : vector<2000x16xf32>, vector<2000x3xf32>, vector<16x3xf32> -> vector<16x3xf32>
    %add3A_66 = arith.addf %get3A_63, %dot_general3A_65 : vector<16x3xf32>
    %swap3A = arith.constant 0 : index
    %swap3A_67 = arith.constant 0 : index
    %swap3A_68 = vector.load %arg13[%swap3A, %swap3A_67] : memref<16x3xf32, #tpu.memory_space<vmem>>, vector<16x3xf32>
    tpu.vector_store %arg13[%swap3A, %swap3A_67], %add3A_66 {strides = array<i32>} : memref<16x3xf32, #tpu.memory_space<vmem>>, vector<16x3xf32>,
    %slice3A = vector.extract_strided_slice %exp3A {offsets = [0, 0], sizes = [2000, 1], strides = [1, 1]} : vector<2000x3xf32> to vector<2000x1xf32>
    %mul3A_69 = vector.broadcast %slice3A : vector<2000x1xf32> to vector<2000x16xf32>
    %mul3A_70 = arith.mulf %convert_element_type3A_7, %mul3A_69 : vector<2000x16xf32>
    %get3A_71 = arith.constant 0 : index
    %get3A_72 = arith.constant 0 : index
    %get3A_73 = arith.constant 0 : index
    %get3A_74 = vector.load %arg12[%get3A_71, %get3A_72, %get3A_73] : memref<3x16x128xf32, #tpu.memory_space<vmem>>, vector<1x16x128xf32>
    %get3A_75 = vector.shape_cast %get3A_74 : vector<1x16x128xf32> to vector<16x128xf32>
    %dot_general3A_76 = arith.constant dense<0.000000e+00> : vector<16x128xf32>
    %dot_general3A_77 = tpu.matmul %mul3A_70, %add3A_52, %dot_general3A_76 {dimension_numbers = #tpu.dot_dimension_numbers<[0], [0], [1], [1], [0, 1, 1, 1], [], []>, transpose_lhs_hint = false} : vector<2000x16xf32>, vector<2000x128xf32>, vector<16x128xf32> -> vector<16x128xf32>
    %add3A_78 = arith.addf %get3A_75, %dot_general3A_77 : vector<16x128xf32>
    %swap3A_79 = arith.constant 0 : index
    %swap3A_80 = arith.constant 0 : index
    %swap3A_81 = arith.constant 0 : index
    %swap3A_82 = vector.load %arg12[%swap3A_79, %swap3A_80, %swap3A_81] : memref<3x16x128xf32, #tpu.memory_space<vmem>>, vector<1x16x128xf32>
    %swap3A_83 = vector.shape_cast %swap3A_82 : vector<1x16x128xf32> to vector<16x128xf32>
    %swap3A_84 = vector.shape_cast %add3A_78 : vector<16x128xf32> to vector<1x16x128xf32>
    tpu.vector_store %arg12[%swap3A_79, %swap3A_80, %swap3A_81], %swap3A_84 {strides = array<i32>} : memref<3x16x128xf32, #tpu.memory_space<vmem>>, vector<1x16x128xf32>,
    %slice3A_85 = vector.extract_strided_slice %exp3A {offsets = [0, 1], sizes = [2000, 1], strides = [1, 1]} : vector<2000x3xf32> to vector<2000x1xf32>
    %mul3A_86 = vector.broadcast %slice3A_85 : vector<2000x1xf32> to vector<2000x16xf32>
    %mul3A_87 = arith.mulf %convert_element_type3A_7, %mul3A_86 : vector<2000x16xf32>
    %get3A_88 = arith.constant 1 : index
    %get3A_89 = arith.constant 0 : index
    %get3A_90 = arith.constant 0 : index
    %get3A_91 = vector.load %arg12[%get3A_88, %get3A_89, %get3A_90] : memref<3x16x128xf32, #tpu.memory_space<vmem>>, vector<1x16x128xf32>
    %get3A_92 = vector.shape_cast %get3A_91 : vector<1x16x128xf32> to vector<16x128xf32>
    %dot_general3A_93 = arith.constant dense<0.000000e+00> : vector<16x128xf32>
    %dot_general3A_94 = tpu.matmul %mul3A_87, %add3A_52, %dot_general3A_93 {dimension_numbers = #tpu.dot_dimension_numbers<[0], [0], [1], [1], [0, 1, 1, 1], [], []>, transpose_lhs_hint = false} : vector<2000x16xf32>, vector<2000x128xf32>, vector<16x128xf32> -> vector<16x128xf32>
    %add3A_95 = arith.addf %get3A_92, %dot_general3A_94 : vector<16x128xf32>
    %swap3A_96 = arith.constant 1 : index
    %swap3A_97 = arith.constant 0 : index
    %swap3A_98 = arith.constant 0 : index
    %swap3A_99 = vector.load %arg12[%swap3A_96, %swap3A_97, %swap3A_98] : memref<3x16x128xf32, #tpu.memory_space<vmem>>, vector<1x16x128xf32>
    %swap3A_100 = vector.shape_cast %swap3A_99 : vector<1x16x128xf32> to vector<16x128xf32>
    %swap3A_101 = vector.shape_cast %add3A_95 : vector<16x128xf32> to vector<1x16x128xf32>
    tpu.vector_store %arg12[%swap3A_96, %swap3A_97, %swap3A_98], %swap3A_101 {strides = array<i32>} : memref<3x16x128xf32, #tpu.memory_space<vmem>>, vector<1x16x128xf32>,
    %slice3A_102 = vector.extract_strided_slice %exp3A {offsets = [0, 2], sizes = [2000, 1], strides = [1, 1]} : vector<2000x3xf32> to vector<2000x1xf32>
    %mul3A_103 = vector.broadcast %slice3A_102 : vector<2000x1xf32> to vector<2000x16xf32>
    %mul3A_104 = arith.mulf %convert_element_type3A_7, %mul3A_103 : vector<2000x16xf32>
    %get3A_105 = arith.constant 2 : index
    %get3A_106 = arith.constant 0 : index
    %get3A_107 = arith.constant 0 : index
    %get3A_108 = vector.load %arg12[%get3A_105, %get3A_106, %get3A_107] : memref<3x16x128xf32, #tpu.memory_space<vmem>>, vector<1x16x128xf32>
    %get3A_109 = vector.shape_cast %get3A_108 : vector<1x16x128xf32> to vector<16x128xf32>
    %dot_general3A_110 = arith.constant dense<0.000000e+00> : vector<16x128xf32>
    %dot_general3A_111 = tpu.matmul %mul3A_104, %add3A_52, %dot_general3A_110 {dimension_numbers = #tpu.dot_dimension_numbers<[0], [0], [1], [1], [0, 1, 1, 1], [], []>, transpose_lhs_hint = false} : vector<2000x16xf32>, vector<2000x128xf32>, vector<16x128xf32> -> vector<16x128xf32>
    %add3A_112 = arith.addf %get3A_109, %dot_general3A_111 : vector<16x128xf32>
    %swap3A_113 = arith.constant 2 : index
    %swap3A_114 = arith.constant 0 : index
    %swap3A_115 = arith.constant 0 : index
    %swap3A_116 = vector.load %arg12[%swap3A_113, %swap3A_114, %swap3A_115] : memref<3x16x128xf32, #tpu.memory_space<vmem>>, vector<1x16x128xf32>
    %swap3A_117 = vector.shape_cast %swap3A_116 : vector<1x16x128xf32> to vector<16x128xf32>
    %swap3A_118 = vector.shape_cast %add3A_112 : vector<16x128xf32> to vector<1x16x128xf32>
    tpu.vector_store %arg12[%swap3A_113, %swap3A_114, %swap3A_115], %swap3A_118 {strides = array<i32>} : memref<3x16x128xf32, #tpu.memory_space<vmem>>, vector<1x16x128xf32>,
    %eq3A_119 = arith.constant 4 : i32
    %eq3A_120 = arith.cmpi eq, %arg0, %eq3A_119 : i32
    %convert_element_type3A_121 = arith.extui %eq3A_120 : i1 to i32
    %cond3A_122 = arith.constant 0 : i32
    %cond3A_123 = arith.cmpi ne, %convert_element_type3A_121, %cond3A_122 : i32
    scf.if %cond3A_123 {
      %get3A_124 = arith.constant 0 : index
      %get3A_125 = arith.constant 0 : index
      %get3A_126 = vector.load %arg13[%get3A_124, %get3A_125] : memref<16x3xf32, #tpu.memory_space<vmem>>, vector<16x3xf32>
      %broadcast_in_dim3A_127 = arith.constant 0.000000e+00 : f32
      %broadcast_in_dim3A_128 = vector.broadcast %broadcast_in_dim3A_127 : f32 to vector<16x1xf32>
      %slice3A_129 = vector.extract_strided_slice %get3A_126 {offsets = [0, 0], sizes = [16, 1], strides = [1, 1]} : vector<16x3xf32> to vector<16x1xf32>
      %gt3A = arith.constant 0.000000e+00 : f32
      %gt3A_130 = vector.broadcast %gt3A : f32 to vector<16x1xf32>
      %gt3A_131 = arith.cmpf ogt, %slice3A_129, %gt3A_130 : vector<16x1xf32>
      %jit3A = arith.constant 1.000000e+00 : f32
      %broadcast_in_dim3A_132 = vector.broadcast %jit3A : f32 to vector<16x1xf32>
      %select_n3A = arith.select %gt3A_131, %slice3A_129, %broadcast_in_dim3A_132 : vector<16x1xi1>, vector<16x1xf32>
      %gt3A_133 = arith.constant 0.000000e+00 : f32
      %gt3A_134 = vector.broadcast %gt3A_133 : f32 to vector<16x1xf32>
      %gt3A_135 = arith.cmpf ogt, %slice3A_129, %gt3A_134 : vector<16x1xf32>
      %get3A_136 = arith.constant 0 : index
      %get3A_137 = arith.constant 0 : index
      %get3A_138 = arith.constant 0 : index
      %get3A_139 = vector.load %arg12[%get3A_136, %get3A_137, %get3A_138] : memref<3x16x128xf32, #tpu.memory_space<vmem>>, vector<1x16x128xf32>
      %get3A_140 = vector.shape_cast %get3A_139 : vector<1x16x128xf32> to vector<16x128xf32>
      %div3A_141 = vector.broadcast %select_n3A : vector<16x1xf32> to vector<16x128xf32>
      %div3A_142 = arith.divf %get3A_140, %div3A_141 : vector<16x128xf32>
      %jit3A_143 = arith.constant 0.000000e+00 : f32
      %broadcast_in_dim3A_144 = vector.shape_cast %gt3A_135 : vector<16x1xi1> to vector<16x1xi1>
      %broadcast_in_dim3A_145 = vector.broadcast %broadcast_in_dim3A_144 : vector<16x1xi1> to vector<16x128xi1>
      %broadcast_in_dim3A_146 = vector.broadcast %jit3A_143 : f32 to vector<16x128xf32>
      %select_n3A_147 = arith.select %broadcast_in_dim3A_145, %div3A_142, %broadcast_in_dim3A_146 : vector<16x128xi1>, vector<16x128xf32>
      %swap3A_148 = arith.constant 0 : index
      %swap3A_149 = arith.constant 0 : index
      %swap3A_150 = arith.constant 0 : index
      %swap3A_151 = vector.load %arg10[%swap3A_148, %swap3A_149, %swap3A_150] : memref<16x3x128xf32, #tpu.memory_space<vmem>>, vector<16x1x128xf32>
      %swap3A_152 = vector.shape_cast %swap3A_151 : vector<16x1x128xf32> to vector<16x128xf32>
      %swap3A_153 = vector.shape_cast %select_n3A_147 : vector<16x128xf32> to vector<16x1x128xf32>
      tpu.vector_store %arg10[%swap3A_148, %swap3A_149, %swap3A_150], %swap3A_153 {strides = array<i32>} : memref<16x3x128xf32, #tpu.memory_space<vmem>>, vector<16x1x128xf32>,
      %get3A_154 = arith.constant 0 : index
      %get3A_155 = arith.constant 0 : index
      %get3A_156 = vector.load %arg8[%get3A_154, %get3A_155] : memref<3x128xf32, #tpu.memory_space<vmem>>, vector<1x128xf32>
      %mul3A_157 = vector.broadcast %get3A_156 : vector<1x128xf32> to vector<16x128xf32>
      %mul3A_158 = arith.mulf %select_n3A_147, %mul3A_157 : vector<16x128xf32>
      %reduce_sum3A_159 = arith.constant dense<0.000000e+00> : vector<16xf32>
      %reduce_sum3A_160 = vector.multi_reduction <add>, %mul3A_158, %reduce_sum3A_159 [1] : vector<16x128xf32> to vector<16xf32>
      %broadcast_in_dim3A_161 = vector.shape_cast %reduce_sum3A_160 : vector<16xf32> to vector<16x1xf32>
      %add3A_162 = arith.addf %broadcast_in_dim3A_128, %broadcast_in_dim3A_161 : vector<16x1xf32>
      %slice3A_163 = vector.extract_strided_slice %get3A_126 {offsets = [0, 1], sizes = [16, 1], strides = [1, 1]} : vector<16x3xf32> to vector<16x1xf32>
      %gt3A_164 = arith.constant 0.000000e+00 : f32
      %gt3A_165 = vector.broadcast %gt3A_164 : f32 to vector<16x1xf32>
      %gt3A_166 = arith.cmpf ogt, %slice3A_163, %gt3A_165 : vector<16x1xf32>
      %jit3A_167 = arith.constant 1.000000e+00 : f32
      %broadcast_in_dim3A_168 = vector.broadcast %jit3A_167 : f32 to vector<16x1xf32>
      %select_n3A_169 = arith.select %gt3A_166, %slice3A_163, %broadcast_in_dim3A_168 : vector<16x1xi1>, vector<16x1xf32>
      %gt3A_170 = arith.constant 0.000000e+00 : f32
      %gt3A_171 = vector.broadcast %gt3A_170 : f32 to vector<16x1xf32>
      %gt3A_172 = arith.cmpf ogt, %slice3A_163, %gt3A_171 : vector<16x1xf32>
      %get3A_173 = arith.constant 1 : index
      %get3A_174 = arith.constant 0 : index
      %get3A_175 = arith.constant 0 : index
      %get3A_176 = vector.load %arg12[%get3A_173, %get3A_174, %get3A_175] : memref<3x16x128xf32, #tpu.memory_space<vmem>>, vector<1x16x128xf32>
      %get3A_177 = vector.shape_cast %get3A_176 : vector<1x16x128xf32> to vector<16x128xf32>
      %div3A_178 = vector.broadcast %select_n3A_169 : vector<16x1xf32> to vector<16x128xf32>
      %div3A_179 = arith.divf %get3A_177, %div3A_178 : vector<16x128xf32>
      %jit3A_180 = arith.constant 0.000000e+00 : f32
      %broadcast_in_dim3A_181 = vector.shape_cast %gt3A_172 : vector<16x1xi1> to vector<16x1xi1>
      %broadcast_in_dim3A_182 = vector.broadcast %broadcast_in_dim3A_181 : vector<16x1xi1> to vector<16x128xi1>
      %broadcast_in_dim3A_183 = vector.broadcast %jit3A_180 : f32 to vector<16x128xf32>
      %select_n3A_184 = arith.select %broadcast_in_dim3A_182, %div3A_179, %broadcast_in_dim3A_183 : vector<16x128xi1>, vector<16x128xf32>
      %swap3A_185 = arith.constant 0 : index
      %swap3A_186 = arith.constant 1 : index
      %swap3A_187 = arith.constant 0 : index
      %swap3A_188 = vector.load %arg10[%swap3A_185, %swap3A_186, %swap3A_187] : memref<16x3x128xf32, #tpu.memory_space<vmem>>, vector<16x1x128xf32>
      %swap3A_189 = vector.shape_cast %swap3A_188 : vector<16x1x128xf32> to vector<16x128xf32>
      %swap3A_190 = vector.shape_cast %select_n3A_184 : vector<16x128xf32> to vector<16x1x128xf32>
      tpu.vector_store %arg10[%swap3A_185, %swap3A_186, %swap3A_187], %swap3A_190 {strides = array<i32>} : memref<16x3x128xf32, #tpu.memory_space<vmem>>, vector<16x1x128xf32>,
      %get3A_191 = arith.constant 1 : index
      %get3A_192 = arith.constant 0 : index
      %get3A_193 = vector.load %arg8[%get3A_191, %get3A_192] : memref<3x128xf32, #tpu.memory_space<vmem>>, vector<1x128xf32>
      %mul3A_194 = vector.broadcast %get3A_193 : vector<1x128xf32> to vector<16x128xf32>
      %mul3A_195 = arith.mulf %select_n3A_184, %mul3A_194 : vector<16x128xf32>
      %reduce_sum3A_196 = arith.constant dense<0.000000e+00> : vector<16xf32>
      %reduce_sum3A_197 = vector.multi_reduction <add>, %mul3A_195, %reduce_sum3A_196 [1] : vector<16x128xf32> to vector<16xf32>
      %broadcast_in_dim3A_198 = vector.shape_cast %reduce_sum3A_197 : vector<16xf32> to vector<16x1xf32>
      %add3A_199 = arith.addf %add3A_162, %broadcast_in_dim3A_198 : vector<16x1xf32>
      %slice3A_200 = vector.extract_strided_slice %get3A_126 {offsets = [0, 2], sizes = [16, 1], strides = [1, 1]} : vector<16x3xf32> to vector<16x1xf32>
      %gt3A_201 = arith.constant 0.000000e+00 : f32
      %gt3A_202 = vector.broadcast %gt3A_201 : f32 to vector<16x1xf32>
      %gt3A_203 = arith.cmpf ogt, %slice3A_200, %gt3A_202 : vector<16x1xf32>
      %jit3A_204 = arith.constant 1.000000e+00 : f32
      %broadcast_in_dim3A_205 = vector.broadcast %jit3A_204 : f32 to vector<16x1xf32>
      %select_n3A_206 = arith.select %gt3A_203, %slice3A_200, %broadcast_in_dim3A_205 : vector<16x1xi1>, vector<16x1xf32>
      %gt3A_207 = arith.constant 0.000000e+00 : f32
      %gt3A_208 = vector.broadcast %gt3A_207 : f32 to vector<16x1xf32>
      %gt3A_209 = arith.cmpf ogt, %slice3A_200, %gt3A_208 : vector<16x1xf32>
      %get3A_210 = arith.constant 2 : index
      %get3A_211 = arith.constant 0 : index
      %get3A_212 = arith.constant 0 : index
      %get3A_213 = vector.load %arg12[%get3A_210, %get3A_211, %get3A_212] : memref<3x16x128xf32, #tpu.memory_space<vmem>>, vector<1x16x128xf32>
      %get3A_214 = vector.shape_cast %get3A_213 : vector<1x16x128xf32> to vector<16x128xf32>
      %div3A_215 = vector.broadcast %select_n3A_206 : vector<16x1xf32> to vector<16x128xf32>
      %div3A_216 = arith.divf %get3A_214, %div3A_215 : vector<16x128xf32>
      %jit3A_217 = arith.constant 0.000000e+00 : f32
      %broadcast_in_dim3A_218 = vector.shape_cast %gt3A_209 : vector<16x1xi1> to vector<16x1xi1>
      %broadcast_in_dim3A_219 = vector.broadcast %broadcast_in_dim3A_218 : vector<16x1xi1> to vector<16x128xi1>
      %broadcast_in_dim3A_220 = vector.broadcast %jit3A_217 : f32 to vector<16x128xf32>
      %select_n3A_221 = arith.select %broadcast_in_dim3A_219, %div3A_216, %broadcast_in_dim3A_220 : vector<16x128xi1>, vector<16x128xf32>
      %swap3A_222 = arith.constant 0 : index
      %swap3A_223 = arith.constant 2 : index
      %swap3A_224 = arith.constant 0 : index
      %swap3A_225 = vector.load %arg10[%swap3A_222, %swap3A_223, %swap3A_224] : memref<16x3x128xf32, #tpu.memory_space<vmem>>, vector<16x1x128xf32>
      %swap3A_226 = vector.shape_cast %swap3A_225 : vector<16x1x128xf32> to vector<16x128xf32>
      %swap3A_227 = vector.shape_cast %select_n3A_221 : vector<16x128xf32> to vector<16x1x128xf32>
      tpu.vector_store %arg10[%swap3A_222, %swap3A_223, %swap3A_224], %swap3A_227 {strides = array<i32>} : memref<16x3x128xf32, #tpu.memory_space<vmem>>, vector<16x1x128xf32>,
      %get3A_228 = arith.constant 2 : index
      %get3A_229 = arith.constant 0 : index
      %get3A_230 = vector.load %arg8[%get3A_228, %get3A_229] : memref<3x128xf32, #tpu.memory_space<vmem>>, vector<1x128xf32>
      %mul3A_231 = vector.broadcast %get3A_230 : vector<1x128xf32> to vector<16x128xf32>
      %mul3A_232 = arith.mulf %select_n3A_221, %mul3A_231 : vector<16x128xf32>
      %reduce_sum3A_233 = arith.constant dense<0.000000e+00> : vector<16xf32>
      %reduce_sum3A_234 = vector.multi_reduction <add>, %mul3A_232, %reduce_sum3A_233 [1] : vector<16x128xf32> to vector<16xf32>
      %broadcast_in_dim3A_235 = vector.shape_cast %reduce_sum3A_234 : vector<16xf32> to vector<16x1xf32>
      %add3A_236 = arith.addf %add3A_199, %broadcast_in_dim3A_235 : vector<16x1xf32>
      %get3A_237 = arith.constant 0 : index
      %get3A_238 = arith.constant 0 : index
      %get3A_239 = vector.load %arg9[%get3A_237, %get3A_238] : memref<1x1xf32, #tpu.memory_space<vmem>>, vector<1x1xf32>
      %add3A_240 = vector.broadcast %get3A_239 : vector<1x1xf32> to vector<16x1xf32>
      %add3A_241 = arith.addf %add3A_236, %add3A_240 : vector<16x1xf32>
      %max3A_242 = arith.constant 0.000000e+00 : f32
      %max3A_243 = vector.broadcast %max3A_242 : f32 to vector<16x1xf32>
      %max3A_244 = arith.maximumf %add3A_241, %max3A_243 : vector<16x1xf32>
      %swap3A_245 = arith.constant 0 : index
      %swap3A_246 = arith.constant 0 : index
      %swap3A_247 = vector.load %arg11[%swap3A_245, %swap3A_246] : memref<16x1xf32, #tpu.memory_space<vmem>>, vector<16x1xf32>
      tpu.vector_store %arg11[%swap3A_245, %swap3A_246], %max3A_244 {strides = array<i32>} : memref<16x1xf32, #tpu.memory_space<vmem>>, vector<16x1xf32>,
    } else {
    }
    return
  }
  func.func @transform_0(%arg0: i32) -> (i32, i32) {
    %c0_i32 = arith.constant 0 : i32
    %c0_i32_0 = arith.constant 0 : i32
    return %arg0, %c0_i32 : i32, i32
  }
  func.func @transform_1(%arg0: i32) -> (i32, i32) {
    %c0_i32 = arith.constant 0 : i32
    %c0_i32_0 = arith.constant 0 : i32
    return %arg0, %c0_i32 : i32, i32
  }
  func.func @transform_2(%arg0: i32) -> (i32, i32, i32) {
    %c0_i32 = arith.constant 0 : i32
    %c0_i32_0 = arith.constant 0 : i32
    %c0_i32_1 = arith.constant 0 : i32
    return %c0_i32, %arg0, %c0_i32_0 : i32, i32, i32
  }
  func.func @transform_3(%arg0: i32) -> (i32, i32) {
    %c0_i32 = arith.constant 0 : i32
    %c0_i32_0 = arith.constant 0 : i32
    %c0_i32_1 = arith.constant 0 : i32
    return %c0_i32, %c0_i32_0 : i32, i32
  }
  func.func @transform_4(%arg0: i32) -> (i32, i32) {
    %c0_i32 = arith.constant 0 : i32
    %c0_i32_0 = arith.constant 0 : i32
    %c0_i32_1 = arith.constant 0 : i32
    return %c0_i32, %c0_i32_0 : i32, i32
  }
  func.func @transform_5(%arg0: i32) -> (i32, i32) {
    %c0_i32 = arith.constant 0 : i32
    %c0_i32_0 = arith.constant 0 : i32
    %c0_i32_1 = arith.constant 0 : i32
    return %c0_i32, %c0_i32_0 : i32, i32
  }
  func.func @transform_6(%arg0: i32) -> (i32, i32) {
    %c0_i32 = arith.constant 0 : i32
    %c0_i32_0 = arith.constant 0 : i32
    %c0_i32_1 = arith.constant 0 : i32
    return %c0_i32, %c0_i32_0 : i32, i32
  }
  func.func @transform_7(%arg0: i32) -> (i32, i32) {
    %c0_i32 = arith.constant 0 : i32
    %c0_i32_0 = arith.constant 0 : i32
    %c0_i32_1 = arith.constant 0 : i32
    return %c0_i32, %c0_i32_0 : i32, i32
  }
  func.func @transform_8(%arg0: i32) -> (i32, i32) {
    %c0_i32 = arith.constant 0 : i32
    %c0_i32_0 = arith.constant 0 : i32
    %c0_i32_1 = arith.constant 0 : i32
    return %c0_i32, %c0_i32_0 : i32, i32
  }
  func.func @transform_9(%arg0: i32) -> (i32, i32, i32) {
    %c0_i32 = arith.constant 0 : i32
    %c0_i32_0 = arith.constant 0 : i32
    %c0_i32_1 = arith.constant 0 : i32
    %c0_i32_2 = arith.constant 0 : i32
    return %c0_i32, %c0_i32_0, %c0_i32_1 : i32, i32, i32
  }
  func.func @transform_10(%arg0: i32) -> (i32, i32) {
    %c0_i32 = arith.constant 0 : i32
    %c0_i32_0 = arith.constant 0 : i32
    %c0_i32_1 = arith.constant 0 : i32
    return %c0_i32, %c0_i32_0 : i32, i32
  }
}

</mosaic_0001>

<sc_bundles>
// kernel: kernel.5.cloned.1.call-start
scs
__scs_entry_jumppad:
0x0: {  	(pc) =	sbr.rel $0x88, $3  }
0x1: {  	(tag) =	ssettag $0x0;
	lr =	simm.s32 $0x1  }
0x2: {  	[smem:$0x3F92] =	sst lr;
	_ =	strace $0xD0000000  }
0x3: {  	_ = 	snop  }
0x4: {  	_ = 	snop  }
0x5: {  	_ = 	snop  }
0x6: {  	_ = 	snop  }
0x7: {  	_ = 	snop  }
__scs_overlays_trampoline_lowered:
0x8: {  	[smem:$0x3FA1] =	sst s0  }
0x9: {  	[smem:$0x3FA2] =	sst s1  }
0xa: {  	[smem:$0x3FA3] =	sst s2  }
0xb: {  	[smem:$0x3FA4] =	sst s3  }
0xc: {  	[smem:$0x3FA5] =	sst s4  }
0xd: {  	[smem:$0x3FA6] =	sst s5  }
0xe: {  	[smem:$0x3FA7] =	sst s6  }
0xf: {  	[smem:$0x3FA8] =	sst s7  }
0x10: {  	[smem:$0x3FA9] =	sst s8  }
0x11: {  	[smem:$0x3FAA] =	sst s9;
	s0 =	simm.s32 @!p0 $0x0  }
0x12: {  	s1 =	sld [smem:$0x3F90];
	s0 =	simm.s32 @p0 $0x1  }
0x13: {  	[smem:$0x3FAB] =	sst s0;
	s0 =	simm.s32 @!p1 $0x0  }
0x14: {  	s2 =	sld [smem:$0x3F8F];
	s0 =	simm.s32 @p1 $0x1  }
0x15: {  	[smem:$0x3FAC] =	sst s0;
	s0 =	simm.s32 @!p2 $0x0  }
0x16: {  	s3 =	sld [smem:$0x3FDB];
	s0 =	simm.s32 @p2 $0x1  }
0x17: {  	s4 =	simm.s32 $0x1BF5;
	[smem:$0x3FAE] =	sst s0  }
0x18: {  	s0 =	sld [smem:$0x3F91];
	_ =	swait.ge [sflag:s4], $0x0  }
0x19: {  	s7 =	sld [smem:$0x3F92]  }
0x1a: {  	s8 =	sadd.s32 $0xFFFFE003, lr  }
0x1b: {  	s9 =	sadd.s32 $0xFFFFFEF7, lr;
	s5 =	simm.s32 $0xFFFFFFFF;
	p2 =	slt.u32 s8, $0xFFFFF086  }
0x1c: {  	p1 =	slt.u32 s9, $0xF7A;
	s5 =	simm.s32 @!p2 $0x0  }
0x1d: {  	s5 =	simm.s32 @p1 $0x1;
	p0 =	seq.s32 s7, s2  }
0x1e: {  	s7 =	smul.u32 @!p0 $0xF7A, s2;
	p2 =	seq.s32 @!p0 s5, $0x0  }
0x1f: {  	s9 =	smul.u32 $0xF7A, s1;
	s8 =	simm.s32 @!p0 $0x1BF5;
	p2 =	por !p2, p0  }
0x20: {  	[sflag:s8] =	ssyncset.s32 @!p0 $0xFFFFF086;
	s6 =	sadd.s32 @!p0 s3, s7;
	s7 =	simm.s32 @!p0 $0x108  }
0x21: {  	s3 =	sadd.s32 s3, s9;
	s6 =	sadd.s32 @!p0 $0x88, s6;
	s7 =	simm.s32 @p2 $0x1082  }
0x22: {  	[simem:s7], [sflag:s8] =	dma.local @!p0 [hbm:s6], $0xF7A  }
0x23: {  	s9 =	sor.u32 $0xD0000000, s2;
	s6 =	simm.s32 $0x108;
	_ =	swait.ge @!p0 [sflag:s8], $0x0  }
0x24: {  	s3 =	sadd.s32 $0x88, s3;
	s6 =	simm.s32 @!p1 $0x1082;
	[sflag:s4] =	ssyncset.s32 $0xFFFFF086  }
0x25: {  	[simem:s6], [sflag:s4] =	dma.local [hbm:s3], $0xF7A  }
0x26: {  	[smem:$0x3F92] =	sst s1;
	(tag) =	ssettag s2;
	_ =	strace s9  }
0x27: {  	s1 =	sld [smem:$0x3FA2]  }
0x28: {  	s2 =	sld [smem:$0x3FA3]  }
0x29: {  	s4 =	sld [smem:$0x3FA5]  }
0x2a: {  	p0 =	seq.s32 s5, $0x0;
	s5 =	sld [smem:$0x3FA6]  }
0x2b: {  	s6 =	sld [smem:$0x3FA7]  }
0x2c: {  	s7 =	sld [smem:$0x3FA8]  }
0x2d: {  	s3 =	simm.s32 $0x108;
	s8 =	sld [smem:$0x3FA9]  }
0x2e: {  	s3 =	simm.s32 @!p0 $0x1082;
	s9 =	sld [smem:$0x3FAA]  }
0x2f: {  	lr =	sadd.s32 s0, s3;
	s0 =	sld [smem:$0x3FA1]  }
0x30: {  	s3 =	sld [smem:$0x3FA4]  }
0x31: {  	[smem:$0x3FAD] =	sst s10  }
0x32: {  	s10 =	sld [smem:$0x3FAB];
	_ =	sdelay $0x3  }
0x33: {  	p0 =	seq.s32 s10, $0x1;
	s10 =	sld [smem:$0x3FAD];
	_ =	sdelay $0x3  }
0x34: {  	[smem:$0x3FAD] =	sst s10  }
0x35: {  	s10 =	sld [smem:$0x3FAC];
	_ =	sdelay $0x3  }
0x36: {  	p1 =	seq.s32 s10, $0x1;
	s10 =	sld [smem:$0x3FAD];
	_ =	sdelay $0x3  }
0x37: {  	[smem:$0x3FAD] =	sst s10  }
0x38: {  	s10 =	sld [smem:$0x3FAE]  }
0x39: {  	_ = 	snop;
	(pc) =	sbr.ind lr, $3  }
0x3a: {  	_ = 	snop  }
0x3b: {  	_ = 	snop  }
0x3c: {  	p2 =	seq.s32 s10, $0x1;
	s10 =	sld [smem:$0x3FAD]  }
0x3d: {  	_ =	shalt  }
0x3e: {  	_ =	shalt  }
0x3f: {  	_ =	shalt  }
0x40: {  	_ =	shalt  }
0x41: {  	_ =	shalt  }
0x42: {  	_ =	shalt  }
0x43: {  	_ =	shalt  }
0x44: {  	_ =	shalt  }
0x45: {  	_ =	shalt  }
0x46: {  	_ =	shalt  }
0x47: {  	_ =	shalt  }
0x48: {  	_ =	shalt  }
0x49: {  	_ =	shalt  }
0x4a: {  	_ =	shalt  }
0x4b: {  	_ =	shalt  }
0x4c: {  	_ =	shalt  }
0x4d: {  	_ =	shalt  }
0x4e: {  	_ =	shalt  }
0x4f: {  	_ =	shalt  }
0x50: {  	_ =	shalt  }
0x51: {  	_ =	shalt  }
0x52: {  	_ =	shalt  }
0x53: {  	_ =	shalt  }
0x54: {  	_ =	shalt  }
0x55: {  	_ =	shalt  }
0x56: {  	_ =	shalt  }
0x57: {  	_ =	shalt  }
0x58: {  	_ =	shalt  }
0x59: {  	_ =	shalt  }
0x5a: {  	_ =	shalt  }
0x5b: {  	_ =	shalt  }
0x5c: {  	_ =	shalt  }
0x5d: {  	_ =	shalt  }
0x5e: {  	_ =	shalt  }
0x5f: {  	_ =	shalt  }
0x60: {  	_ =	shalt  }
0x61: {  	_ =	shalt  }
0x62: {  	_ =	shalt  }
0x63: {  	_ =	shalt  }
0x64: {  	_ =	shalt  }
0x65: {  	_ =	shalt  }
0x66: {  	_ =	shalt  }
0x67: {  	_ =	shalt  }
0x68: {  	_ =	shalt  }
0x69: {  	_ =	shalt  }
0x6a: {  	_ =	shalt  }
0x6b: {  	_ =	shalt  }
0x6c: {  	_ =	shalt  }
0x6d: {  	_ =	shalt  }
0x6e: {  	_ =	shalt  }
0x6f: {  	_ =	shalt  }
0x70: {  	_ =	shalt  }
0x71: {  	_ =	shalt  }
0x72: {  	_ =	shalt  }
0x73: {  	_ =	shalt  }
0x74: {  	_ =	shalt  }
0x75: {  	_ =	shalt  }
0x76: {  	_ =	shalt  }
0x77: {  	_ =	shalt  }
0x78: {  	_ =	shalt  }
0x79: {  	_ =	shalt  }
0x7a: {  	_ =	shalt  }
0x7b: {  	_ =	shalt  }
0x7c: {  	_ =	shalt  }
0x7d: {  	_ =	shalt  }
0x7e: {  	_ =	shalt  }
0x7f: {  	_ =	shalt  }
0x80: {  	_ =	shalt  }
0x81: {  	_ =	shalt  }
0x82: {  	_ =	shalt  }
0x83: {  	_ =	shalt  }
0x84: {  	_ =	shalt  }
0x85: {  	_ =	shalt  }
0x86: {  	_ =	shalt  }
0x87: {  	_ =	shalt  }
.Lfunc_end0:
.L_simem_size_0:
called_computation_lowered:
.L_overlay_start_0:
0x88: {  	s2 =	sld [smem:$0x3FD9]  }
0x89: {  	s3 =	sld [smem:$0x3FFE];
	_ =	sdelay $0x1  }
0x8a: {  	s1 =	srdreg.scid  }
0x8b: {  	s0 =	sand.u32 $0x1, s1  }
0x8c: {  	s16 =	sshll.u32 s0, $0xA;
	s2 =	sadd.s32 s3, s2  }
0x8d: {  	s2 =	sadd.s32 s2, s16  }
0x8e: {  	[smem:$0x3FB9] =	sst s2  }
0x8f: {  	_ = 	snop  }
0x90: {  	(tm) =	ssettm $0x1  }
0x91: {  	s17 =	sld [smem:$0x3FFB];
	_ =	sdelay $0x3  }
0x92: {  	_ =	strace s17  }
0x93: {  	s2 =	sld [smem:$0x3FFC];
	_ =	sdelay $0x3  }
0x94: {  	_ =	strace s2  }
0x95: {  	s2 =	sld [smem:$0x3FFD];
	_ =	sdelay $0x3  }
0x96: {  	_ =	strace s2  }
0x97: {  	_ =	strace $0x8FFFFFFF  }
0x98: {  	s18 =	sld [smem:$0x3FDB];
	_ =	sdelay $0x1  }
0x99: {  	s19 =	simm.s32 $_scs_section_size  }
0x9a: {  	s4 =	simm.s32 $_size__tile_overlayer_lowered;
	s5 =	simm.s32 $_tile_overlayer_lowered  }
0x9b: {  	s22 =	simm.s32 $0x1BFF;
	s21 =	sshll.u32 s5, $0x1;
	s2 =	sadd.s32 s19, s18  }
0x9c: {  	s6 =	simm.s32 $0x0;
	s20 =	sshll.u32 s4, $0x1;
	s4 =	sadd.s32 s21, s2  }
0x9d: {  	[timem:s6], [sflag:s22] =	dma.local [hbm:s4], s20  }
0x9e: {  	_ =	swait.ge [sflag:s22], s20  }
0x9f: {  	s3 =	ssub.s32 $0x0, s20;
	[sflag:s22] =	ssyncset.done $0x0  }
0xa0: {  	[sflag:s22] =	ssyncadd.s32 s3;
	_ =	sdelay $0x1  }
0xa1: {  	s23 =	simm.s32 $0x1B8B  }
0xa2: {  	_ =	swait.ge [sflag:s23], $0x1  }
0xa3: {  	[sflag:s23] =	ssyncset.done $0x0  }
0xa4: {  	s25 =	simm.s32 $0x1B8E;
	s24 =	sld [smem:$0x3FFE];
	[sflag:s23] =	ssyncadd.s32 $0xFFFFFFFF  }
0xa5: {  	s26 =	simm.s32 $execute0_lowered;
	[smem:$0x3FD2] =	sst s25  }
0xa6: {  	s4 =	sshll.u32 s26, $0x1;
	_ =	strace $0x80000046;
	[dreg:$0x1] =	wrdreg $0xFFFFFFFF  }
0xa7: {  	s28 =	simm.s32 $_size_execute0_lowered;
	s2 =	sadd.s32 s2, s4;
	[dreg:$0x0] =	wrdreg $0x0  }
0xa8: {  	s4 =	sshll.u32 s28, $0x1;
	[dreg:$0x2] =	wrdreg s2  }
0xa9: {  	[dreg:$0x3] =	wrdreg s4  }
0xaa: {  	[dreg:$0x4] =	wrdreg $0xC0  }
0xab: {  	_ =	task [dreg:s6], $0x5FFFF  }
0xac: {  	[dreg:$0x1] =	wrdreg $0xFFFFFFFF  }
0xad: {  	[dreg:$0x0] =	wrdreg $0x60  }
0xae: {  	[dreg:$0x2] =	wrdreg s24  }
0xaf: {  	[dreg:$0x3] =	wrdreg $0x0  }
0xb0: {  	[dreg:$0x4] =	wrdreg $0x9  }
0xb1: {  	_ =	task.clear_ibuf [dreg:s6], $0x5FFFF;
	_ =	strace $0x90000046  }
0xb2: {  	s29 =	simm.s32 $0x9;
	_ =	strace $0x80000048  }
0xb3: {  	_ =	swait.ge [sflag:s29], $0x1  }
0xb4: {  	[sflag:s29] =	ssyncadd.s32 $0xFFFFFFFF  }
0xb5: {  	_ =	strace $0x90000048  }
0xb6: {  	_ =	sfence  }
0xb7: {  	s30 =	sld [smem:$0x0];
	_ =	sdelay $0x2  }
0xb8: {  	s31 =	sshll.u32 s1, $0xD;
	s1 =	sshrl.u32 s1, $0x2  }
0xb9: {  	s3 =	sand.u32 $0x4000, s31;
	s1 =	sadd.s32 s1, s30  }
0xba: {  	s0 =	sor.u32 s3, s0;
	s1 =	sshll.u32 s1, $0x11  }
0xbb: {  	s0 =	sor.u32 s1, s0  }
0xbc: {  	s0 =	sadd.s32 $0x8F2B, s0  }
0xbd: {  	[sflag:s0] =	ssyncadd.remote.s32 $0x1  }
0xbe: {  	_ =	sfence.sel $0xFFFF  }
0xbf: {  	[dreg:$0x0] =	wrdreg $0xFFFFFFFF;
	(pc) =	sbr.abs _section_cstart, $3  }
0xc0: {  	[dreg:$0x1] =	wrdreg $0xFFFFFFFF  }
0xc1: {  	_ =	task.clear_ibuf [dreg:s6], $0x2FFFF;
	_ =	strace $0x9FFFFFFF  }
0xc2: {  	(tm) =	ssettm $0x7FFFFFFF  }
0xc3: {  	_ =	shalt  }
tec
execute0_lowered:
.L_overlay_start_1:
0x0: {  	(tag) =	ssettag $0x1  }
0x1: {  	s0 =	rddreg [dreg:$0x0]  }
0x2: {  	s1 =	rddreg [dreg:$0x1]  }
0x3: {  	s2 =	srdreg.scid;
	s3 =	simm.s32 $0x0;
	s12 =	stileid.u32  }
0x4: {  	s28 =	simm.s32 $0x3;
	s29 =	simm.s32 $0x50;
	s8 =	smul.u32 $0x13C00, s12  }
0x5: {  	s2 =	sand.u32 $0x1, s2;
	[smem:$0x7FF] =	sst s3;
	s10 =	smul.u32 $0x4F000, s12  }
0x6: {  	s4 =	sadd.s32 $0x1EA00, s0;
	s7 =	smul.u32 $0x13C000, s2;
	s19 =	ssub.s32 $0x2, s2  }
0x7: {  	s5 =	sadd.s32 $0x45C00, s0;
	s6 =	sadd.s32 $0x14C00, s0;
	s11 =	sshrl.u32 s19, $0x1  }
0x8: {  	s10 =	sshrl.u32 s10, $0x2;
	s8 =	sadd.s32 s8, s7;
	s7 =	sadd.s32 $0xAE00, s0  }
0x9: {  	s11 =	ssub.s32 s19, s11;
	s9 =	sshrl.u32 s8, $0x3;
	s8 =	sadd.s32 $0x1000, s0  }
0xa: {  	s26 =	smax.u32 s11, $0x1;
	s0 =	sadd.s32 s9, s0;
	s9 =	sadd.s32 s10, s1  }
0xb: {  	_ =	strace $0x80000047;
	[dreg:$0xb] =	wrdreg s26;
	s10 =	sadd.s32 $0x2800, s9  }
0xc: {  	s30 =	simm.s32 $0x17C80;
	s20 =	sadd.s32 $0x5000, s9;
	[dreg:$0x3] =	wrdreg s10  }
0xd: {  	s31 =	simm.s32 $0x1A480;
	s21 =	sadd.s32 $0x7800, s9;
	[dreg:$0x4] =	wrdreg s20  }
0xe: {  	s12 =	sshll.u32 s12, $0x1;
	s22 =	sadd.s32 $0xA000, s9;
	[dreg:$0x5] =	wrdreg s21  }
0xf: {  	s2 =	sor.u32 s2, s12;
	s23 =	sadd.s32 $0xC800, s9;
	[dreg:$0x6] =	wrdreg s22  }
0x10: {  	s17 =	smul.u32 $0x2710, s2;
	s24 =	sadd.s32 $0xF000, s9;
	[dreg:$0x7] =	wrdreg s23  }
0x11: {  	s2 =	simm.s32 $0x15400;
	s25 =	sadd.s32 $0x11800, s9;
	[dreg:$0x8] =	wrdreg s24  }
0x12: {  	s26 =	simm.s32 $0x2;
	s0 =	sadd.s32 $0x6CE00, s0;
	[dreg:$0x9] =	wrdreg s25  }
0x13: {  	[dreg:$0xa] =	wrdreg s0;
	s20 =	simm.s32 $0x15480;
	s21 =	simm.s32 $0x5  }
0x14: {  	s22 =	simm.s32 $0x13C00;
	s23 =	simm.s32 $0x14400;
	s24 =	simm.s32 $0x14C00  }
0x15: {  	v0 =	vimm.f32 $0.0e+00;
	s25 =	simm.s32 $0x1;
	s0 =	simm.s32 $0x1CC80;
	s10 =	simm.s32 $0x4  }
.LBB2_1:
0x16: {  	s11 =	simm.s32 $0x0;
	s12 =	simm.s32 $0x200  }
.LBB2_2:
0x17: {  	p0 =	sne.s32 s12, $0x9E00;
	[tilespmem:s11+$0x154F0] =	vst v0  }
0x18: {  	[tilespmem:s11+$0x15480] =	vst v0  }
0x19: {  	[tilespmem:s11+$0x15490] =	vst v0  }
.Ltmp0:
0x1a: {  	[tilespmem:s11+$0x154A0] =	vst v0;
	(pc) =	sbr.rel @p0 .LBB2_2-.Ltmp0, $4  }
0x1b: {  	[tilespmem:s11+$0x154B0] =	vst v0  }
0x1c: {  	[tilespmem:s11+$0x154C0] =	vst v0  }
0x1d: {  	[tilespmem:s11+$0x154D0] =	vst v0  }
0x1e: {  	[tilespmem:s11+$0x154E0] =	vst v0;
	s11 =	sshra.s32 s12, $0x2;
	s12 =	sadd.s32 $0x200, s12  }
0x1f: {  	[tilespmem:s11+$0x154F0] =	vst v0  }
0x20: {  	[tilespmem:s11+$0x15480] =	vst v0  }
0x21: {  	[tilespmem:s11+$0x15490] =	vst v0  }
0x22: {  	[tilespmem:s11+$0x154A0] =	vst v0  }
0x23: {  	[tilespmem:s11+$0x154B0] =	vst v0  }
0x24: {  	[tilespmem:s11+$0x154C0] =	vst v0  }
0x25: {  	[tilespmem:s11+$0x154D0] =	vst v0  }
0x26: {  	[tilespmem:s11+$0x154E0] =	vst v0  }
0x27: {  	[spmem:s9] =	stream.linear.scatter [tilespmem:s20], [sflag:$0x5], $0x2800, $0x38;
	[tilespmem:$0x1F480] =	vst v63  }
0x28: {  	_ =	swait.ge [sflag:s21], $0x2800  }
0x29: {  	[sflag:s21] =	ssyncset.done $0x0  }
0x2a: {  	s12 =	rddreg [dreg:$0x3];
	[sflag:s21] =	ssyncadd.s32 $0xFFFFD800  }
0x2b: {  	[spmem:s12] =	stream.linear.scatter [tilespmem:s20], [sflag:$0x5], $0x2800, $0x38;
	[tilespmem:$0x1F480] =	vst v63  }
0x2c: {  	_ =	swait.ge [sflag:s21], $0x2800  }
0x2d: {  	[sflag:s21] =	ssyncset.done $0x0  }
0x2e: {  	s13 =	rddreg [dreg:$0x4];
	[sflag:s21] =	ssyncadd.s32 $0xFFFFD800  }
0x2f: {  	[spmem:s13] =	stream.linear.scatter [tilespmem:s20], [sflag:$0x5], $0x2800, $0x38;
	[tilespmem:$0x1F480] =	vst v63  }
0x30: {  	_ =	swait.ge [sflag:s21], $0x2800  }
0x31: {  	[sflag:s21] =	ssyncset.done $0x0  }
0x32: {  	s14 =	rddreg [dreg:$0x5];
	[sflag:s21] =	ssyncadd.s32 $0xFFFFD800  }
0x33: {  	[spmem:s14] =	stream.linear.scatter [tilespmem:s20], [sflag:$0x5], $0x2800, $0x38;
	[tilespmem:$0x1F480] =	vst v63  }
0x34: {  	_ =	swait.ge [sflag:s21], $0x2800  }
0x35: {  	[sflag:s21] =	ssyncset.done $0x0  }
0x36: {  	s15 =	rddreg [dreg:$0x6];
	[sflag:s21] =	ssyncadd.s32 $0xFFFFD800  }
0x37: {  	[spmem:s15] =	stream.linear.scatter [tilespmem:s20], [sflag:$0x5], $0x2800, $0x38;
	[tilespmem:$0x1F480] =	vst v63  }
0x38: {  	_ =	swait.ge [sflag:s21], $0x2800  }
0x39: {  	[sflag:s21] =	ssyncset.done $0x0  }
0x3a: {  	s16 =	rddreg [dreg:$0x7];
	[sflag:s21] =	ssyncadd.s32 $0xFFFFD800  }
0x3b: {  	[spmem:s16] =	stream.linear.scatter [tilespmem:s20], [sflag:$0x5], $0x2800, $0x38;
	[tilespmem:$0x1F480] =	vst v63  }
0x3c: {  	_ =	swait.ge [sflag:s21], $0x2800  }
0x3d: {  	[sflag:s21] =	ssyncset.done $0x0  }
0x3e: {  	s18 =	rddreg [dreg:$0x8];
	[sflag:s21] =	ssyncadd.s32 $0xFFFFD800  }
0x3f: {  	[spmem:s18] =	stream.linear.scatter [tilespmem:s20], [sflag:$0x5], $0x2800, $0x38;
	[tilespmem:$0x1F480] =	vst v63  }
0x40: {  	_ =	swait.ge [sflag:s21], $0x2800  }
0x41: {  	[sflag:s21] =	ssyncset.done $0x0  }
0x42: {  	s19 =	rddreg [dreg:$0x9];
	[sflag:s21] =	ssyncadd.s32 $0xFFFFD800  }
0x43: {  	[spmem:s19] =	stream.linear.scatter [tilespmem:s20], [sflag:$0x5], $0x2400, $0x38;
	[tilespmem:$0x1F480] =	vst v63  }
0x44: {  	_ =	swait.ge [sflag:s21], $0x2400  }
0x45: {  	[sflag:s21] =	ssyncset.done $0x0  }
0x46: {  	[sflag:s21] =	ssyncadd.s32 $0xFFFFDC00  }
0x47: {  	s11 =	simm.s32 $0x0;
	s12 =	simm.s32 $0x0;
	[bflag:$0x0] =	sbarrier.arrive $0xFFFF  }
.LBB2_4:
0x48: {  	s13 =	smul.u32 $0x7D0, s12;
	_ =	sdelay $0x1  }
0x49: {  	s13 =	sadd.s32 s17, s13  }
0x4a: {  	s13 =	sshrl.u32 s13, $0x3  }
0x4b: {  	s14 =	sadd.s32 s6, s13  }
0x4c: {  	[tilespmem:s22], [sflag:$0x1] =	stream.linear.gather [hbm4b:s14+s11], $0x7D0, $0x38;
	[tilespmem:$0x1F480] =	vst v63  }
0x4d: {  	s19 =	sadd.s32 s7, s13  }
0x4e: {  	[tilespmem:s23], [sflag:$0x2] =	stream.linear.gather [hbm4b:s19+s11], $0x7D0, $0x38;
	[tilespmem:$0x1F480] =	vst v63  }
0x4f: {  	s13 =	sadd.s32 s8, s13  }
0x50: {  	[tilespmem:s24], [sflag:$0x3] =	stream.linear.gather [hbm4b:s13+s11], $0x7D0, $0x38;
	[tilespmem:$0x1F480] =	vst v63  }
0x51: {  	_ =	swait.ge [sflag:s25], $0x7D0  }
0x52: {  	[sflag:s25] =	ssyncset.done $0x0  }
0x53: {  	[sflag:s25] =	ssyncadd.s32 $0xFFFFF830  }
0x54: {  	_ =	swait.ge [sflag:s26], $0x7D0  }
0x55: {  	[sflag:s26] =	ssyncset.done $0x0  }
0x56: {  	[sflag:s26] =	ssyncadd.s32 $0xFFFFF830  }
0x57: {  	_ =	swait.ge [sflag:s28], $0x7D0  }
0x58: {  	[sflag:s28] =	ssyncset.done $0x0  }
0x59: {  	[sflag:s28] =	ssyncadd.s32 $0xFFFFF830  }
0x5a: {  	[tilespmem:s20], [sflag:$0x1] =	stream.indirect.gather [hbm4b:s4+s29], $0x80, s22, s29, $0xb8;
	[tilespmem:$0x1F480] =	vst v63  }
0x5b: {  	s13 =	simm.s32 $0x0  }
0x5c: {  	[tilespmem:s30], [sflag:$0x2] =	stream.indirect.gather [hbm4b:s5+s29], $0x80, s23, s29, $0xb8;
	[tilespmem:$0x1F480] =	vst v63  }
.LBB2_5:
0x5d: {  	s14 =	smul.u32 $0xA0, s13;
	_ =	sdelay $0x1  }
0x5e: {  	s15 =	sadd.s32 $0x13C50, s14  }
0x5f: {  	[tilespmem:s31], [sflag:$0x3] =	stream.indirect.gather [hbm4b:s4+s29], $0x80, s15, s29, $0xb8;
	[tilespmem:$0x1F480] =	vst v63  }
0x60: {  	s19 =	sadd.s32 $0x14450, s14  }
0x61: {  	[tilespmem:s0], [sflag:$0x4] =	stream.indirect.gather [hbm4b:s5+s29], $0x80, s19, s29, $0xb8;
	[tilespmem:$0x1F480] =	vst v63  }
0x62: {  	_ =	swait.ge [sflag:s25], $0x2800  }
0x63: {  	[sflag:s25] =	ssyncset.done $0x0  }
0x64: {  	[sflag:s25] =	ssyncadd.s32 $0xFFFFD800  }
0x65: {  	_ =	swait.ge [sflag:s26], $0x2800  }
0x66: {  	[sflag:s26] =	ssyncset.done $0x0  }
0x67: {  	s16 =	simm.s32 $0xF0;
	[sflag:s26] =	ssyncadd.s32 $0xFFFFD800  }
0x68: {  	v7 =	vld [tilespmem:s16+$0x17B90]  }
0x69: {  	v8 =	vld [tilespmem:s16+$0x17BA0]  }
0x6a: {  	v9 =	vld [tilespmem:s16+$0x17BB0]  }
0x6b: {  	v10 =	vld [tilespmem:s16+$0x17BC0]  }
0x6c: {  	v11 =	vld [tilespmem:s16+$0x17BD0]  }
0x6d: {  	v12 =	vld [tilespmem:s16+$0x17BE0]  }
0x6e: {  	v13 =	vld [tilespmem:s16+$0x17BF0]  }
0x6f: {  	v14 =	vld [tilespmem:s16+$0x17C00]  }
0x70: {  	v15 =	vld [tilespmem:s16+$0x17C10]  }
0x71: {  	v16 =	vld [tilespmem:s16+$0x17C20]  }
0x72: {  	v6 =	vld [tilespmem:s16+$0x17C30]  }
0x73: {  	v5 =	vld [tilespmem:s16+$0x17C40]  }
0x74: {  	v4 =	vld [tilespmem:s16+$0x17C50]  }
0x75: {  	v17 =	vld [tilespmem:s16+$0x15390]  }
0x76: {  	v18 =	vld [tilespmem:s16+$0x153A0]  }
0x77: {  	v3 =	vld [tilespmem:s16+$0x17C60]  }
0x78: {  	v19 =	vld [tilespmem:s16+$0x153B0]  }
0x79: {  	v20 =	vld [tilespmem:s16+$0x153C0]  }
0x7a: {  	v2 =	vld [tilespmem:s16+$0x17C70];
	v7 =	vadd.f32 v7, v17  }
0x7b: {  	v21 =	vld [tilespmem:s16+$0x153D0];
	v8 =	vadd.f32 v8, v18  }
0x7c: {  	v60 =	vld [tilespmem:s16+$0x153E0];
	v7 =	vmax.f32 v7, $0.0e+00  }
0x7d: {  	v1 =	vld [tilespmem:s16+$0x17C80];
	v8 =	vmax.f32 v8, $0.0e+00;
	[tilespmem:s16+$0x15390] =	vst v7;
	v7 =	vadd.f32 v9, v19  }
0x7e: {  	v22 =	vld [tilespmem:s16+$0x153F0];
	[tilespmem:s16+$0x153A0] =	vst v8;
	v8 =	vadd.f32 v10, v20  }
0x7f: {  	v61 =	vld [tilespmem:s16+$0x15400];
	v7 =	vmax.f32 v7, $0.0e+00  }
0x80: {  	v62 =	vld [tilespmem:s16+$0x15410];
	v9 =	vmax.f32 v8, $0.0e+00;
	[tilespmem:s16+$0x153B0] =	vst v7;
	v7 =	vadd.f32 v11, v21  }
0x81: {  	v63 =	vld [tilespmem:s16+$0x15420];
	[tilespmem:s16+$0x153C0] =	vst v9;
	v9 =	vadd.f32 v12, v60  }
0x82: {  	v8 =	vld [tilespmem:s16+$0x15430];
	v10 =	vmax.f32 v7, $0.0e+00  }
0x83: {  	v7 =	vld [tilespmem:s16+$0x15440];
	v11 =	vmax.f32 v9, $0.0e+00;
	[tilespmem:s16+$0x153D0] =	vst v10;
	v10 =	vadd.f32 v13, v22  }
0x84: {  	v9 =	vld [tilespmem:s16+$0x15450];
	[tilespmem:s16+$0x153E0] =	vst v11;
	v11 =	vadd.f32 v14, v61  }
0x85: {  	v13 =	vadd.f32 v15, v62;
	v12 =	vmax.f32 v10, $0.0e+00;
	v10 =	vld [tilespmem:s16+$0x15460]  }
0x86: {  	s18 =	simm.s32 $0x7C0;
	s15 =	sadd.s32 $0x50, s14;
	v14 =	vmax.f32 v11, $0.0e+00;
	v11 =	vld [tilespmem:s16+$0x15470];
	[tilespmem:s16+$0x153F0] =	vst v12;
	v12 =	vadd.f32 v16, v63  }
.LBB2_6:
0x87: {  	s19 =	sshra.s32 s18, $0x2;
	p0 =	sne.s32 s18, $0x9FC0;
	[tilespmem:s16+$0x15400] =	vst v14;
	v13 =	vmax.f32 v13, $0.0e+00;
	v6 =	vadd.f32 v6, v8;
	v8 =	vld [tilespmem:s16+$0x15480]  }
0x88: {  	v14 =	vld [tilespmem:s19+$0x17B90];
	[tilespmem:s16+$0x15410] =	vst v13;
	v12 =	vmax.f32 v12, $0.0e+00;
	v5 =	vadd.f32 v5, v7  }
0x89: {  	v7 =	vld [tilespmem:s19+$0x17BA0];
	[tilespmem:s16+$0x15420] =	vst v12;
	v6 =	vmax.f32 v6, $0.0e+00;
	v4 =	vadd.f32 v4, v9  }
0x8a: {  	v9 =	vld [tilespmem:s19+$0x17BB0];
	[tilespmem:s16+$0x15430] =	vst v6;
	v5 =	vmax.f32 v5, $0.0e+00;
	v3 =	vadd.f32 v3, v10  }
0x8b: {  	v10 =	vld [tilespmem:s19+$0x17BC0];
	[tilespmem:s16+$0x15440] =	vst v5;
	v4 =	vmax.f32 v4, $0.0e+00;
	v2 =	vadd.f32 v2, v11  }
0x8c: {  	v11 =	vld [tilespmem:s19+$0x17BD0];
	[tilespmem:s16+$0x15450] =	vst v4;
	v3 =	vmax.f32 v3, $0.0e+00;
	v1 =	vadd.f32 v1, v8  }
0x8d: {  	v8 =	vld [tilespmem:s19+$0x17BE0];
	[tilespmem:s16+$0x15460] =	vst v3;
	v2 =	vmax.f32 v2, $0.0e+00  }
0x8e: {  	v12 =	vld [tilespmem:s19+$0x17BF0];
	[tilespmem:s16+$0x15470] =	vst v2;
	v1 =	vmax.f32 v1, $0.0e+00  }
0x8f: {  	v13 =	vld [tilespmem:s19+$0x17C00];
	[tilespmem:s16+$0x15480] =	vst v1;
	s16 =	smov.u32 s19  }
0x90: {  	v15 =	vld [tilespmem:s16+$0x17C10]  }
0x91: {  	v16 =	vld [tilespmem:s16+$0x17C20]  }
0x92: {  	v6 =	vld [tilespmem:s16+$0x17C30]  }
0x93: {  	v5 =	vld [tilespmem:s16+$0x17C40]  }
0x94: {  	v4 =	vld [tilespmem:s16+$0x17C50]  }
0x95: {  	v3 =	vld [tilespmem:s16+$0x17C60]  }
0x96: {  	v2 =	vld [tilespmem:s16+$0x17C70]  }
0x97: {  	v1 =	vld [tilespmem:s16+$0x17C80]  }
0x98: {  	v17 =	vld [tilespmem:s16+$0x15390]  }
0x99: {  	v18 =	vld [tilespmem:s16+$0x153A0]  }
0x9a: {  	v19 =	vld [tilespmem:s16+$0x153B0]  }
0x9b: {  	v20 =	vld [tilespmem:s16+$0x153C0]  }
0x9c: {  	v21 =	vld [tilespmem:s16+$0x153D0]  }
0x9d: {  	v14 =	vadd.f32 v14, v17;
	v17 =	vld [tilespmem:s16+$0x153E0]  }
0x9e: {  	v7 =	vadd.f32 v7, v18;
	v18 =	vld [tilespmem:s16+$0x153F0]  }
0x9f: {  	v14 =	vmax.f32 v14, $0.0e+00;
	v9 =	vadd.f32 v9, v19;
	v19 =	vld [tilespmem:s16+$0x15400]  }
0xa0: {  	[tilespmem:s16+$0x15390] =	vst v14;
	v7 =	vmax.f32 v7, $0.0e+00;
	v10 =	vadd.f32 v10, v20;
	v14 =	vld [tilespmem:s16+$0x15410]  }
0xa1: {  	[tilespmem:s16+$0x153A0] =	vst v7;
	v7 =	vmax.f32 v9, $0.0e+00;
	v9 =	vadd.f32 v11, v21;
	v11 =	vld [tilespmem:s16+$0x15420]  }
.Ltmp1:
0xa2: {  	[tilespmem:s16+$0x153B0] =	vst v7;
	v7 =	vmax.f32 v10, $0.0e+00;
	v10 =	vadd.f32 v8, v17;
	v8 =	vld [tilespmem:s16+$0x15430];
	(pc) =	sbr.rel @p0 .LBB2_6-.Ltmp1, $4  }
0xa3: {  	[tilespmem:s16+$0x153C0] =	vst v7;
	v9 =	vmax.f32 v9, $0.0e+00;
	v12 =	vadd.f32 v12, v18;
	v7 =	vld [tilespmem:s16+$0x15440]  }
0xa4: {  	[tilespmem:s16+$0x153D0] =	vst v9;
	v10 =	vmax.f32 v10, $0.0e+00;
	v17 =	vadd.f32 v13, v19;
	v9 =	vld [tilespmem:s16+$0x15450]  }
0xa5: {  	[tilespmem:s16+$0x153E0] =	vst v10;
	v12 =	vmax.f32 v12, $0.0e+00;
	v13 =	vadd.f32 v15, v14;
	v10 =	vld [tilespmem:s16+$0x15460]  }
0xa6: {  	s18 =	sadd.s32 $0x400, s18;
	[tilespmem:s16+$0x153F0] =	vst v12;
	v14 =	vmax.f32 v17, $0.0e+00;
	v12 =	vadd.f32 v16, v11;
	v11 =	vld [tilespmem:s16+$0x15470]  }
0xa7: {  	[tilespmem:s16+$0x15400] =	vst v14;
	v13 =	vmax.f32 v13, $0.0e+00;
	v6 =	vadd.f32 v6, v8;
	v8 =	vld [tilespmem:s16+$0x15480]  }
0xa8: {  	[tilespmem:s16+$0x15410] =	vst v13;
	v12 =	vmax.f32 v12, $0.0e+00;
	v5 =	vadd.f32 v5, v7  }
0xa9: {  	[tilespmem:s16+$0x15420] =	vst v12;
	v6 =	vmax.f32 v6, $0.0e+00;
	v4 =	vadd.f32 v4, v9  }
0xaa: {  	[tilespmem:s16+$0x15430] =	vst v6;
	v5 =	vmax.f32 v5, $0.0e+00;
	v3 =	vadd.f32 v3, v10  }
0xab: {  	[tilespmem:s16+$0x15440] =	vst v5;
	v4 =	vmax.f32 v4, $0.0e+00;
	v2 =	vadd.f32 v2, v11  }
0xac: {  	[tilespmem:s16+$0x15450] =	vst v4;
	v3 =	vmax.f32 v3, $0.0e+00;
	v1 =	vadd.f32 v1, v8  }
0xad: {  	[tilespmem:s16+$0x15460] =	vst v3;
	v2 =	vmax.f32 v2, $0.0e+00  }
0xae: {  	[tilespmem:s16+$0x15470] =	vst v2;
	v1 =	vmax.f32 v1, $0.0e+00  }
0xaf: {  	[tilespmem:s16+$0x15480] =	vst v1  }
0xb0: {  	v1 =	vld [tilespmem:s14+$0x14C00];
	_ =	sdelay $0x4  }
0xb1: {  	[tilespmem:$0x15400] =	vst v1  }
0xb2: {  	v1 =	vld [tilespmem:s14+$0x14C10];
	_ =	sdelay $0x4  }
0xb3: {  	[tilespmem:$0x15410] =	vst v1  }
0xb4: {  	v1 =	vld [tilespmem:s14+$0x14C20];
	_ =	sdelay $0x4  }
0xb5: {  	[tilespmem:$0x15420] =	vst v1  }
0xb6: {  	v1 =	vld [tilespmem:s14+$0x14C30];
	_ =	sdelay $0x4  }
0xb7: {  	[tilespmem:$0x15430] =	vst v1  }
0xb8: {  	v1 =	vld [tilespmem:s14+$0x14C40];
	_ =	sdelay $0x4  }
0xb9: {  	[tilespmem:$0x15440] =	vst v1  }
0xba: {  	[spmem:s1] =	stream.indirect.scatter.add.f32 [tilespmem:s20], [sflag:$0x5], $0x80, s2, s29, $0xb8;
	[tilespmem:$0x1F480] =	vst v63  }
0xbb: {  	_ =	swait.ge [sflag:s21], $0x2800  }
0xbc: {  	[sflag:s21] =	ssyncset.done $0x0  }
0xbd: {  	s18 =	sadd.s32 $0x13CA0, s14;
	[sflag:s21] =	ssyncadd.s32 $0xFFFFD800  }
0xbe: {  	[tilespmem:s20], [sflag:$0x1] =	stream.indirect.gather [hbm4b:s4+s29], $0x80, s18, s29, $0xb8;
	[tilespmem:$0x1F480] =	vst v63  }
0xbf: {  	s19 =	sadd.s32 $0x144A0, s14  }
0xc0: {  	[tilespmem:s30], [sflag:$0x2] =	stream.indirect.gather [hbm4b:s5+s29], $0x80, s19, s29, $0xb8;
	[tilespmem:$0x1F480] =	vst v63  }
0xc1: {  	_ =	swait.ge [sflag:s28], $0x2800  }
0xc2: {  	[sflag:s28] =	ssyncset.done $0x0  }
0xc3: {  	[sflag:s28] =	ssyncadd.s32 $0xFFFFD800  }
0xc4: {  	_ =	swait.ge [sflag:s10], $0x2800  }
0xc5: {  	[sflag:s10] =	ssyncset.done $0x0  }
0xc6: {  	s16 =	simm.s32 $0xF0;
	[sflag:s10] =	ssyncadd.s32 $0xFFFFD800  }
0xc7: {  	v7 =	vld [tilespmem:s16+$0x1CB90]  }
0xc8: {  	v8 =	vld [tilespmem:s16+$0x1CBA0]  }
0xc9: {  	v9 =	vld [tilespmem:s16+$0x1CBB0]  }
0xca: {  	v10 =	vld [tilespmem:s16+$0x1CBC0]  }
0xcb: {  	v11 =	vld [tilespmem:s16+$0x1CBD0]  }
0xcc: {  	v12 =	vld [tilespmem:s16+$0x1CBE0]  }
0xcd: {  	v13 =	vld [tilespmem:s16+$0x1CBF0]  }
0xce: {  	v14 =	vld [tilespmem:s16+$0x1CC00]  }
0xcf: {  	v15 =	vld [tilespmem:s16+$0x1CC10]  }
0xd0: {  	v16 =	vld [tilespmem:s16+$0x1CC20]  }
0xd1: {  	v6 =	vld [tilespmem:s16+$0x1CC30]  }
0xd2: {  	v5 =	vld [tilespmem:s16+$0x1CC40]  }
0xd3: {  	v4 =	vld [tilespmem:s16+$0x1CC50]  }
0xd4: {  	v17 =	vld [tilespmem:s16+$0x1A390]  }
0xd5: {  	v18 =	vld [tilespmem:s16+$0x1A3A0]  }
0xd6: {  	v3 =	vld [tilespmem:s16+$0x1CC60]  }
0xd7: {  	v19 =	vld [tilespmem:s16+$0x1A3B0]  }
0xd8: {  	v20 =	vld [tilespmem:s16+$0x1A3C0]  }
0xd9: {  	v2 =	vld [tilespmem:s16+$0x1CC70];
	v7 =	vadd.f32 v7, v17  }
0xda: {  	v21 =	vld [tilespmem:s16+$0x1A3D0];
	v8 =	vadd.f32 v8, v18  }
0xdb: {  	v60 =	vld [tilespmem:s16+$0x1A3E0];
	v7 =	vmax.f32 v7, $0.0e+00  }
0xdc: {  	v1 =	vld [tilespmem:s16+$0x1CC80];
	v8 =	vmax.f32 v8, $0.0e+00;
	[tilespmem:s16+$0x1A390] =	vst v7;
	v7 =	vadd.f32 v9, v19  }
0xdd: {  	v22 =	vld [tilespmem:s16+$0x1A3F0];
	[tilespmem:s16+$0x1A3A0] =	vst v8;
	v8 =	vadd.f32 v10, v20  }
0xde: {  	v61 =	vld [tilespmem:s16+$0x1A400];
	v7 =	vmax.f32 v7, $0.0e+00  }
0xdf: {  	v62 =	vld [tilespmem:s16+$0x1A410];
	v9 =	vmax.f32 v8, $0.0e+00;
	[tilespmem:s16+$0x1A3B0] =	vst v7;
	v7 =	vadd.f32 v11, v21  }
0xe0: {  	v63 =	vld [tilespmem:s16+$0x1A420];
	[tilespmem:s16+$0x1A3C0] =	vst v9;
	v9 =	vadd.f32 v12, v60  }
0xe1: {  	v8 =	vld [tilespmem:s16+$0x1A430];
	v10 =	vmax.f32 v7, $0.0e+00  }
0xe2: {  	v7 =	vld [tilespmem:s16+$0x1A440];
	v11 =	vmax.f32 v9, $0.0e+00;
	[tilespmem:s16+$0x1A3D0] =	vst v10;
	v10 =	vadd.f32 v13, v22  }
0xe3: {  	v9 =	vld [tilespmem:s16+$0x1A450];
	[tilespmem:s16+$0x1A3E0] =	vst v11;
	v11 =	vadd.f32 v14, v61  }
0xe4: {  	v13 =	vadd.f32 v15, v62;
	v12 =	vmax.f32 v10, $0.0e+00;
	v10 =	vld [tilespmem:s16+$0x1A460]  }
0xe5: {  	s18 =	simm.s32 $0x7C0;
	v14 =	vmax.f32 v11, $0.0e+00;
	v11 =	vld [tilespmem:s16+$0x1A470];
	[tilespmem:s16+$0x1A3F0] =	vst v12;
	v12 =	vadd.f32 v16, v63  }
.LBB2_8:
0xe6: {  	s19 =	sshra.s32 s18, $0x2;
	p0 =	sne.s32 s18, $0x9FC0;
	[tilespmem:s16+$0x1A400] =	vst v14;
	v13 =	vmax.f32 v13, $0.0e+00;
	v6 =	vadd.f32 v6, v8;
	v8 =	vld [tilespmem:s16+$0x1A480]  }
0xe7: {  	v14 =	vld [tilespmem:s19+$0x1CB90];
	[tilespmem:s16+$0x1A410] =	vst v13;
	v12 =	vmax.f32 v12, $0.0e+00;
	v5 =	vadd.f32 v5, v7  }
0xe8: {  	v7 =	vld [tilespmem:s19+$0x1CBA0];
	[tilespmem:s16+$0x1A420] =	vst v12;
	v6 =	vmax.f32 v6, $0.0e+00;
	v4 =	vadd.f32 v4, v9  }
0xe9: {  	v9 =	vld [tilespmem:s19+$0x1CBB0];
	[tilespmem:s16+$0x1A430] =	vst v6;
	v5 =	vmax.f32 v5, $0.0e+00;
	v3 =	vadd.f32 v3, v10  }
0xea: {  	v10 =	vld [tilespmem:s19+$0x1CBC0];
	[tilespmem:s16+$0x1A440] =	vst v5;
	v4 =	vmax.f32 v4, $0.0e+00;
	v2 =	vadd.f32 v2, v11  }
0xeb: {  	v11 =	vld [tilespmem:s19+$0x1CBD0];
	[tilespmem:s16+$0x1A450] =	vst v4;
	v3 =	vmax.f32 v3, $0.0e+00;
	v1 =	vadd.f32 v1, v8  }
0xec: {  	v8 =	vld [tilespmem:s19+$0x1CBE0];
	[tilespmem:s16+$0x1A460] =	vst v3;
	v2 =	vmax.f32 v2, $0.0e+00  }
0xed: {  	v12 =	vld [tilespmem:s19+$0x1CBF0];
	[tilespmem:s16+$0x1A470] =	vst v2;
	v1 =	vmax.f32 v1, $0.0e+00  }
0xee: {  	v13 =	vld [tilespmem:s19+$0x1CC00];
	[tilespmem:s16+$0x1A480] =	vst v1;
	s16 =	smov.u32 s19  }
0xef: {  	v15 =	vld [tilespmem:s16+$0x1CC10]  }
0xf0: {  	v16 =	vld [tilespmem:s16+$0x1CC20]  }
0xf1: {  	v6 =	vld [tilespmem:s16+$0x1CC30]  }
0xf2: {  	v5 =	vld [tilespmem:s16+$0x1CC40]  }
0xf3: {  	v4 =	vld [tilespmem:s16+$0x1CC50]  }
0xf4: {  	v3 =	vld [tilespmem:s16+$0x1CC60]  }
0xf5: {  	v2 =	vld [tilespmem:s16+$0x1CC70]  }
0xf6: {  	v1 =	vld [tilespmem:s16+$0x1CC80]  }
0xf7: {  	v17 =	vld [tilespmem:s16+$0x1A390]  }
0xf8: {  	v18 =	vld [tilespmem:s16+$0x1A3A0]  }
0xf9: {  	v19 =	vld [tilespmem:s16+$0x1A3B0]  }
0xfa: {  	v20 =	vld [tilespmem:s16+$0x1A3C0]  }
0xfb: {  	v21 =	vld [tilespmem:s16+$0x1A3D0]  }
0xfc: {  	v14 =	vadd.f32 v14, v17;
	v17 =	vld [tilespmem:s16+$0x1A3E0]  }
0xfd: {  	v7 =	vadd.f32 v7, v18;
	v18 =	vld [tilespmem:s16+$0x1A3F0]  }
0xfe: {  	v14 =	vmax.f32 v14, $0.0e+00;
	v9 =	vadd.f32 v9, v19;
	v19 =	vld [tilespmem:s16+$0x1A400]  }
0xff: {  	[tilespmem:s16+$0x1A390] =	vst v14;
	v7 =	vmax.f32 v7, $0.0e+00;
	v10 =	vadd.f32 v10, v20;
	v14 =	vld [tilespmem:s16+$0x1A410]  }
0x100: {  	[tilespmem:s16+$0x1A3A0] =	vst v7;
	v7 =	vmax.f32 v9, $0.0e+00;
	v9 =	vadd.f32 v11, v21;
	v11 =	vld [tilespmem:s16+$0x1A420]  }
.Ltmp2:
0x101: {  	[tilespmem:s16+$0x1A3B0] =	vst v7;
	v7 =	vmax.f32 v10, $0.0e+00;
	v10 =	vadd.f32 v8, v17;
	v8 =	vld [tilespmem:s16+$0x1A430];
	(pc) =	sbr.rel @p0 .LBB2_8-.Ltmp2, $4  }
0x102: {  	[tilespmem:s16+$0x1A3C0] =	vst v7;
	v9 =	vmax.f32 v9, $0.0e+00;
	v12 =	vadd.f32 v12, v18;
	v7 =	vld [tilespmem:s16+$0x1A440]  }
0x103: {  	[tilespmem:s16+$0x1A3D0] =	vst v9;
	v10 =	vmax.f32 v10, $0.0e+00;
	v17 =	vadd.f32 v13, v19;
	v9 =	vld [tilespmem:s16+$0x1A450]  }
0x104: {  	[tilespmem:s16+$0x1A3E0] =	vst v10;
	v12 =	vmax.f32 v12, $0.0e+00;
	v13 =	vadd.f32 v15, v14;
	v10 =	vld [tilespmem:s16+$0x1A460]  }
0x105: {  	s18 =	sadd.s32 $0x400, s18;
	[tilespmem:s16+$0x1A3F0] =	vst v12;
	v14 =	vmax.f32 v17, $0.0e+00;
	v12 =	vadd.f32 v16, v11;
	v11 =	vld [tilespmem:s16+$0x1A470]  }
0x106: {  	[tilespmem:s16+$0x1A400] =	vst v14;
	v13 =	vmax.f32 v13, $0.0e+00;
	v6 =	vadd.f32 v6, v8;
	v63 =	vld [tilespmem:s16+$0x1A480]  }
0x107: {  	[tilespmem:s16+$0x1A410] =	vst v13;
	v12 =	vmax.f32 v12, $0.0e+00;
	v5 =	vadd.f32 v5, v7  }
0x108: {  	[tilespmem:s16+$0x1A420] =	vst v12;
	v6 =	vmax.f32 v6, $0.0e+00;
	v4 =	vadd.f32 v4, v9  }
0x109: {  	[tilespmem:s16+$0x1A430] =	vst v6;
	v5 =	vmax.f32 v5, $0.0e+00;
	v3 =	vadd.f32 v3, v10  }
0x10a: {  	[tilespmem:s16+$0x1A440] =	vst v5;
	v4 =	vmax.f32 v4, $0.0e+00;
	v2 =	vadd.f32 v2, v11  }
0x10b: {  	[tilespmem:s16+$0x1A450] =	vst v4;
	v3 =	vmax.f32 v3, $0.0e+00;
	v1 =	vadd.f32 v1, v63  }
0x10c: {  	[tilespmem:s16+$0x1A460] =	vst v3;
	v2 =	vmax.f32 v2, $0.0e+00  }
0x10d: {  	[tilespmem:s16+$0x1A470] =	vst v2;
	v1 =	vmax.f32 v1, $0.0e+00  }
0x10e: {  	[tilespmem:s16+$0x1A480] =	vst v1  }
0x10f: {  	v1 =	vld [tilespmem:s15+$0x14C00];
	_ =	sdelay $0x4  }
0x110: {  	[tilespmem:$0x15400] =	vst v1  }
0x111: {  	v1 =	vld [tilespmem:s14+$0x14C60];
	_ =	sdelay $0x4  }
0x112: {  	[tilespmem:$0x15410] =	vst v1  }
0x113: {  	v1 =	vld [tilespmem:s14+$0x14C70];
	_ =	sdelay $0x4  }
0x114: {  	s19 =	sand.u32 $0xFE0, s14;
	[tilespmem:$0x15420] =	vst v1  }
0x115: {  	v1 =	vld [tilespmem:s19+$0x14C80];
	_ =	sdelay $0x4  }
0x116: {  	[tilespmem:$0x15430] =	vst v1  }
0x117: {  	v1 =	vld [tilespmem:s14+$0x14C90];
	_ =	sdelay $0x2  }
0x118: {  	s13 =	sadd.s32 $0x1, s13  }
0x119: {  	p0 =	sne.s32 s13, $0xC  }
.Ltmp3:
0x11a: {  	[tilespmem:$0x15440] =	vst v1;
	(pc) =	sbr.rel @p0 .LBB2_5-.Ltmp3, $4  }
0x11b: {  	[spmem:s1] =	stream.indirect.scatter.add.f32 [tilespmem:s31], [sflag:$0x5], $0x80, s2, s29, $0xb8;
	[tilespmem:$0x1F480] =	vst v63  }
0x11c: {  	_ =	swait.ge [sflag:s21], $0x2800  }
0x11d: {  	[sflag:s21] =	ssyncset.done $0x0  }
0x11e: {  	[sflag:s21] =	ssyncadd.s32 $0xFFFFD800  }
0x11f: {  	_ =	swait.ge [sflag:s25], $0x2800  }
0x120: {  	[sflag:s25] =	ssyncset.done $0x0  }
0x121: {  	[sflag:s25] =	ssyncadd.s32 $0xFFFFD800  }
0x122: {  	_ =	swait.ge [sflag:s26], $0x2800  }
0x123: {  	[sflag:s26] =	ssyncset.done $0x0  }
0x124: {  	s13 =	simm.s32 $0xF0;
	[sflag:s26] =	ssyncadd.s32 $0xFFFFD800  }
0x125: {  	v7 =	vld [tilespmem:s13+$0x17B90]  }
0x126: {  	v8 =	vld [tilespmem:s13+$0x17BA0]  }
0x127: {  	v9 =	vld [tilespmem:s13+$0x17BB0]  }
0x128: {  	v10 =	vld [tilespmem:s13+$0x17BC0]  }
0x129: {  	v11 =	vld [tilespmem:s13+$0x17BD0]  }
0x12a: {  	v12 =	vld [tilespmem:s13+$0x17BE0]  }
0x12b: {  	v13 =	vld [tilespmem:s13+$0x17BF0]  }
0x12c: {  	v14 =	vld [tilespmem:s13+$0x17C00]  }
0x12d: {  	v15 =	vld [tilespmem:s13+$0x17C10]  }
0x12e: {  	v16 =	vld [tilespmem:s13+$0x17C20]  }
0x12f: {  	v6 =	vld [tilespmem:s13+$0x17C30]  }
0x130: {  	v5 =	vld [tilespmem:s13+$0x17C40]  }
0x131: {  	v4 =	vld [tilespmem:s13+$0x17C50]  }
0x132: {  	v17 =	vld [tilespmem:s13+$0x15390]  }
0x133: {  	v18 =	vld [tilespmem:s13+$0x153A0]  }
0x134: {  	v3 =	vld [tilespmem:s13+$0x17C60]  }
0x135: {  	v19 =	vld [tilespmem:s13+$0x153B0]  }
0x136: {  	v20 =	vld [tilespmem:s13+$0x153C0]  }
0x137: {  	v2 =	vld [tilespmem:s13+$0x17C70];
	v7 =	vadd.f32 v7, v17  }
0x138: {  	v21 =	vld [tilespmem:s13+$0x153D0];
	v8 =	vadd.f32 v8, v18  }
0x139: {  	v60 =	vld [tilespmem:s13+$0x153E0];
	v7 =	vmax.f32 v7, $0.0e+00  }
0x13a: {  	v1 =	vld [tilespmem:s13+$0x17C80];
	v8 =	vmax.f32 v8, $0.0e+00;
	[tilespmem:s13+$0x15390] =	vst v7;
	v7 =	vadd.f32 v9, v19  }
0x13b: {  	v22 =	vld [tilespmem:s13+$0x153F0];
	[tilespmem:s13+$0x153A0] =	vst v8;
	v8 =	vadd.f32 v10, v20  }
0x13c: {  	v61 =	vld [tilespmem:s13+$0x15400];
	v7 =	vmax.f32 v7, $0.0e+00  }
0x13d: {  	v62 =	vld [tilespmem:s13+$0x15410];
	v9 =	vmax.f32 v8, $0.0e+00;
	[tilespmem:s13+$0x153B0] =	vst v7;
	v7 =	vadd.f32 v11, v21  }
0x13e: {  	v63 =	vld [tilespmem:s13+$0x15420];
	[tilespmem:s13+$0x153C0] =	vst v9;
	v9 =	vadd.f32 v12, v60  }
0x13f: {  	v8 =	vld [tilespmem:s13+$0x15430];
	v10 =	vmax.f32 v7, $0.0e+00  }
0x140: {  	v7 =	vld [tilespmem:s13+$0x15440];
	v11 =	vmax.f32 v9, $0.0e+00;
	[tilespmem:s13+$0x153D0] =	vst v10;
	v10 =	vadd.f32 v13, v22  }
0x141: {  	v9 =	vld [tilespmem:s13+$0x15450];
	[tilespmem:s13+$0x153E0] =	vst v11;
	v11 =	vadd.f32 v14, v61  }
0x142: {  	v13 =	vadd.f32 v15, v62;
	v12 =	vmax.f32 v10, $0.0e+00;
	v10 =	vld [tilespmem:s13+$0x15460]  }
0x143: {  	s14 =	simm.s32 $0x7C0;
	v14 =	vmax.f32 v11, $0.0e+00;
	v11 =	vld [tilespmem:s13+$0x15470];
	[tilespmem:s13+$0x153F0] =	vst v12;
	v12 =	vadd.f32 v16, v63  }
.LBB2_11:
0x144: {  	s15 =	sshra.s32 s14, $0x2;
	p0 =	sne.s32 s14, $0x9FC0;
	[tilespmem:s13+$0x15400] =	vst v14;
	v13 =	vmax.f32 v13, $0.0e+00;
	v6 =	vadd.f32 v6, v8;
	v8 =	vld [tilespmem:s13+$0x15480]  }
0x145: {  	v14 =	vld [tilespmem:s15+$0x17B90];
	[tilespmem:s13+$0x15410] =	vst v13;
	v12 =	vmax.f32 v12, $0.0e+00;
	v5 =	vadd.f32 v5, v7  }
0x146: {  	v7 =	vld [tilespmem:s15+$0x17BA0];
	[tilespmem:s13+$0x15420] =	vst v12;
	v6 =	vmax.f32 v6, $0.0e+00;
	v4 =	vadd.f32 v4, v9  }
0x147: {  	v9 =	vld [tilespmem:s15+$0x17BB0];
	[tilespmem:s13+$0x15430] =	vst v6;
	v5 =	vmax.f32 v5, $0.0e+00;
	v3 =	vadd.f32 v3, v10  }
0x148: {  	v10 =	vld [tilespmem:s15+$0x17BC0];
	[tilespmem:s13+$0x15440] =	vst v5;
	v4 =	vmax.f32 v4, $0.0e+00;
	v2 =	vadd.f32 v2, v11  }
0x149: {  	v11 =	vld [tilespmem:s15+$0x17BD0];
	[tilespmem:s13+$0x15450] =	vst v4;
	v3 =	vmax.f32 v3, $0.0e+00;
	v1 =	vadd.f32 v1, v8  }
0x14a: {  	v8 =	vld [tilespmem:s15+$0x17BE0];
	[tilespmem:s13+$0x15460] =	vst v3;
	v2 =	vmax.f32 v2, $0.0e+00  }
0x14b: {  	v12 =	vld [tilespmem:s15+$0x17BF0];
	[tilespmem:s13+$0x15470] =	vst v2;
	v1 =	vmax.f32 v1, $0.0e+00  }
0x14c: {  	v13 =	vld [tilespmem:s15+$0x17C00];
	[tilespmem:s13+$0x15480] =	vst v1;
	s13 =	smov.u32 s15  }
0x14d: {  	v15 =	vld [tilespmem:s13+$0x17C10]  }
0x14e: {  	v16 =	vld [tilespmem:s13+$0x17C20]  }
0x14f: {  	v6 =	vld [tilespmem:s13+$0x17C30]  }
0x150: {  	v5 =	vld [tilespmem:s13+$0x17C40]  }
0x151: {  	v4 =	vld [tilespmem:s13+$0x17C50]  }
0x152: {  	v3 =	vld [tilespmem:s13+$0x17C60]  }
0x153: {  	v2 =	vld [tilespmem:s13+$0x17C70]  }
0x154: {  	v1 =	vld [tilespmem:s13+$0x17C80]  }
0x155: {  	v17 =	vld [tilespmem:s13+$0x15390]  }
0x156: {  	v18 =	vld [tilespmem:s13+$0x153A0]  }
0x157: {  	v19 =	vld [tilespmem:s13+$0x153B0]  }
0x158: {  	v20 =	vld [tilespmem:s13+$0x153C0]  }
0x159: {  	v21 =	vld [tilespmem:s13+$0x153D0]  }
0x15a: {  	v14 =	vadd.f32 v14, v17;
	v17 =	vld [tilespmem:s13+$0x153E0]  }
0x15b: {  	v7 =	vadd.f32 v7, v18;
	v18 =	vld [tilespmem:s13+$0x153F0]  }
0x15c: {  	v14 =	vmax.f32 v14, $0.0e+00;
	v9 =	vadd.f32 v9, v19;
	v19 =	vld [tilespmem:s13+$0x15400]  }
0x15d: {  	[tilespmem:s13+$0x15390] =	vst v14;
	v7 =	vmax.f32 v7, $0.0e+00;
	v10 =	vadd.f32 v10, v20;
	v14 =	vld [tilespmem:s13+$0x15410]  }
0x15e: {  	[tilespmem:s13+$0x153A0] =	vst v7;
	v7 =	vmax.f32 v9, $0.0e+00;
	v9 =	vadd.f32 v11, v21;
	v11 =	vld [tilespmem:s13+$0x15420]  }
.Ltmp4:
0x15f: {  	[tilespmem:s13+$0x153B0] =	vst v7;
	v7 =	vmax.f32 v10, $0.0e+00;
	v10 =	vadd.f32 v8, v17;
	v8 =	vld [tilespmem:s13+$0x15430];
	(pc) =	sbr.rel @p0 .LBB2_11-.Ltmp4, $4  }
0x160: {  	[tilespmem:s13+$0x153C0] =	vst v7;
	v9 =	vmax.f32 v9, $0.0e+00;
	v12 =	vadd.f32 v12, v18;
	v7 =	vld [tilespmem:s13+$0x15440]  }
0x161: {  	[tilespmem:s13+$0x153D0] =	vst v9;
	v10 =	vmax.f32 v10, $0.0e+00;
	v17 =	vadd.f32 v13, v19;
	v9 =	vld [tilespmem:s13+$0x15450]  }
0x162: {  	[tilespmem:s13+$0x153E0] =	vst v10;
	v12 =	vmax.f32 v12, $0.0e+00;
	v13 =	vadd.f32 v15, v14;
	v10 =	vld [tilespmem:s13+$0x15460]  }
0x163: {  	s14 =	sadd.s32 $0x400, s14;
	[tilespmem:s13+$0x153F0] =	vst v12;
	v14 =	vmax.f32 v17, $0.0e+00;
	v12 =	vadd.f32 v16, v11;
	v11 =	vld [tilespmem:s13+$0x15470]  }
0x164: {  	[tilespmem:s13+$0x15400] =	vst v14;
	v13 =	vmax.f32 v13, $0.0e+00;
	v6 =	vadd.f32 v6, v8;
	v63 =	vld [tilespmem:s13+$0x15480]  }
0x165: {  	[tilespmem:s13+$0x15410] =	vst v13;
	v12 =	vmax.f32 v12, $0.0e+00;
	v5 =	vadd.f32 v5, v7  }
0x166: {  	[tilespmem:s13+$0x15420] =	vst v12;
	v6 =	vmax.f32 v6, $0.0e+00;
	v4 =	vadd.f32 v4, v9  }
0x167: {  	[tilespmem:s13+$0x15430] =	vst v6;
	v5 =	vmax.f32 v5, $0.0e+00;
	v3 =	vadd.f32 v3, v10  }
0x168: {  	[tilespmem:s13+$0x15440] =	vst v5;
	v4 =	vmax.f32 v4, $0.0e+00;
	v2 =	vadd.f32 v2, v11  }
0x169: {  	[tilespmem:s13+$0x15450] =	vst v4;
	v3 =	vmax.f32 v3, $0.0e+00;
	v1 =	vadd.f32 v1, v63  }
0x16a: {  	[tilespmem:s13+$0x15460] =	vst v3;
	v2 =	vmax.f32 v2, $0.0e+00  }
0x16b: {  	[tilespmem:s13+$0x15470] =	vst v2;
	v1 =	vmax.f32 v1, $0.0e+00  }
0x16c: {  	[tilespmem:s13+$0x15480] =	vst v1  }
0x16d: {  	v1 =	vld [tilespmem:$0x15380]  }
0x16e: {  	v2 =	vld [tilespmem:$0x15390]  }
0x16f: {  	v3 =	vld [tilespmem:$0x153A0]  }
0x170: {  	v4 =	vld [tilespmem:$0x153B0]  }
0x171: {  	v5 =	vld [tilespmem:$0x153C0]  }
0x172: {  	[tilespmem:$0x15400] =	vst v1  }
0x173: {  	[tilespmem:$0x15410] =	vst v2  }
0x174: {  	s12 =	sadd.s32 $0x1, s12;
	[tilespmem:$0x15420] =	vst v3  }
0x175: {  	p0 =	sne.s32 s12, $0x5;
	[tilespmem:$0x15430] =	vst v4  }
.Ltmp5:
0x176: {  	[tilespmem:$0x15440] =	vst v5;
	(pc) =	sbr.rel @p0 .LBB2_4-.Ltmp5, $4  }
0x177: {  	[spmem:s1] =	stream.indirect.scatter.add.f32 [tilespmem:s20], [sflag:$0x5], $0x80, s2, s29, $0xb8;
	[tilespmem:$0x1F480] =	vst v63  }
0x178: {  	_ =	swait.ge [sflag:s21], $0x2800  }
0x179: {  	[sflag:s21] =	ssyncset.done $0x0  }
0x17a: {  	[sflag:s21] =	ssyncadd.s32 $0xFFFFD800  }
0x17b: {  	s11 =	stileid.u32  }
0x17c: {  	[bflag:$0x0] =	sbarrier.arrive $0xFFFF;
	s11 =	sshll.u32 s11, $0x6  }
0x17d: {  	s12 =	sshrl.u32 s9, $0x3;
	s13 =	rddreg [dreg:$0xa];
	s11 =	sor.u32 $0x1C05, s11  }
0x17e: {  	[hbm:s13], [sflag:s11] =	dma.local [spmem:s12], $0x2780  }
0x17f: {  	_ =	swait.ge [sflag:s21], $0x2780  }
0x180: {  	s3 =	sadd.s32 $0x1, s3;
	s19 =	rddreg [dreg:$0xb]  }
0x181: {  	p0 =	sne.s32 s3, s19  }
.Ltmp6:
0x182: {  	_ = 	snop;
	(pc) =	sbr.rel @p0 .LBB2_1-.Ltmp6, $3  }
0x183: {  	_ =	sdelay $0x1  }
0x184: {  	[sflag:s21] =	ssyncset.done $0x0  }
0x185: {  	[sflag:s21] =	ssyncadd.s32 $0xFFFFD880  }
0x186: {  	_ =	sfence.sel $0x180000  }
0x187: {  	[bflag:$0x0] =	sbarrier.arrive $0xFFFF  }
0x188: {  	_ =	strace $0x90000047  }
0x189: {  	s0 =	stileid.u32;
	[bflag:$0x2] =	sbarrier.arrive $0xFFFF  }
0x18a: {  	p0 =	sne.s32 s0, $0x0;
	s0 =	rddreg [dreg:$0x2]  }
0x18b: {  	s0 =	sadd.s32 @!p0 $0x100000, s0  }
0x18c: {  	[sflag:s0] =	ssyncadd.tile.s32 @!p0 $0x1;
	_ =	shalt  }
.Lfunc_end2:
_tile_overlayer_lowered:
.L_overlay_start_2:
0x18d: {  	(tag) =	ssettag $0x2  }
0x18e: {  	s0 =	rddreg [dreg:$0x0];
	s2 =	stileid.u32  }
0x18f: {  	s1 =	rddreg [dreg:$0x1];
	p0 =	sne.s32 s2, $0x0  }
0x190: {  	s3 =	rddreg [dreg:$0x2];
	[bflag:$0x3] =	sbarrier.arrive $0xFFFF;
	s2 =	simm.s32 @!p0 $0x1C05  }
0x191: {  	[timem:s3], [sflag:s2] =	dma.local @!p0 [hbm:s0], s1  }
0x192: {  	s0 =	simm.s32 @!p0 $0x5  }
0x193: {  	_ =	swait.ge @!p0 [sflag:s0], s1  }
0x194: {  	s1 =	ssub.s32 @!p0 $0x0, s1;
	[sflag:s0] =	ssyncset.done @!p0 $0x0  }
0x195: {  	[sflag:s0] =	ssyncadd.s32 @!p0 s1  }
0x196: {  	[bflag:$0x3] =	sbarrier.arrive $0xFFFF  }
0x197: {  	_ =	shalt  }

</sc_bundles>
